<compile_context>
chip_gen: v7x
topology: tpu7x:2x2x1
jax: 0.10.2.dev20260603
libtpu: 0.0.44.dev20260713+nightly
codegen_flags: <defaults>
</compile_context>

<pallas_src>
import functools

import jax
import jax.numpy as jnp
from jax import lax
from jax.experimental import pallas as pl
from jax.experimental.pallas import tpu as pltpu
from jax.experimental.pallas import tpu_sc as plsc

SCALE = 2
IGNORE_THR = 0.7
STRIDES = [32, 16, 8]
ANCHORS = [[10, 13], [16, 30], [33, 23], [30, 61], [62, 45], [59, 119],
           [116, 90], [156, 198], [373, 326]]
ANCH_MASK = [[6, 7, 8], [3, 4, 5], [0, 1, 2]][SCALE]
N_CLASSES = 91
STRIDE = STRIDES[SCALE]
ALL_W = [w / STRIDE for w, h in ANCHORS]
ALL_H = [h / STRIDE for w, h in ANCHORS]
MASK_W = [ALL_W[k] for k in ANCH_MASK]
MASK_H = [ALL_H[k] for k in ANCH_MASK]

A = 3
G = 76
M = 100
N_CH = 5 + N_CLASSES
GG = G * G
C_IOU = float(IGNORE_THR / (1.0 + IGNORE_THR))
BIG = 1e30
ROWCHUNKS = [(0, 24), (24, 24), (48, 24), (72, 4)]
NW = 32
GPAD = 1792
GROWS_PER_W = GPAD // NW


def _bce(x, t):
    return jnp.maximum(x, 0.0) - x * t + jnp.log1p(jnp.exp(-jnp.abs(x)))


def _bce0(x):
    return jnp.maximum(x, 0.0) + jnp.log1p(jnp.exp(-jnp.abs(x)))


def _prep_kernel(lab_ref, labt_ref, ancr_ref, ancc_ref, boxes_ref,
                 boxest_ref, perlab_ref, meta_ref):
    lab = lab_ref[0]
    l0 = lab[:, 0:1]
    tx = lab[:, 1:2] * G
    ty = lab[:, 2:3] * G
    tw = lab[:, 3:4] * G
    th = lab[:, 4:5] * G
    rowsum = jnp.sum(lab, axis=1, keepdims=True)
    n_label = jnp.sum(jnp.where(rowsum > 0.0, 1, 0))
    miota = lax.broadcasted_iota(jnp.int32, (M, 1), 0)
    valid = miota < n_label

    aw = ancr_ref[0:1, :]
    ah = ancr_ref[1:2, :]
    mw = jnp.minimum(tw, aw)
    mh = jnp.minimum(th, ah)
    en = (mw > 0.0) & (mh > 0.0)
    inter = jnp.where(en, mw * mh, 0.0)
    union = tw * th + aw * ah - inter
    iou = inter / union
    maxv = jnp.max(iou, axis=1, keepdims=True)
    kiota = lax.broadcasted_iota(jnp.int32, (M, 9), 1)
    best = jnp.min(jnp.where(iou == maxv, kiota, 9), axis=1, keepdims=True)
    best_n = best % 3
    bmask = ((best == ANCH_MASK[0]) | (best == ANCH_MASK[1])
             | (best == ANCH_MASK[2]))
    cond = valid & bmask

    ti = tx.astype(jnp.int32)
    tj = ty.astype(jnp.int32)
    aa = jnp.where(cond, best_n, 0)
    ii = jnp.where(cond, ti, 0)
    jj = jnp.where(cond, tj, 0)
    flat = aa * GG + jj * G + ii
    cls = l0.astype(jnp.int32)
    key_c = jnp.where(cond, flat, -1)
    pkey_c = jnp.where(cond, flat * 128 + cls, -1)

    tx_r = (labt_ref[0, 1, :] * G)[None, :]
    ty_r = (labt_ref[0, 2, :] * G)[None, :]
    tw_r = (labt_ref[0, 3, :] * G)[None, :]
    th_r = (labt_ref[0, 4, :] * G)[None, :]
    l0_r = labt_ref[0, 0, :][None, :]
    riota = lax.broadcasted_iota(jnp.int32, (1, M), 1)
    valid_r = riota < n_label
    awc = ancc_ref[:, 0:1]
    ahc = ancc_ref[:, 1:2]
    mw_r = jnp.minimum(tw_r, awc)
    mh_r = jnp.minimum(th_r, ahc)
    en_r = (mw_r > 0.0) & (mh_r > 0.0)
    inter_r = jnp.where(en_r, mw_r * mh_r, 0.0)
    union_r = tw_r * th_r + awc * ahc - inter_r
    iou_r = inter_r / union_r
    maxv_r = jnp.max(iou_r, axis=0, keepdims=True)
    kiota_r = lax.broadcasted_iota(jnp.int32, (9, M), 0)
    best_r = jnp.min(jnp.where(iou_r == maxv_r, kiota_r, 9), axis=0,
                     keepdims=True)
    bmask_r = ((best_r == ANCH_MASK[0]) | (best_r == ANCH_MASK[1])
               | (best_r == ANCH_MASK[2]))
    cond_r = valid_r & bmask_r
    ti_r = tx_r.astype(jnp.int32)
    tj_r = ty_r.astype(jnp.int32)
    aa_r = jnp.where(cond_r, best_r % 3, 0)
    flat_r = aa_r * GG + jnp.where(cond_r, tj_r, 0) * G \
        + jnp.where(cond_r, ti_r, 0)
    cls_r = l0_r.astype(jnp.int32)
    key_r = jnp.where(cond_r, flat_r, -1)
    pkey_r = jnp.where(cond_r, flat_r * 128 + cls_r, -1)

    rowm = lax.broadcasted_iota(jnp.int32, (M, M), 0)
    colm = lax.broadcasted_iota(jnp.int32, (M, M), 1)
    eq_later = (key_c == key_r) & (colm > rowm)
    haslater = jnp.max(eq_later.astype(jnp.int32), axis=1, keepdims=True)
    is_last = cond & (haslater == 0)
    eqp_earlier = (pkey_c == pkey_r) & (colm < rowm)
    hasearl = jnp.max(eqp_earlier.astype(jnp.int32), axis=1, keepdims=True)
    is_first = cond & (hasearl == 0)

    txfrac = tx - ti.astype(jnp.float32)
    tyfrac = ty - tj.astype(jnp.float32)
    w0, w1, w2 = MASK_W
    h0, h1, h2 = MASK_H
    ancw = jnp.where(aa == 0, w0, jnp.where(aa == 1, w1, w2))
    anch = jnp.where(aa == 0, h0, jnp.where(aa == 1, h1, h2))
    lw = jnp.log(tw / ancw + 1e-16)
    lh = jnp.log(th / anch + 1e-16)
    sc = jnp.sqrt(2.0 - tw * th / G / G)

    kb = jnp.where(valid, C_IOU * (tw * th), BIG)
    boxes_ref[0] = jnp.concatenate(
        [tx - tw / 2.0, tx + tw / 2.0, ty - th / 2.0, ty + th / 2.0, kb],
        axis=1)
    kb_r = jnp.where(valid_r, C_IOU * (tw_r * th_r), BIG)
    boxest_ref[0] = jnp.concatenate(
        [tx_r - tw_r / 2.0, tx_r + tw_r / 2.0, ty_r - th_r / 2.0,
         ty_r + th_r / 2.0, kb_r], axis=0)
    perlab_ref[0] = jnp.concatenate(
        [txfrac, tyfrac, lw, lh, sc, cls.astype(jnp.float32),
         is_last.astype(jnp.float32), is_first.astype(jnp.float32),
         ii.astype(jnp.float32), jj.astype(jnp.float32), ancw, anch], axis=1)
    b = pl.program_id(0)
    meta_ref[0] = flat + b * (A * GG)


def _sc_gather(table_hbm, idx_hbm, out_hbm, idx_v, rows_v, sem):
    wid = lax.axis_index("s") * 2 + lax.axis_index("c")
    base = wid * GROWS_PER_W
    pltpu.sync_copy(idx_hbm.at[pl.ds(base, GROWS_PER_W)], idx_v)
    pltpu.async_copy(table_hbm.at[idx_v], rows_v, sem).wait()
    pltpu.sync_copy(rows_v, out_hbm.at[pl.ds(base, GROWS_PER_W)])


def _main_kernel(t_ref, rows_in_ref, boxes_sm_ref, boxest_ref, perlab_ref,
                 out_ref):
    dsum = jnp.float32(0.0)
    for a in range(A):
        for (r0, rn) in ROWCHUNKS:
            o0 = t_ref[0, a, 0, r0:r0 + rn, :]
            o1 = t_ref[0, a, 1, r0:r0 + rn, :]
            o2 = t_ref[0, a, 2, r0:r0 + rn, :]
            o3 = t_ref[0, a, 3, r0:r0 + rn, :]
            o4 = t_ref[0, a, 4, r0:r0 + rn, :]
            col = lax.broadcasted_iota(
                jnp.int32, (rn, G), 1).astype(jnp.float32)
            row = lax.broadcasted_iota(
                jnp.int32, (rn, G), 0).astype(jnp.float32) + float(r0)
            px = 1.0 / (1.0 + jnp.exp(-o0)) + col
            py = 1.0 / (1.0 + jnp.exp(-o1)) + row
            pw = jnp.exp(o2) * MASK_W[a]
            ph = jnp.exp(o3) * MASK_H[a]
            pxl = px - pw / 2.0
            pxr = px + pw / 2.0
            pyl = py - ph / 2.0
            pyr = py + ph / 2.0
            thr = C_IOU * (pw * ph)

            def mbody(m, acc, pxl=pxl, pxr=pxr, pyl=pyl, pyr=pyr):
                sxl = boxes_sm_ref[0, m, 0]
                sxr = boxes_sm_ref[0, m, 1]
                syl = boxes_sm_ref[0, m, 2]
                syr = boxes_sm_ref[0, m, 3]
                kb = boxes_sm_ref[0, m, 4]
                dx = jnp.minimum(pxr, sxr) - jnp.maximum(pxl, sxl)
                dy = jnp.minimum(pyr, syr) - jnp.maximum(pyl, syl)
                return jnp.maximum(acc, jnp.maximum(dx, 0.0) * dy - kb)

            acc = lax.fori_loop(0, M, mbody,
                                jnp.full((rn, G), -BIG, dtype=jnp.float32))
            pbest = acc > thr
            dsum += jnp.sum(jnp.where(pbest, 0.0, _bce0(o4)))

    R = rows_in_ref[0]
    plab = perlab_ref[0]
    txf = plab[:, 0:1]
    tyf = plab[:, 1:2]
    lw = plab[:, 2:3]
    lh = plab[:, 3:4]
    sc = plab[:, 4:5]
    clsf = plab[:, 5:6]
    lastf = plab[:, 6:7]
    firstf = plab[:, 7:8]
    if_ = plab[:, 8:9]
    jf_ = plab[:, 9:10]
    ancw = plab[:, 10:11]
    anch = plab[:, 11:12]
    o0 = R[:, 0:1]
    o1 = R[:, 1:2]
    o2 = R[:, 2:3]
    o3 = R[:, 3:4]
    o4 = R[:, 4:5]

    bce_all = jnp.sum(_bce0(R), axis=1, keepdims=True)
    clsbase = bce_all - (_bce0(o0) + _bce0(o1) + _bce0(o2) + _bce0(o3)
                         + _bce0(o4))

    pxg = 1.0 / (1.0 + jnp.exp(-o0)) + if_
    pyg = 1.0 / (1.0 + jnp.exp(-o1)) + jf_
    pwg = jnp.exp(o2) * ancw
    phg = jnp.exp(o3) * anch
    pxlg = pxg - pwg / 2.0
    pxrg = pxg + pwg / 2.0
    pylg = pyg - phg / 2.0
    pyrg = pyg + phg / 2.0
    thrg = C_IOU * (pwg * phg)
    sxlv = boxest_ref[0, 0, :]
    sxrv = boxest_ref[0, 1, :]
    sylv = boxest_ref[0, 2, :]
    syrv = boxest_ref[0, 3, :]
    kbv = boxest_ref[0, 4, :]
    dx = jnp.minimum(pxrg, sxrv) - jnp.maximum(pxlg, sxlv)
    dy = jnp.minimum(pyrg, syrv) - jnp.maximum(pylg, sylv)
    accg = jnp.max(jnp.maximum(dx, 0.0) * dy - kbv, axis=1, keepdims=True)
    pbestg = accg > thrg

    wh = ((o2 * sc - lw * sc) ** 2 + (o3 * sc - lh * sc) ** 2) / 2.0
    corr = (_bce(o4, 1.0) - jnp.where(pbestg, 0.0, _bce0(o4))
            + _bce(o0, txf) + _bce(o1, tyf) + wh + clsbase)

    ch_iota = lax.broadcasted_iota(jnp.int32, (M, N_CH), 1)
    clmask = (ch_iota == (clsf.astype(jnp.int32) + 5)).astype(jnp.float32)
    clsgather = jnp.sum(R * clmask, axis=1, keepdims=True)

    ssum = jnp.sum(lastf * corr) - jnp.sum(firstf * clsgather)
    out_ref[0] = jnp.reshape(dsum + ssum, (1, 1))


@jax.jit
def kernel(output, labels):
    B = output.shape[0]
    output = output.astype(jnp.float32)
    labels = labels.astype(jnp.float32)
    t5 = jnp.transpose(output[..., :5], (0, 1, 4, 2, 3))
    labt = jnp.transpose(labels, (0, 2, 1))
    ancr = jnp.array([ALL_W, ALL_H], dtype=jnp.float32)
    ancc = jnp.array([[w, h] for w, h in zip(ALL_W, ALL_H)],
                     dtype=jnp.float32)

    boxes, boxest, perlab, meta = pl.pallas_call(
        _prep_kernel,
        grid=(B,),
        in_specs=[
            pl.BlockSpec((1, M, 5), lambda b: (b, 0, 0)),
            pl.BlockSpec((1, 5, M), lambda b: (b, 0, 0)),
            pl.BlockSpec((2, 9), lambda b: (0, 0)),
            pl.BlockSpec((9, 2), lambda b: (0, 0)),
        ],
        out_specs=[
            pl.BlockSpec((1, M, 5), lambda b: (b, 0, 0)),
            pl.BlockSpec((1, 5, M), lambda b: (b, 0, 0)),
            pl.BlockSpec((1, M, 12), lambda b: (b, 0, 0)),
            pl.BlockSpec((1, M, 1), lambda b: (b, 0, 0)),
        ],
        out_shape=[
            jax.ShapeDtypeStruct((B, M, 5), jnp.float32),
            jax.ShapeDtypeStruct((B, 5, M), jnp.float32),
            jax.ShapeDtypeStruct((B, M, 12), jnp.float32),
            jax.ShapeDtypeStruct((B, M, 1), jnp.int32),
        ],
    )(labels, labt, ancr, ancc)

    idx = jnp.concatenate(
        [meta.reshape(B * M), jnp.zeros((GPAD - B * M,), jnp.int32)])
    table = output.reshape(B * A * GG, N_CH)
    sc_gather = functools.partial(
        pl.kernel,
        mesh=plsc.VectorSubcoreMesh(core_axis_name="c", subcore_axis_name="s"),
        compiler_params=pltpu.CompilerParams(use_tc_tiling_on_sc=False),
        out_type=jax.ShapeDtypeStruct((GPAD, N_CH), jnp.float32),
        scratch_types=[
            pltpu.VMEM((GROWS_PER_W,), jnp.int32),
            pltpu.VMEM((GROWS_PER_W, N_CH), jnp.float32),
            pltpu.SemaphoreType.DMA,
        ],
    )(_sc_gather)
    gathered = sc_gather(table, idx)
    rows = gathered[:B * M].reshape(B, M, N_CH)

    partial = pl.pallas_call(
        _main_kernel,
        grid=(B,),
        in_specs=[
            pl.BlockSpec((1, A, 5, G, G), lambda b: (b, 0, 0, 0, 0)),
            pl.BlockSpec((1, M, N_CH), lambda b: (b, 0, 0)),
            pl.BlockSpec((1, M, 5), lambda b: (b, 0, 0),
                         memory_space=pltpu.SMEM),
            pl.BlockSpec((1, 5, M), lambda b: (b, 0, 0)),
            pl.BlockSpec((1, M, 12), lambda b: (b, 0, 0)),
        ],
        out_specs=pl.BlockSpec((1, 1, 1), lambda b: (b, 0, 0)),
        out_shape=jax.ShapeDtypeStruct((B, 1, 1), jnp.float32),
    )(t5, rows, boxes, boxest, perlab)

    return jnp.sum(partial[:, 0, 0])

# --- scband reference (transcript-rebuilt; emitter-appended) ---
"""Pipeline reference for scband-yolo-scale-loss-11819749999131 (READ-ONLY COPY).

The authoritative reference and input builder live on the scoring server;
editing this copy changes nothing except your own understanding.
"""

import jax, jax.numpy as jnp
import numpy as np

SCALE = 2
IGNORE_THR = 0.7
STRIDES = [32, 16, 8]
ANCHORS = [[10, 13], [16, 30], [33, 23], [30, 61], [62, 45], [59, 119], [116, 90], [156, 198], [373, 326]]
ANCH_MASK = [[6, 7, 8], [3, 4, 5], [0, 1, 2]][SCALE]
N_CLASSES = 91
STRIDE = STRIDES[SCALE]
ALL_ANCHORS = np.array([[w / STRIDE, h / STRIDE] for w, h in ANCHORS], dtype=np.float32)
MASKED_ANCHORS = ALL_ANCHORS[ANCH_MASK]
REF_ANCHORS = np.zeros((9, 4), dtype=np.float32)
REF_ANCHORS[:, 2:] = ALL_ANCHORS


def _iou(a, b):
    tl = jnp.maximum(a[:, None, :2] - a[:, None, 2:] / 2.0, b[None, :, :2] - b[None, :, 2:] / 2.0)
    br = jnp.minimum(a[:, None, :2] + a[:, None, 2:] / 2.0, b[None, :, :2] + b[None, :, 2:] / 2.0)
    area_a = jnp.prod(a[:, 2:], axis=1)
    area_b = jnp.prod(b[:, 2:], axis=1)
    en = (tl < br).all(axis=2).astype(a.dtype)
    area_i = jnp.prod(br - tl, axis=2) * en
    return area_i / (area_a[:, None] + area_b[None, :] - area_i)


def _build_targets(output, labels):
    B = output.shape[0]
    A = 3
    G = output.shape[2]
    M = labels.shape[1]
    n_ch = 5 + N_CLASSES
    masked_anchors = jnp.asarray(MASKED_ANCHORS)
    ref_anchors = jnp.asarray(REF_ANCHORS)
    anch_mask = jnp.asarray(ANCH_MASK)
    sig = lambda x: 1.0 / (1.0 + jnp.exp(-x))
    px = sig(output[..., 0]) + jnp.arange(G, dtype=jnp.float32)[None, None, None, :]
    py = sig(output[..., 1]) + jnp.arange(G, dtype=jnp.float32)[None, None, :, None]
    pw = jnp.exp(output[..., 2]) * masked_anchors[:, 0].reshape(1, 3, 1, 1)
    ph = jnp.exp(output[..., 3]) * masked_anchors[:, 1].reshape(1, 3, 1, 1)
    pred = jnp.stack([px, py, pw, ph], axis=-1)
    n_label = (labels.sum(axis=2) > 0).sum(axis=1)
    valid = jnp.arange(M)[None, :] < n_label[:, None]
    tx_all = labels[:, :, 1] * G
    ty_all = labels[:, :, 2] * G
    tw_all = labels[:, :, 3] * G
    th_all = labels[:, :, 4] * G
    ti_all = tx_all.astype(jnp.int16)
    tj_all = ty_all.astype(jnp.int16)

    tb_anch = jnp.stack([jnp.zeros_like(tw_all), jnp.zeros_like(th_all), tw_all, th_all], axis=-1)
    aiou = jax.vmap(lambda t: _iou(t, ref_anchors))(tb_anch)
    best_n_all = jnp.argmax(aiou, axis=2)
    best_n = best_n_all % 3
    bmask = (best_n_all[..., None] == anch_mask[None, None, :]).any(axis=-1)

    tb_full = jnp.stack([tx_all, ty_all, tw_all, th_all], axis=-1)

    def _pbest(args):
        pred_b, tb_b, valid_b = args
        pious = _iou(pred_b.reshape(-1, 4), tb_b)
        masked = jnp.where(valid_b[None, :], pious, -jnp.inf)
        return masked.max(axis=1) > IGNORE_THR

    pbest = jax.lax.map(_pbest, (pred, tb_full, valid))
    obj_mask = (~pbest).reshape(B, A, G, G).astype(jnp.float32)

    tgt_mask = jnp.zeros((B, A, G, G, 4 + N_CLASSES), dtype=jnp.float32)
    tgt_scale = jnp.zeros((B, A, G, G, 2), dtype=jnp.float32)
    target = jnp.zeros((B, A, G, G, n_ch), dtype=jnp.float32)
    barr = jnp.arange(B)

    def body(m, carry):
        obj_mask, tgt_mask, tgt_scale, target = carry
        cond = valid[:, m] & bmask[:, m]
        a = jnp.where(cond, best_n[:, m].astype(jnp.int32), 0)
        i = jnp.where(cond, ti_all[:, m].astype(jnp.int32), 0)
        j = jnp.where(cond, tj_all[:, m].astype(jnp.int32), 0)
        tx = tx_all[:, m]
        ty = ty_all[:, m]
        tw = tw_all[:, m]
        th = th_all[:, m]

        old_obj = obj_mask[barr, a, j, i]
        obj_mask = obj_mask.at[barr, a, j, i].set(jnp.where(cond, 1.0, old_obj))

        old_tm = tgt_mask[barr, a, j, i]
        tgt_mask = tgt_mask.at[barr, a, j, i].set(jnp.where(cond[:, None], 1.0, old_tm))

        anc = masked_anchors[a]
        old_t = target[barr, a, j, i]
        newrow = old_t
        newrow = newrow.at[:, 0].set(tx - tx.astype(jnp.int16).astype(jnp.float32))
        newrow = newrow.at[:, 1].set(ty - ty.astype(jnp.int16).astype(jnp.float32))
        newrow = newrow.at[:, 2].set(jnp.log(tw / anc[:, 0] + 1e-16))
        newrow = newrow.at[:, 3].set(jnp.log(th / anc[:, 1] + 1e-16))
        newrow = newrow.at[:, 4].set(1.0)
        cls = labels[:, m, 0].astype(jnp.int16).astype(jnp.int32)
        newrow = newrow.at[barr, 5 + cls].set(1.0)
        target = target.at[barr, a, j, i].set(jnp.where(cond[:, None], newrow, old_t))

        old_s = tgt_scale[barr, a, j, i]
        sc = jnp.sqrt(2.0 - tw * th / G / G)
        tgt_scale = tgt_scale.at[barr, a, j, i].set(jnp.where(cond[:, None], sc[:, None], old_s))
        return obj_mask, tgt_mask, tgt_scale, target

    obj_mask, tgt_mask, tgt_scale, target = jax.lax.fori_loop(
        0, M, body, (obj_mask, tgt_mask, tgt_scale, target))
    target = target.at[..., 2:4].multiply(tgt_scale)
    return target, tgt_scale, obj_mask, tgt_mask


def _bce(x, t):
    return jnp.maximum(x, 0.0) - x * t + jnp.log1p(jnp.exp(-jnp.abs(x)))


def _loss(output, target, tgt_scale, obj_mask, tgt_mask):
    out_wh = output[..., 2:4] * tgt_scale
    loss_xy = jnp.sum(_bce(output[..., 0:2], target[..., 0:2]) * tgt_mask[..., 0:2])
    loss_wh = jnp.sum(((out_wh - target[..., 2:4]) ** 2) * tgt_mask[..., 2:4]) / 2.0
    loss_obj = jnp.sum(_bce(output[..., 4], target[..., 4]) * obj_mask)
    loss_cls = jnp.sum(_bce(output[..., 5:], target[..., 5:]) * tgt_mask[..., 4:])
    return loss_xy + loss_wh + loss_obj + loss_cls


def setup_inputs(seed: int = 0):
    key = jax.random.key(seed)
    k1, k2 = jax.random.split(key)
    B, A, G, n_ch, M = 16, 3, 76, 96, 100
    output = jax.random.normal(k1, (B, A, G, G, n_ch), dtype=jnp.float32)
    labels = jax.random.uniform(k2, (B, M, 5), dtype=jnp.float32, minval=0.0, maxval=1.0)
    return {"output": output, "labels": labels}


def reference(output, labels):
    target, tgt_scale, obj_mask, tgt_mask = _build_targets(
        output.astype(jnp.float32), labels.astype(jnp.float32))
    return _loss(output, target, tgt_scale, obj_mask, tgt_mask)

if __name__ == "__main__":
    import jax
    _d = setup_inputs()
    print(jax.jit(kernel)(*tuple(_d.values())))

</pallas_src>

<mosaic_0001>
#map = affine_map<(d0, d1) -> (0, 0)>
#map1 = affine_map<(d0, d1) -> (0)>
module attributes {stable_mosaic.version = 14 : i64} {
  func.func @_sc_gather(%arg0: i32, %arg1: i32, %arg2: memref<277248x96xf32, #tpu.memory_space<hbm>>, %arg3: memref<1792xi32, #tpu.memory_space<hbm>>, %arg4: memref<1792x96xf32, #tpu.memory_space<hbm>>, %arg5: memref<56xi32, #tpu.memory_space<vmem>>, %arg6: memref<56x96xf32, #tpu.memory_space<vmem>>, %arg7: memref<!tpu.dma_semaphore, #tpu.memory_space<semaphore_mem>>) attributes {dimension_semantics = [#tpu.dimension_semantics<core_parallel>, #tpu.dimension_semantics<subcore_parallel>], iteration_bounds = array<i64: 2, 16>, scalar_prefetch = 0 : i64, scratch_operands = 3 : i64, tpu.core_type = #tpu.core_type<sc_vector_subcore>, window_params = [{transform_indices = #map}, {transform_indices = #map1}, {transform_indices = #map}]} {
    %mul3A = arith.constant 2 : i32
    %mul3A_0 = arith.muli %arg1, %mul3A : i32
    %add3A = arith.addi %mul3A_0, %arg0 : i32
    %mul3A_1 = arith.constant 56 : i32
    %mul3A_2 = arith.muli %add3A, %mul3A_1 : i32
    "tpu.region"() ({
      %run_scoped3A = tpu.sem_alloc : memref<!tpu.dma_semaphore, #tpu.memory_space<semaphore_mem>>
      %dma_start3A_7 = tpu.memref_slice %arg3[%mul3A_2] : memref<1792xi32, #tpu.memory_space<hbm>> -> memref<56xi32, #tpu.memory_space<hbm>>
      %dma_start3A_8 = tpu.memref_slice %arg3[%mul3A_2] : memref<1792xi32, #tpu.memory_space<hbm>> -> memref<56xi32, #tpu.memory_space<hbm>>
      tpu.enqueue_dma source(%dma_start3A_8 : memref<56xi32, #tpu.memory_space<hbm>>) target(%arg5 : memref<56xi32, #tpu.memory_space<vmem>>) target_semaphore(%run_scoped3A : memref<!tpu.dma_semaphore, #tpu.memory_space<semaphore_mem>>)
      %dma_wait3A_9 = tpu.memref_slice %arg3[%mul3A_2] : memref<1792xi32, #tpu.memory_space<hbm>> -> memref<56xi32, #tpu.memory_space<hbm>>
      %dma_wait3A_10 = tpu.memref_slice %arg3[%mul3A_2] : memref<1792xi32, #tpu.memory_space<hbm>> -> memref<56xi32, #tpu.memory_space<hbm>>
      tpu.wait_dma2 semaphore(%run_scoped3A : memref<!tpu.dma_semaphore, #tpu.memory_space<semaphore_mem>>) src(%dma_wait3A_10 : memref<56xi32, #tpu.memory_space<hbm>>) dst(%arg5 : memref<56xi32, #tpu.memory_space<vmem>>)
      tpu.yield
    }) : () -> ()
    %dma_start3A = arith.constant 0 : i32
    %dma_start3A_3 = arith.constant 0 : i32
    %dma_start3A_4 = tpu.memref_slice %arg2[%dma_start3A, %dma_start3A_3] : memref<277248x96xf32, #tpu.memory_space<hbm>> -> memref<277248x96xf32, #tpu.memory_space<hbm>>
    tpu.enqueue_indirect_dma source(%dma_start3A_4 : memref<277248x96xf32, #tpu.memory_space<hbm>>) target(%arg6 : memref<56x96xf32, #tpu.memory_space<vmem>>) offsets(%arg5 : memref<56xi32, #tpu.memory_space<vmem>>) semaphore(%arg7 : memref<!tpu.dma_semaphore, #tpu.memory_space<semaphore_mem>>)
    %dma_wait3A = arith.constant 0 : i32
    %dma_wait3A_5 = arith.constant 0 : i32
    %dma_wait3A_6 = tpu.memref_slice %arg2[%dma_wait3A, %dma_wait3A_5] : memref<277248x96xf32, #tpu.memory_space<hbm>> -> memref<277248x96xf32, #tpu.memory_space<hbm>>
    tpu.wait_indirect_dma semaphore(%arg7 : memref<!tpu.dma_semaphore, #tpu.memory_space<semaphore_mem>>) src(%dma_wait3A_6 : memref<277248x96xf32, #tpu.memory_space<hbm>>) dst(%arg6 : memref<56x96xf32, #tpu.memory_space<vmem>>)
    "tpu.region"() ({
      %run_scoped3A = tpu.sem_alloc : memref<!tpu.dma_semaphore, #tpu.memory_space<semaphore_mem>>
      %dma_start3A_7 = arith.constant 0 : i32
      %dma_start3A_8 = tpu.memref_slice %arg4[%mul3A_2, %dma_start3A_7] : memref<1792x96xf32, #tpu.memory_space<hbm>> -> memref<56x96xf32, #tpu.memory_space<hbm>>
      %dma_start3A_9 = arith.constant 0 : i32
      %dma_start3A_10 = tpu.memref_slice %arg4[%mul3A_2, %dma_start3A_9] : memref<1792x96xf32, #tpu.memory_space<hbm>> -> memref<56x96xf32, #tpu.memory_space<hbm>>
      tpu.enqueue_dma source(%arg6 : memref<56x96xf32, #tpu.memory_space<vmem>>) target(%dma_start3A_10 : memref<56x96xf32, #tpu.memory_space<hbm>>) target_semaphore(%run_scoped3A : memref<!tpu.dma_semaphore, #tpu.memory_space<semaphore_mem>>)
      %dma_wait3A_11 = arith.constant 0 : i32
      %dma_wait3A_12 = tpu.memref_slice %arg4[%mul3A_2, %dma_wait3A_11] : memref<1792x96xf32, #tpu.memory_space<hbm>> -> memref<56x96xf32, #tpu.memory_space<hbm>>
      %dma_wait3A_13 = arith.constant 0 : i32
      %dma_wait3A_14 = tpu.memref_slice %arg4[%mul3A_2, %dma_wait3A_13] : memref<1792x96xf32, #tpu.memory_space<hbm>> -> memref<56x96xf32, #tpu.memory_space<hbm>>
      tpu.wait_dma2 semaphore(%run_scoped3A : memref<!tpu.dma_semaphore, #tpu.memory_space<semaphore_mem>>) src(%arg6 : memref<56x96xf32, #tpu.memory_space<vmem>>) dst(%dma_wait3A_14 : memref<56x96xf32, #tpu.memory_space<hbm>>)
      tpu.yield
    }) : () -> ()
    return
  }
}

module attributes {stable_mosaic.version = 14 : i64} {
  func.func @_prep_kernel(%arg0: i32, %arg1: memref<1x100x5xf32, #tpu.memory_space<vmem>>, %arg2: memref<1x5x100xf32, #tpu.memory_space<vmem>>, %arg3: memref<2x9xf32, #tpu.memory_space<vmem>>, %arg4: memref<9x2xf32, #tpu.memory_space<vmem>>, %arg5: memref<1x100x5xf32, #tpu.memory_space<vmem>>, %arg6: memref<1x5x100xf32, #tpu.memory_space<vmem>>, %arg7: memref<1x100x12xf32, #tpu.memory_space<vmem>>, %arg8: memref<1x100x1xi32, #tpu.memory_space<vmem>>) attributes {dimension_semantics = [#tpu.dimension_semantics<arbitrary>], iteration_bounds = array<i64: 16>, scalar_prefetch = 0 : i64, scratch_operands = 0 : i64, tpu.core_type = #tpu.core_type<tc>, window_params = [{transform_indices = @transform_0, window_bounds = array<i64: 1, 100, 5>}, {transform_indices = @transform_1, window_bounds = array<i64: 1, 5, 100>}, {pipeline_mode = #tpu.pipeline_mode<synchronous>, transform_indices = @transform_2, window_bounds = array<i64: 2, 9>}, {pipeline_mode = #tpu.pipeline_mode<synchronous>, transform_indices = @transform_3, window_bounds = array<i64: 9, 2>}, {transform_indices = @transform_4, window_bounds = array<i64: 1, 100, 5>}, {transform_indices = @transform_5, window_bounds = array<i64: 1, 5, 100>}, {transform_indices = @transform_6, window_bounds = array<i64: 1, 100, 12>}, {transform_indices = @transform_7, window_bounds = array<i64: 1, 100, 1>}]} {
    %get3A = arith.constant 0 : index
    %get3A_0 = arith.constant 0 : index
    %get3A_1 = arith.constant 0 : index
    %get3A_2 = vector.load %arg1[%get3A, %get3A_0, %get3A_1] : memref<1x100x5xf32, #tpu.memory_space<vmem>>, vector<1x100x5xf32>
    %get3A_3 = vector.shape_cast %get3A_2 : vector<1x100x5xf32> to vector<100x5xf32>
    %slice3A = vector.extract_strided_slice %get3A_3 {offsets = [0, 0], sizes = [100, 1], strides = [1, 1]} : vector<100x5xf32> to vector<100x1xf32>
    %slice3A_4 = vector.extract_strided_slice %get3A_3 {offsets = [0, 1], sizes = [100, 1], strides = [1, 1]} : vector<100x5xf32> to vector<100x1xf32>
    %mul3A = arith.constant 7.600000e+01 : f32
    %mul3A_5 = vector.broadcast %mul3A : f32 to vector<100x1xf32>
    %mul3A_6 = arith.mulf %slice3A_4, %mul3A_5 : vector<100x1xf32>
    %slice3A_7 = vector.extract_strided_slice %get3A_3 {offsets = [0, 2], sizes = [100, 1], strides = [1, 1]} : vector<100x5xf32> to vector<100x1xf32>
    %mul3A_8 = arith.constant 7.600000e+01 : f32
    %mul3A_9 = vector.broadcast %mul3A_8 : f32 to vector<100x1xf32>
    %mul3A_10 = arith.mulf %slice3A_7, %mul3A_9 : vector<100x1xf32>
    %slice3A_11 = vector.extract_strided_slice %get3A_3 {offsets = [0, 3], sizes = [100, 1], strides = [1, 1]} : vector<100x5xf32> to vector<100x1xf32>
    %mul3A_12 = arith.constant 7.600000e+01 : f32
    %mul3A_13 = vector.broadcast %mul3A_12 : f32 to vector<100x1xf32>
    %mul3A_14 = arith.mulf %slice3A_11, %mul3A_13 : vector<100x1xf32>
    %slice3A_15 = vector.extract_strided_slice %get3A_3 {offsets = [0, 4], sizes = [100, 1], strides = [1, 1]} : vector<100x5xf32> to vector<100x1xf32>
    %mul3A_16 = arith.constant 7.600000e+01 : f32
    %mul3A_17 = vector.broadcast %mul3A_16 : f32 to vector<100x1xf32>
    %mul3A_18 = arith.mulf %slice3A_15, %mul3A_17 : vector<100x1xf32>
    %reduce_sum3A = arith.constant dense<0.000000e+00> : vector<100xf32>
    %reduce_sum3A_19 = vector.multi_reduction <add>, %get3A_3, %reduce_sum3A [1] : vector<100x5xf32> to vector<100xf32>
    %broadcast_in_dim3A = vector.shape_cast %reduce_sum3A_19 : vector<100xf32> to vector<100x1xf32>
    %gt3A = arith.constant 0.000000e+00 : f32
    %gt3A_20 = vector.broadcast %gt3A : f32 to vector<100x1xf32>
    %gt3A_21 = arith.cmpf ogt, %broadcast_in_dim3A, %gt3A_20 : vector<100x1xf32>
    %jit3A = arith.constant 1 : i32
    %jit3A_22 = arith.constant 0 : i32
    %broadcast_in_dim3A_23 = vector.broadcast %jit3A : i32 to vector<100x1xi32>
    %broadcast_in_dim3A_24 = vector.broadcast %jit3A_22 : i32 to vector<100x1xi32>
    %select_n3A = arith.select %gt3A_21, %broadcast_in_dim3A_23, %broadcast_in_dim3A_24 : vector<100x1xi1>, vector<100x1xi32>
    %reduce_sum3A_25 = vector.shape_cast %select_n3A : vector<100x1xi32> to vector<1x100x1xi32>
    %reduce_sum3A_26 = arith.constant dense<0> : vector<1xi32>
    %reduce_sum3A_27 = vector.multi_reduction <add>, %reduce_sum3A_25, %reduce_sum3A_26 [1, 2] : vector<1x100x1xi32> to vector<1xi32>
    %reduce_sum3A_28 = vector.shape_cast %reduce_sum3A_27 : vector<1xi32> to vector<1x1x1xi32>
    %reduce_sum3A_29 = vector.extract %reduce_sum3A_28[0, 0, 0] : i32 from vector<1x1x1xi32>
    %iota3A = tpu.iota {dimensions = array<i32: 0>} : vector<100x1xi32>
    %lt3A = vector.broadcast %reduce_sum3A_29 : i32 to vector<100x1xi32>
    %lt3A_30 = arith.cmpi slt, %iota3A, %lt3A : vector<100x1xi32>
    %get3A_31 = arith.constant 0 : index
    %get3A_32 = arith.constant 0 : index
    %get3A_33 = vector.load %arg3[%get3A_31, %get3A_32] : memref<2x9xf32, #tpu.memory_space<vmem>>, vector<1x9xf32>
    %get3A_34 = arith.constant 1 : index
    %get3A_35 = arith.constant 0 : index
    %get3A_36 = vector.load %arg3[%get3A_34, %get3A_35] : memref<2x9xf32, #tpu.memory_space<vmem>>, vector<1x9xf32>
    %min3A = vector.broadcast %mul3A_14 : vector<100x1xf32> to vector<100x9xf32>
    %min3A_37 = vector.broadcast %get3A_33 : vector<1x9xf32> to vector<100x9xf32>
    %min3A_38 = arith.minimumf %min3A, %min3A_37 : vector<100x9xf32>
    %min3A_39 = vector.broadcast %mul3A_18 : vector<100x1xf32> to vector<100x9xf32>
    %min3A_40 = vector.broadcast %get3A_36 : vector<1x9xf32> to vector<100x9xf32>
    %min3A_41 = arith.minimumf %min3A_39, %min3A_40 : vector<100x9xf32>
    %gt3A_42 = arith.constant 0.000000e+00 : f32
    %gt3A_43 = vector.broadcast %gt3A_42 : f32 to vector<100x9xf32>
    %gt3A_44 = arith.cmpf ogt, %min3A_38, %gt3A_43 : vector<100x9xf32>
    %gt3A_45 = arith.constant 0.000000e+00 : f32
    %gt3A_46 = vector.broadcast %gt3A_45 : f32 to vector<100x9xf32>
    %gt3A_47 = arith.cmpf ogt, %min3A_41, %gt3A_46 : vector<100x9xf32>
    %and3A = arith.andi %gt3A_44, %gt3A_47 : vector<100x9xi1>
    %mul3A_48 = arith.mulf %min3A_38, %min3A_41 : vector<100x9xf32>
    %jit3A_49 = arith.constant 0.000000e+00 : f32
    %broadcast_in_dim3A_50 = vector.broadcast %jit3A_49 : f32 to vector<100x9xf32>
    %select_n3A_51 = arith.select %and3A, %mul3A_48, %broadcast_in_dim3A_50 : vector<100x9xi1>, vector<100x9xf32>
    %mul3A_52 = arith.mulf %mul3A_14, %mul3A_18 : vector<100x1xf32>
    %mul3A_53 = arith.mulf %get3A_33, %get3A_36 : vector<1x9xf32>
    %add3A = vector.broadcast %mul3A_52 : vector<100x1xf32> to vector<100x9xf32>
    %add3A_54 = vector.broadcast %mul3A_53 : vector<1x9xf32> to vector<100x9xf32>
    %add3A_55 = arith.addf %add3A, %add3A_54 : vector<100x9xf32>
    %sub3A = arith.subf %add3A_55, %select_n3A_51 : vector<100x9xf32>
    %div3A = arith.divf %select_n3A_51, %sub3A : vector<100x9xf32>
    %reduce_max3A = arith.constant dense<0xFF800000> : vector<100xf32>
    %reduce_max3A_56 = vector.multi_reduction <maximumf>, %div3A, %reduce_max3A [1] : vector<100x9xf32> to vector<100xf32>
    %broadcast_in_dim3A_57 = vector.shape_cast %reduce_max3A_56 : vector<100xf32> to vector<100x1xf32>
    %iota3A_58 = tpu.iota {dimensions = array<i32: 1>} : vector<100x9xi32>
    %eq3A = vector.broadcast %broadcast_in_dim3A_57 : vector<100x1xf32> to vector<100x9xf32>
    %eq3A_59 = arith.cmpf oeq, %div3A, %eq3A : vector<100x9xf32>
    %jit3A_60 = arith.constant 9 : i32
    %broadcast_in_dim3A_61 = vector.broadcast %jit3A_60 : i32 to vector<100x9xi32>
    %select_n3A_62 = arith.select %eq3A_59, %iota3A_58, %broadcast_in_dim3A_61 : vector<100x9xi1>, vector<100x9xi32>
    %reduce_min3A = arith.constant dense<2147483647> : vector<100xi32>
    %reduce_min3A_63 = vector.multi_reduction <minsi>, %select_n3A_62, %reduce_min3A [1] : vector<100x9xi32> to vector<100xi32>
    %broadcast_in_dim3A_64 = vector.shape_cast %reduce_min3A_63 : vector<100xi32> to vector<100x1xi32>
    %jit3A_65 = arith.constant 3 : i32
    %eq3A_66 = arith.constant 0 : i32
    %eq3A_67 = arith.cmpi eq, %jit3A_65, %eq3A_66 : i32
    %jit3A_68 = arith.constant 1 : i32
    %select_n3A_69 = arith.select %eq3A_67, %jit3A_68, %jit3A_65 : i32
    %rem3A = vector.broadcast %select_n3A_69 : i32 to vector<100x1xi32>
    %rem3A_70 = arith.remsi %broadcast_in_dim3A_64, %rem3A : vector<100x1xi32>
    %ne3A = arith.constant 0 : i32
    %ne3A_71 = vector.broadcast %ne3A : i32 to vector<100x1xi32>
    %ne3A_72 = arith.cmpi ne, %rem3A_70, %ne3A_71 : vector<100x1xi32>
    %lt3A_73 = arith.constant 0 : i32
    %lt3A_74 = vector.broadcast %lt3A_73 : i32 to vector<100x1xi32>
    %lt3A_75 = arith.cmpi slt, %rem3A_70, %lt3A_74 : vector<100x1xi32>
    %lt3A_76 = arith.constant 0 : i32
    %lt3A_77 = arith.cmpi slt, %select_n3A_69, %lt3A_76 : i32
    %ne3A_78 = vector.broadcast %lt3A_77 : i1 to vector<100x1xi1>
    %ne3A_79 = vector.broadcast %ne3A_78 : vector<100x1xi1> to vector<100x1xi1>
    %ne3A_80 = arith.xori %lt3A_75, %ne3A_79 : vector<100x1xi1>
    %and3A_81 = arith.andi %ne3A_80, %ne3A_72 : vector<100x1xi1>
    %add3A_82 = vector.broadcast %select_n3A_69 : i32 to vector<100x1xi32>
    %add3A_83 = arith.addi %rem3A_70, %add3A_82 : vector<100x1xi32>
    %select_n3A_84 = arith.select %and3A_81, %add3A_83, %rem3A_70 : vector<100x1xi1>, vector<100x1xi32>
    %eq3A_85 = arith.constant 0 : i32
    %eq3A_86 = vector.broadcast %eq3A_85 : i32 to vector<100x1xi32>
    %eq3A_87 = arith.cmpi eq, %broadcast_in_dim3A_64, %eq3A_86 : vector<100x1xi32>
    %eq3A_88 = arith.constant 1 : i32
    %eq3A_89 = vector.broadcast %eq3A_88 : i32 to vector<100x1xi32>
    %eq3A_90 = arith.cmpi eq, %broadcast_in_dim3A_64, %eq3A_89 : vector<100x1xi32>
    %or3A = arith.ori %eq3A_87, %eq3A_90 : vector<100x1xi1>
    %eq3A_91 = arith.constant 2 : i32
    %eq3A_92 = vector.broadcast %eq3A_91 : i32 to vector<100x1xi32>
    %eq3A_93 = arith.cmpi eq, %broadcast_in_dim3A_64, %eq3A_92 : vector<100x1xi32>
    %or3A_94 = arith.ori %or3A, %eq3A_93 : vector<100x1xi1>
    %and3A_95 = arith.andi %lt3A_30, %or3A_94 : vector<100x1xi1>
    %convert_element_type3A = arith.fptosi %mul3A_6 : vector<100x1xf32> to vector<100x1xi32>
    %convert_element_type3A_96 = arith.fptosi %mul3A_10 : vector<100x1xf32> to vector<100x1xi32>
    %jit3A_97 = arith.constant 0 : i32
    %broadcast_in_dim3A_98 = vector.broadcast %jit3A_97 : i32 to vector<100x1xi32>
    %select_n3A_99 = arith.select %and3A_95, %select_n3A_84, %broadcast_in_dim3A_98 : vector<100x1xi1>, vector<100x1xi32>
    %jit3A_100 = arith.constant 0 : i32
    %broadcast_in_dim3A_101 = vector.broadcast %jit3A_100 : i32 to vector<100x1xi32>
    %select_n3A_102 = arith.select %and3A_95, %convert_element_type3A, %broadcast_in_dim3A_101 : vector<100x1xi1>, vector<100x1xi32>
    %jit3A_103 = arith.constant 0 : i32
    %broadcast_in_dim3A_104 = vector.broadcast %jit3A_103 : i32 to vector<100x1xi32>
    %select_n3A_105 = arith.select %and3A_95, %convert_element_type3A_96, %broadcast_in_dim3A_104 : vector<100x1xi1>, vector<100x1xi32>
    %mul3A_106 = arith.constant 5776 : i32
    %mul3A_107 = vector.broadcast %mul3A_106 : i32 to vector<100x1xi32>
    %mul3A_108 = arith.muli %select_n3A_99, %mul3A_107 : vector<100x1xi32>
    %mul3A_109 = arith.constant 76 : i32
    %mul3A_110 = vector.broadcast %mul3A_109 : i32 to vector<100x1xi32>
    %mul3A_111 = arith.muli %select_n3A_105, %mul3A_110 : vector<100x1xi32>
    %add3A_112 = arith.addi %mul3A_108, %mul3A_111 : vector<100x1xi32>
    %add3A_113 = arith.addi %add3A_112, %select_n3A_102 : vector<100x1xi32>
    %convert_element_type3A_114 = arith.fptosi %slice3A : vector<100x1xf32> to vector<100x1xi32>
    %jit3A_115 = arith.constant -1 : i32
    %broadcast_in_dim3A_116 = vector.broadcast %jit3A_115 : i32 to vector<100x1xi32>
    %select_n3A_117 = arith.select %and3A_95, %add3A_113, %broadcast_in_dim3A_116 : vector<100x1xi1>, vector<100x1xi32>
    %mul3A_118 = arith.constant 128 : i32
    %mul3A_119 = vector.broadcast %mul3A_118 : i32 to vector<100x1xi32>
    %mul3A_120 = arith.muli %add3A_113, %mul3A_119 : vector<100x1xi32>
    %add3A_121 = arith.addi %mul3A_120, %convert_element_type3A_114 : vector<100x1xi32>
    %jit3A_122 = arith.constant -1 : i32
    %broadcast_in_dim3A_123 = vector.broadcast %jit3A_122 : i32 to vector<100x1xi32>
    %select_n3A_124 = arith.select %and3A_95, %add3A_121, %broadcast_in_dim3A_123 : vector<100x1xi1>, vector<100x1xi32>
    %get3A_125 = arith.constant 0 : index
    %get3A_126 = arith.constant 1 : index
    %get3A_127 = arith.constant 0 : index
    %get3A_128 = vector.load %arg2[%get3A_125, %get3A_126, %get3A_127] : memref<1x5x100xf32, #tpu.memory_space<vmem>>, vector<1x1x100xf32>
    %get3A_129 = vector.shape_cast %get3A_128 : vector<1x1x100xf32> to vector<100xf32>
    %mul3A_130 = arith.constant 7.600000e+01 : f32
    %mul3A_131 = vector.broadcast %mul3A_130 : f32 to vector<100xf32>
    %mul3A_132 = arith.mulf %get3A_129, %mul3A_131 : vector<100xf32>
    %broadcast_in_dim3A_133 = vector.shape_cast %mul3A_132 : vector<100xf32> to vector<1x100xf32>
    %get3A_134 = arith.constant 0 : index
    %get3A_135 = arith.constant 2 : index
    %get3A_136 = arith.constant 0 : index
    %get3A_137 = vector.load %arg2[%get3A_134, %get3A_135, %get3A_136] : memref<1x5x100xf32, #tpu.memory_space<vmem>>, vector<1x1x100xf32>
    %get3A_138 = vector.shape_cast %get3A_137 : vector<1x1x100xf32> to vector<100xf32>
    %mul3A_139 = arith.constant 7.600000e+01 : f32
    %mul3A_140 = vector.broadcast %mul3A_139 : f32 to vector<100xf32>
    %mul3A_141 = arith.mulf %get3A_138, %mul3A_140 : vector<100xf32>
    %broadcast_in_dim3A_142 = vector.shape_cast %mul3A_141 : vector<100xf32> to vector<1x100xf32>
    %get3A_143 = arith.constant 0 : index
    %get3A_144 = arith.constant 3 : index
    %get3A_145 = arith.constant 0 : index
    %get3A_146 = vector.load %arg2[%get3A_143, %get3A_144, %get3A_145] : memref<1x5x100xf32, #tpu.memory_space<vmem>>, vector<1x1x100xf32>
    %get3A_147 = vector.shape_cast %get3A_146 : vector<1x1x100xf32> to vector<100xf32>
    %mul3A_148 = arith.constant 7.600000e+01 : f32
    %mul3A_149 = vector.broadcast %mul3A_148 : f32 to vector<100xf32>
    %mul3A_150 = arith.mulf %get3A_147, %mul3A_149 : vector<100xf32>
    %broadcast_in_dim3A_151 = vector.shape_cast %mul3A_150 : vector<100xf32> to vector<1x100xf32>
    %get3A_152 = arith.constant 0 : index
    %get3A_153 = arith.constant 4 : index
    %get3A_154 = arith.constant 0 : index
    %get3A_155 = vector.load %arg2[%get3A_152, %get3A_153, %get3A_154] : memref<1x5x100xf32, #tpu.memory_space<vmem>>, vector<1x1x100xf32>
    %get3A_156 = vector.shape_cast %get3A_155 : vector<1x1x100xf32> to vector<100xf32>
    %mul3A_157 = arith.constant 7.600000e+01 : f32
    %mul3A_158 = vector.broadcast %mul3A_157 : f32 to vector<100xf32>
    %mul3A_159 = arith.mulf %get3A_156, %mul3A_158 : vector<100xf32>
    %broadcast_in_dim3A_160 = vector.shape_cast %mul3A_159 : vector<100xf32> to vector<1x100xf32>
    %get3A_161 = arith.constant 0 : index
    %get3A_162 = arith.constant 0 : index
    %get3A_163 = arith.constant 0 : index
    %get3A_164 = vector.load %arg2[%get3A_161, %get3A_162, %get3A_163] : memref<1x5x100xf32, #tpu.memory_space<vmem>>, vector<1x1x100xf32>
    %get3A_165 = vector.shape_cast %get3A_164 : vector<1x1x100xf32> to vector<100xf32>
    %broadcast_in_dim3A_166 = vector.shape_cast %get3A_165 : vector<100xf32> to vector<1x100xf32>
    %iota3A_167 = tpu.iota {dimensions = array<i32: 1>} : vector<1x100xi32>
    %lt3A_168 = vector.broadcast %reduce_sum3A_29 : i32 to vector<1x100xi32>
    %lt3A_169 = arith.cmpi slt, %iota3A_167, %lt3A_168 : vector<1x100xi32>
    %get3A_170 = arith.constant 0 : index
    %get3A_171 = arith.constant 0 : index
    %get3A_172 = vector.load %arg4[%get3A_170, %get3A_171] : memref<9x2xf32, #tpu.memory_space<vmem>>, vector<9x1xf32>
    %get3A_173 = arith.constant 0 : index
    %get3A_174 = arith.constant 1 : index
    %get3A_175 = vector.load %arg4[%get3A_173, %get3A_174] : memref<9x2xf32, #tpu.memory_space<vmem>>, vector<9x1xf32>
    %min3A_176 = vector.broadcast %broadcast_in_dim3A_151 : vector<1x100xf32> to vector<9x100xf32>
    %min3A_177 = vector.broadcast %get3A_172 : vector<9x1xf32> to vector<9x100xf32>
    %min3A_178 = arith.minimumf %min3A_176, %min3A_177 : vector<9x100xf32>
    %min3A_179 = vector.broadcast %broadcast_in_dim3A_160 : vector<1x100xf32> to vector<9x100xf32>
    %min3A_180 = vector.broadcast %get3A_175 : vector<9x1xf32> to vector<9x100xf32>
    %min3A_181 = arith.minimumf %min3A_179, %min3A_180 : vector<9x100xf32>
    %gt3A_182 = arith.constant 0.000000e+00 : f32
    %gt3A_183 = vector.broadcast %gt3A_182 : f32 to vector<9x100xf32>
    %gt3A_184 = arith.cmpf ogt, %min3A_178, %gt3A_183 : vector<9x100xf32>
    %gt3A_185 = arith.constant 0.000000e+00 : f32
    %gt3A_186 = vector.broadcast %gt3A_185 : f32 to vector<9x100xf32>
    %gt3A_187 = arith.cmpf ogt, %min3A_181, %gt3A_186 : vector<9x100xf32>
    %and3A_188 = arith.andi %gt3A_184, %gt3A_187 : vector<9x100xi1>
    %mul3A_189 = arith.mulf %min3A_178, %min3A_181 : vector<9x100xf32>
    %jit3A_190 = arith.constant 0.000000e+00 : f32
    %broadcast_in_dim3A_191 = vector.broadcast %jit3A_190 : f32 to vector<9x100xf32>
    %select_n3A_192 = arith.select %and3A_188, %mul3A_189, %broadcast_in_dim3A_191 : vector<9x100xi1>, vector<9x100xf32>
    %mul3A_193 = arith.mulf %broadcast_in_dim3A_151, %broadcast_in_dim3A_160 : vector<1x100xf32>
    %mul3A_194 = arith.mulf %get3A_172, %get3A_175 : vector<9x1xf32>
    %add3A_195 = vector.broadcast %mul3A_193 : vector<1x100xf32> to vector<9x100xf32>
    %add3A_196 = vector.broadcast %mul3A_194 : vector<9x1xf32> to vector<9x100xf32>
    %add3A_197 = arith.addf %add3A_195, %add3A_196 : vector<9x100xf32>
    %sub3A_198 = arith.subf %add3A_197, %select_n3A_192 : vector<9x100xf32>
    %div3A_199 = arith.divf %select_n3A_192, %sub3A_198 : vector<9x100xf32>
    %reduce_max3A_200 = arith.constant dense<0xFF800000> : vector<100xf32>
    %reduce_max3A_201 = vector.multi_reduction <maximumf>, %div3A_199, %reduce_max3A_200 [0] : vector<9x100xf32> to vector<100xf32>
    %broadcast_in_dim3A_202 = vector.shape_cast %reduce_max3A_201 : vector<100xf32> to vector<1x100xf32>
    %iota3A_203 = tpu.iota {dimensions = array<i32: 0>} : vector<9x100xi32>
    %eq3A_204 = vector.broadcast %broadcast_in_dim3A_202 : vector<1x100xf32> to vector<9x100xf32>
    %eq3A_205 = arith.cmpf oeq, %div3A_199, %eq3A_204 : vector<9x100xf32>
    %jit3A_206 = arith.constant 9 : i32
    %broadcast_in_dim3A_207 = vector.broadcast %jit3A_206 : i32 to vector<9x100xi32>
    %select_n3A_208 = arith.select %eq3A_205, %iota3A_203, %broadcast_in_dim3A_207 : vector<9x100xi1>, vector<9x100xi32>
    %reduce_min3A_209 = arith.constant dense<2147483647> : vector<100xi32>
    %reduce_min3A_210 = vector.multi_reduction <minsi>, %select_n3A_208, %reduce_min3A_209 [0] : vector<9x100xi32> to vector<100xi32>
    %broadcast_in_dim3A_211 = vector.shape_cast %reduce_min3A_210 : vector<100xi32> to vector<1x100xi32>
    %eq3A_212 = arith.constant 0 : i32
    %eq3A_213 = vector.broadcast %eq3A_212 : i32 to vector<1x100xi32>
    %eq3A_214 = arith.cmpi eq, %broadcast_in_dim3A_211, %eq3A_213 : vector<1x100xi32>
    %eq3A_215 = arith.constant 1 : i32
    %eq3A_216 = vector.broadcast %eq3A_215 : i32 to vector<1x100xi32>
    %eq3A_217 = arith.cmpi eq, %broadcast_in_dim3A_211, %eq3A_216 : vector<1x100xi32>
    %or3A_218 = arith.ori %eq3A_214, %eq3A_217 : vector<1x100xi1>
    %eq3A_219 = arith.constant 2 : i32
    %eq3A_220 = vector.broadcast %eq3A_219 : i32 to vector<1x100xi32>
    %eq3A_221 = arith.cmpi eq, %broadcast_in_dim3A_211, %eq3A_220 : vector<1x100xi32>
    %or3A_222 = arith.ori %or3A_218, %eq3A_221 : vector<1x100xi1>
    %and3A_223 = arith.andi %lt3A_169, %or3A_222 : vector<1x100xi1>
    %convert_element_type3A_224 = arith.fptosi %broadcast_in_dim3A_133 : vector<1x100xf32> to vector<1x100xi32>
    %convert_element_type3A_225 = arith.fptosi %broadcast_in_dim3A_142 : vector<1x100xf32> to vector<1x100xi32>
    %jit3A_226 = arith.constant 3 : i32
    %eq3A_227 = arith.constant 0 : i32
    %eq3A_228 = arith.cmpi eq, %jit3A_226, %eq3A_227 : i32
    %jit3A_229 = arith.constant 1 : i32
    %select_n3A_230 = arith.select %eq3A_228, %jit3A_229, %jit3A_226 : i32
    %rem3A_231 = vector.broadcast %select_n3A_230 : i32 to vector<1x100xi32>
    %rem3A_232 = arith.remsi %broadcast_in_dim3A_211, %rem3A_231 : vector<1x100xi32>
    %ne3A_233 = arith.constant 0 : i32
    %ne3A_234 = vector.broadcast %ne3A_233 : i32 to vector<1x100xi32>
    %ne3A_235 = arith.cmpi ne, %rem3A_232, %ne3A_234 : vector<1x100xi32>
    %lt3A_236 = arith.constant 0 : i32
    %lt3A_237 = vector.broadcast %lt3A_236 : i32 to vector<1x100xi32>
    %lt3A_238 = arith.cmpi slt, %rem3A_232, %lt3A_237 : vector<1x100xi32>
    %lt3A_239 = arith.constant 0 : i32
    %lt3A_240 = arith.cmpi slt, %select_n3A_230, %lt3A_239 : i32
    %ne3A_241 = vector.broadcast %lt3A_240 : i1 to vector<1x100xi1>
    %ne3A_242 = vector.broadcast %ne3A_241 : vector<1x100xi1> to vector<1x100xi1>
    %ne3A_243 = arith.xori %lt3A_238, %ne3A_242 : vector<1x100xi1>
    %and3A_244 = arith.andi %ne3A_243, %ne3A_235 : vector<1x100xi1>
    %add3A_245 = vector.broadcast %select_n3A_230 : i32 to vector<1x100xi32>
    %add3A_246 = arith.addi %rem3A_232, %add3A_245 : vector<1x100xi32>
    %select_n3A_247 = arith.select %and3A_244, %add3A_246, %rem3A_232 : vector<1x100xi1>, vector<1x100xi32>
    %jit3A_248 = arith.constant 0 : i32
    %broadcast_in_dim3A_249 = vector.broadcast %jit3A_248 : i32 to vector<1x100xi32>
    %select_n3A_250 = arith.select %and3A_223, %select_n3A_247, %broadcast_in_dim3A_249 : vector<1x100xi1>, vector<1x100xi32>
    %mul3A_251 = arith.constant 5776 : i32
    %mul3A_252 = vector.broadcast %mul3A_251 : i32 to vector<1x100xi32>
    %mul3A_253 = arith.muli %select_n3A_250, %mul3A_252 : vector<1x100xi32>
    %jit3A_254 = arith.constant 0 : i32
    %broadcast_in_dim3A_255 = vector.broadcast %jit3A_254 : i32 to vector<1x100xi32>
    %select_n3A_256 = arith.select %and3A_223, %convert_element_type3A_225, %broadcast_in_dim3A_255 : vector<1x100xi1>, vector<1x100xi32>
    %mul3A_257 = arith.constant 76 : i32
    %mul3A_258 = vector.broadcast %mul3A_257 : i32 to vector<1x100xi32>
    %mul3A_259 = arith.muli %select_n3A_256, %mul3A_258 : vector<1x100xi32>
    %add3A_260 = arith.addi %mul3A_253, %mul3A_259 : vector<1x100xi32>
    %jit3A_261 = arith.constant 0 : i32
    %broadcast_in_dim3A_262 = vector.broadcast %jit3A_261 : i32 to vector<1x100xi32>
    %select_n3A_263 = arith.select %and3A_223, %convert_element_type3A_224, %broadcast_in_dim3A_262 : vector<1x100xi1>, vector<1x100xi32>
    %add3A_264 = arith.addi %add3A_260, %select_n3A_263 : vector<1x100xi32>
    %convert_element_type3A_265 = arith.fptosi %broadcast_in_dim3A_166 : vector<1x100xf32> to vector<1x100xi32>
    %jit3A_266 = arith.constant -1 : i32
    %broadcast_in_dim3A_267 = vector.broadcast %jit3A_266 : i32 to vector<1x100xi32>
    %select_n3A_268 = arith.select %and3A_223, %add3A_264, %broadcast_in_dim3A_267 : vector<1x100xi1>, vector<1x100xi32>
    %mul3A_269 = arith.constant 128 : i32
    %mul3A_270 = vector.broadcast %mul3A_269 : i32 to vector<1x100xi32>
    %mul3A_271 = arith.muli %add3A_264, %mul3A_270 : vector<1x100xi32>
    %add3A_272 = arith.addi %mul3A_271, %convert_element_type3A_265 : vector<1x100xi32>
    %jit3A_273 = arith.constant -1 : i32
    %broadcast_in_dim3A_274 = vector.broadcast %jit3A_273 : i32 to vector<1x100xi32>
    %select_n3A_275 = arith.select %and3A_223, %add3A_272, %broadcast_in_dim3A_274 : vector<1x100xi1>, vector<1x100xi32>
    %iota3A_276 = tpu.iota {dimensions = array<i32: 0>} : vector<100x100xi32>
    %iota3A_277 = tpu.iota {dimensions = array<i32: 1>} : vector<100x100xi32>
    %eq3A_278 = vector.broadcast %select_n3A_117 : vector<100x1xi32> to vector<100x100xi32>
    %eq3A_279 = vector.broadcast %select_n3A_268 : vector<1x100xi32> to vector<100x100xi32>
    %eq3A_280 = arith.cmpi eq, %eq3A_278, %eq3A_279 : vector<100x100xi32>
    %gt3A_281 = arith.cmpi sgt, %iota3A_277, %iota3A_276 : vector<100x100xi32>
    %and3A_282 = arith.andi %eq3A_280, %gt3A_281 : vector<100x100xi1>
    %convert_element_type3A_283 = arith.extui %and3A_282 : vector<100x100xi1> to vector<100x100xi32>
    %reduce_max3A_284 = arith.constant dense<-2147483648> : vector<100xi32>
    %reduce_max3A_285 = vector.multi_reduction <maxsi>, %convert_element_type3A_283, %reduce_max3A_284 [1] : vector<100x100xi32> to vector<100xi32>
    %broadcast_in_dim3A_286 = vector.shape_cast %reduce_max3A_285 : vector<100xi32> to vector<100x1xi32>
    %eq3A_287 = arith.constant 0 : i32
    %eq3A_288 = vector.broadcast %eq3A_287 : i32 to vector<100x1xi32>
    %eq3A_289 = arith.cmpi eq, %broadcast_in_dim3A_286, %eq3A_288 : vector<100x1xi32>
    %and3A_290 = arith.andi %and3A_95, %eq3A_289 : vector<100x1xi1>
    %eq3A_291 = vector.broadcast %select_n3A_124 : vector<100x1xi32> to vector<100x100xi32>
    %eq3A_292 = vector.broadcast %select_n3A_275 : vector<1x100xi32> to vector<100x100xi32>
    %eq3A_293 = arith.cmpi eq, %eq3A_291, %eq3A_292 : vector<100x100xi32>
    %lt3A_294 = arith.cmpi slt, %iota3A_277, %iota3A_276 : vector<100x100xi32>
    %and3A_295 = arith.andi %eq3A_293, %lt3A_294 : vector<100x100xi1>
    %convert_element_type3A_296 = arith.extui %and3A_295 : vector<100x100xi1> to vector<100x100xi32>
    %reduce_max3A_297 = arith.constant dense<-2147483648> : vector<100xi32>
    %reduce_max3A_298 = vector.multi_reduction <maxsi>, %convert_element_type3A_296, %reduce_max3A_297 [1] : vector<100x100xi32> to vector<100xi32>
    %broadcast_in_dim3A_299 = vector.shape_cast %reduce_max3A_298 : vector<100xi32> to vector<100x1xi32>
    %eq3A_300 = arith.constant 0 : i32
    %eq3A_301 = vector.broadcast %eq3A_300 : i32 to vector<100x1xi32>
    %eq3A_302 = arith.cmpi eq, %broadcast_in_dim3A_299, %eq3A_301 : vector<100x1xi32>
    %and3A_303 = arith.andi %and3A_95, %eq3A_302 : vector<100x1xi1>
    %convert_element_type3A_304 = arith.sitofp %convert_element_type3A : vector<100x1xi32> to vector<100x1xf32>
    %sub3A_305 = arith.subf %mul3A_6, %convert_element_type3A_304 : vector<100x1xf32>
    %convert_element_type3A_306 = arith.sitofp %convert_element_type3A_96 : vector<100x1xi32> to vector<100x1xf32>
    %sub3A_307 = arith.subf %mul3A_10, %convert_element_type3A_306 : vector<100x1xf32>
    %eq3A_308 = arith.constant 0 : i32
    %eq3A_309 = vector.broadcast %eq3A_308 : i32 to vector<100x1xi32>
    %eq3A_310 = arith.cmpi eq, %select_n3A_99, %eq3A_309 : vector<100x1xi32>
    %eq3A_311 = arith.constant 1 : i32
    %eq3A_312 = vector.broadcast %eq3A_311 : i32 to vector<100x1xi32>
    %eq3A_313 = arith.cmpi eq, %select_n3A_99, %eq3A_312 : vector<100x1xi32>
    %jit3A_314 = arith.constant 2.000000e+00 : f32
    %jit3A_315 = arith.constant 4.125000e+00 : f32
    %broadcast_in_dim3A_316 = vector.broadcast %jit3A_314 : f32 to vector<100x1xf32>
    %broadcast_in_dim3A_317 = vector.broadcast %jit3A_315 : f32 to vector<100x1xf32>
    %select_n3A_318 = arith.select %eq3A_313, %broadcast_in_dim3A_316, %broadcast_in_dim3A_317 : vector<100x1xi1>, vector<100x1xf32>
    %jit3A_319 = arith.constant 1.250000e+00 : f32
    %broadcast_in_dim3A_320 = vector.broadcast %jit3A_319 : f32 to vector<100x1xf32>
    %select_n3A_321 = arith.select %eq3A_310, %broadcast_in_dim3A_320, %select_n3A_318 : vector<100x1xi1>, vector<100x1xf32>
    %eq3A_322 = arith.constant 0 : i32
    %eq3A_323 = vector.broadcast %eq3A_322 : i32 to vector<100x1xi32>
    %eq3A_324 = arith.cmpi eq, %select_n3A_99, %eq3A_323 : vector<100x1xi32>
    %eq3A_325 = arith.constant 1 : i32
    %eq3A_326 = vector.broadcast %eq3A_325 : i32 to vector<100x1xi32>
    %eq3A_327 = arith.cmpi eq, %select_n3A_99, %eq3A_326 : vector<100x1xi32>
    %jit3A_328 = arith.constant 3.750000e+00 : f32
    %jit3A_329 = arith.constant 2.875000e+00 : f32
    %broadcast_in_dim3A_330 = vector.broadcast %jit3A_328 : f32 to vector<100x1xf32>
    %broadcast_in_dim3A_331 = vector.broadcast %jit3A_329 : f32 to vector<100x1xf32>
    %select_n3A_332 = arith.select %eq3A_327, %broadcast_in_dim3A_330, %broadcast_in_dim3A_331 : vector<100x1xi1>, vector<100x1xf32>
    %jit3A_333 = arith.constant 1.625000e+00 : f32
    %broadcast_in_dim3A_334 = vector.broadcast %jit3A_333 : f32 to vector<100x1xf32>
    %select_n3A_335 = arith.select %eq3A_324, %broadcast_in_dim3A_334, %select_n3A_332 : vector<100x1xi1>, vector<100x1xf32>
    %div3A_336 = arith.divf %mul3A_14, %select_n3A_321 : vector<100x1xf32>
    %add3A_337 = arith.constant 1.000000e-16 : f32
    %add3A_338 = vector.broadcast %add3A_337 : f32 to vector<100x1xf32>
    %add3A_339 = arith.addf %div3A_336, %add3A_338 : vector<100x1xf32>
    %log3A = math.log %add3A_339 : vector<100x1xf32>
    %div3A_340 = arith.divf %mul3A_18, %select_n3A_335 : vector<100x1xf32>
    %add3A_341 = arith.constant 1.000000e-16 : f32
    %add3A_342 = vector.broadcast %add3A_341 : f32 to vector<100x1xf32>
    %add3A_343 = arith.addf %div3A_340, %add3A_342 : vector<100x1xf32>
    %log3A_344 = math.log %add3A_343 : vector<100x1xf32>
    %mul3A_345 = arith.mulf %mul3A_14, %mul3A_18 : vector<100x1xf32>
    %div3A_346 = arith.constant 7.600000e+01 : f32
    %div3A_347 = vector.broadcast %div3A_346 : f32 to vector<100x1xf32>
    %div3A_348 = arith.divf %mul3A_345, %div3A_347 : vector<100x1xf32>
    %div3A_349 = arith.constant 7.600000e+01 : f32
    %div3A_350 = vector.broadcast %div3A_349 : f32 to vector<100x1xf32>
    %div3A_351 = arith.divf %div3A_348, %div3A_350 : vector<100x1xf32>
    %sub3A_352 = arith.constant 2.000000e+00 : f32
    %sub3A_353 = vector.broadcast %sub3A_352 : f32 to vector<100x1xf32>
    %sub3A_354 = arith.subf %sub3A_353, %div3A_351 : vector<100x1xf32>
    %sqrt3A = math.sqrt %sub3A_354 : vector<100x1xf32>
    %mul3A_355 = arith.mulf %mul3A_14, %mul3A_18 : vector<100x1xf32>
    %mul3A_356 = arith.constant 0.411764711 : f32
    %mul3A_357 = vector.broadcast %mul3A_356 : f32 to vector<100x1xf32>
    %mul3A_358 = arith.mulf %mul3A_357, %mul3A_355 : vector<100x1xf32>
    %jit3A_359 = arith.constant 1.000000e+30 : f32
    %broadcast_in_dim3A_360 = vector.broadcast %jit3A_359 : f32 to vector<100x1xf32>
    %select_n3A_361 = arith.select %lt3A_30, %mul3A_358, %broadcast_in_dim3A_360 : vector<100x1xi1>, vector<100x1xf32>
    %div3A_362 = arith.constant 2.000000e+00 : f32
    %div3A_363 = vector.broadcast %div3A_362 : f32 to vector<100x1xf32>
    %div3A_364 = arith.divf %mul3A_14, %div3A_363 : vector<100x1xf32>
    %sub3A_365 = arith.subf %mul3A_6, %div3A_364 : vector<100x1xf32>
    %div3A_366 = arith.constant 2.000000e+00 : f32
    %div3A_367 = vector.broadcast %div3A_366 : f32 to vector<100x1xf32>
    %div3A_368 = arith.divf %mul3A_14, %div3A_367 : vector<100x1xf32>
    %add3A_369 = arith.addf %mul3A_6, %div3A_368 : vector<100x1xf32>
    %div3A_370 = arith.constant 2.000000e+00 : f32
    %div3A_371 = vector.broadcast %div3A_370 : f32 to vector<100x1xf32>
    %div3A_372 = arith.divf %mul3A_18, %div3A_371 : vector<100x1xf32>
    %sub3A_373 = arith.subf %mul3A_10, %div3A_372 : vector<100x1xf32>
    %div3A_374 = arith.constant 2.000000e+00 : f32
    %div3A_375 = vector.broadcast %div3A_374 : f32 to vector<100x1xf32>
    %div3A_376 = arith.divf %mul3A_18, %div3A_375 : vector<100x1xf32>
    %add3A_377 = arith.addf %mul3A_10, %div3A_376 : vector<100x1xf32>
    %concatenate3A = tpu.concatenate %sub3A_365, %add3A_369, %sub3A_373, %add3A_377, %select_n3A_361 in 1 : vector<100x1xf32>, vector<100x1xf32>, vector<100x1xf32>, vector<100x1xf32>, vector<100x1xf32> -> vector<100x5xf32>
    %swap3A = arith.constant 0 : index
    %swap3A_378 = arith.constant 0 : index
    %swap3A_379 = arith.constant 0 : index
    %swap3A_380 = vector.load %arg5[%swap3A, %swap3A_378, %swap3A_379] : memref<1x100x5xf32, #tpu.memory_space<vmem>>, vector<1x100x5xf32>
    %swap3A_381 = vector.shape_cast %swap3A_380 : vector<1x100x5xf32> to vector<100x5xf32>
    %swap3A_382 = vector.shape_cast %concatenate3A : vector<100x5xf32> to vector<1x100x5xf32>
    tpu.vector_store %arg5[%swap3A, %swap3A_378, %swap3A_379], %swap3A_382 {strides = array<i32>} : memref<1x100x5xf32, #tpu.memory_space<vmem>>, vector<1x100x5xf32>,
    %mul3A_383 = arith.mulf %broadcast_in_dim3A_151, %broadcast_in_dim3A_160 : vector<1x100xf32>
    %mul3A_384 = arith.constant 0.411764711 : f32
    %mul3A_385 = vector.broadcast %mul3A_384 : f32 to vector<1x100xf32>
    %mul3A_386 = arith.mulf %mul3A_385, %mul3A_383 : vector<1x100xf32>
    %jit3A_387 = arith.constant 1.000000e+30 : f32
    %broadcast_in_dim3A_388 = vector.broadcast %jit3A_387 : f32 to vector<1x100xf32>
    %select_n3A_389 = arith.select %lt3A_169, %mul3A_386, %broadcast_in_dim3A_388 : vector<1x100xi1>, vector<1x100xf32>
    %div3A_390 = arith.constant 2.000000e+00 : f32
    %div3A_391 = vector.broadcast %div3A_390 : f32 to vector<1x100xf32>
    %div3A_392 = arith.divf %broadcast_in_dim3A_151, %div3A_391 : vector<1x100xf32>
    %sub3A_393 = arith.subf %broadcast_in_dim3A_133, %div3A_392 : vector<1x100xf32>
    %div3A_394 = arith.constant 2.000000e+00 : f32
    %div3A_395 = vector.broadcast %div3A_394 : f32 to vector<1x100xf32>
    %div3A_396 = arith.divf %broadcast_in_dim3A_151, %div3A_395 : vector<1x100xf32>
    %add3A_397 = arith.addf %broadcast_in_dim3A_133, %div3A_396 : vector<1x100xf32>
    %div3A_398 = arith.constant 2.000000e+00 : f32
    %div3A_399 = vector.broadcast %div3A_398 : f32 to vector<1x100xf32>
    %div3A_400 = arith.divf %broadcast_in_dim3A_160, %div3A_399 : vector<1x100xf32>
    %sub3A_401 = arith.subf %broadcast_in_dim3A_142, %div3A_400 : vector<1x100xf32>
    %div3A_402 = arith.constant 2.000000e+00 : f32
    %div3A_403 = vector.broadcast %div3A_402 : f32 to vector<1x100xf32>
    %div3A_404 = arith.divf %broadcast_in_dim3A_160, %div3A_403 : vector<1x100xf32>
    %add3A_405 = arith.addf %broadcast_in_dim3A_142, %div3A_404 : vector<1x100xf32>
    %concatenate3A_406 = tpu.concatenate %sub3A_393, %add3A_397, %sub3A_401, %add3A_405, %select_n3A_389 in 0 : vector<1x100xf32>, vector<1x100xf32>, vector<1x100xf32>, vector<1x100xf32>, vector<1x100xf32> -> vector<5x100xf32>
    %swap3A_407 = arith.constant 0 : index
    %swap3A_408 = arith.constant 0 : index
    %swap3A_409 = arith.constant 0 : index
    %swap3A_410 = vector.load %arg6[%swap3A_407, %swap3A_408, %swap3A_409] : memref<1x5x100xf32, #tpu.memory_space<vmem>>, vector<1x5x100xf32>
    %swap3A_411 = vector.shape_cast %swap3A_410 : vector<1x5x100xf32> to vector<5x100xf32>
    %swap3A_412 = vector.shape_cast %concatenate3A_406 : vector<5x100xf32> to vector<1x5x100xf32>
    tpu.vector_store %arg6[%swap3A_407, %swap3A_408, %swap3A_409], %swap3A_412 {strides = array<i32>} : memref<1x5x100xf32, #tpu.memory_space<vmem>>, vector<1x5x100xf32>,
    %convert_element_type3A_413 = arith.sitofp %convert_element_type3A_114 : vector<100x1xi32> to vector<100x1xf32>
    %convert_element_type3A_414 = arith.extui %and3A_290 : vector<100x1xi1> to vector<100x1xi32>
    %convert_element_type3A_415 = arith.sitofp %convert_element_type3A_414 : vector<100x1xi32> to vector<100x1xf32>
    %convert_element_type3A_416 = arith.extui %and3A_303 : vector<100x1xi1> to vector<100x1xi32>
    %convert_element_type3A_417 = arith.sitofp %convert_element_type3A_416 : vector<100x1xi32> to vector<100x1xf32>
    %convert_element_type3A_418 = arith.sitofp %select_n3A_102 : vector<100x1xi32> to vector<100x1xf32>
    %convert_element_type3A_419 = arith.sitofp %select_n3A_105 : vector<100x1xi32> to vector<100x1xf32>
    %concatenate3A_420 = tpu.concatenate %sub3A_305, %sub3A_307, %log3A, %log3A_344, %sqrt3A, %convert_element_type3A_413, %convert_element_type3A_415, %convert_element_type3A_417, %convert_element_type3A_418, %convert_element_type3A_419, %select_n3A_321, %select_n3A_335 in 1 : vector<100x1xf32>, vector<100x1xf32>, vector<100x1xf32>, vector<100x1xf32>, vector<100x1xf32>, vector<100x1xf32>, vector<100x1xf32>, vector<100x1xf32>, vector<100x1xf32>, vector<100x1xf32>, vector<100x1xf32>, vector<100x1xf32> -> vector<100x12xf32>
    %swap3A_421 = arith.constant 0 : index
    %swap3A_422 = arith.constant 0 : index
    %swap3A_423 = arith.constant 0 : index
    %swap3A_424 = vector.load %arg7[%swap3A_421, %swap3A_422, %swap3A_423] : memref<1x100x12xf32, #tpu.memory_space<vmem>>, vector<1x100x12xf32>
    %swap3A_425 = vector.shape_cast %swap3A_424 : vector<1x100x12xf32> to vector<100x12xf32>
    %swap3A_426 = vector.shape_cast %concatenate3A_420 : vector<100x12xf32> to vector<1x100x12xf32>
    tpu.vector_store %arg7[%swap3A_421, %swap3A_422, %swap3A_423], %swap3A_426 {strides = array<i32>} : memref<1x100x12xf32, #tpu.memory_space<vmem>>, vector<1x100x12xf32>,
    %mul3A_427 = arith.constant 17328 : i32
    %mul3A_428 = arith.muli %arg0, %mul3A_427 : i32
    %add3A_429 = vector.broadcast %mul3A_428 : i32 to vector<100x1xi32>
    %add3A_430 = arith.addi %add3A_113, %add3A_429 : vector<100x1xi32>
    %swap3A_431 = arith.constant 0 : index
    %swap3A_432 = arith.constant 0 : index
    %swap3A_433 = arith.constant 0 : index
    %swap3A_434 = vector.load %arg8[%swap3A_431, %swap3A_432, %swap3A_433] : memref<1x100x1xi32, #tpu.memory_space<vmem>>, vector<1x100x1xi32>
    %swap3A_435 = vector.shape_cast %swap3A_434 : vector<1x100x1xi32> to vector<100x1xi32>
    %swap3A_436 = vector.shape_cast %add3A_430 : vector<100x1xi32> to vector<1x100x1xi32>
    tpu.vector_store %arg8[%swap3A_431, %swap3A_432, %swap3A_433], %swap3A_436 {strides = array<i32>} : memref<1x100x1xi32, #tpu.memory_space<vmem>>, vector<1x100x1xi32>,
    return
  }
  func.func @transform_0(%arg0: i32) -> (i32, i32, i32) {
    %c0_i32 = arith.constant 0 : i32
    %c0_i32_0 = arith.constant 0 : i32
    %c0_i32_1 = arith.constant 0 : i32
    return %arg0, %c0_i32, %c0_i32_0 : i32, i32, i32
  }
  func.func @transform_1(%arg0: i32) -> (i32, i32, i32) {
    %c0_i32 = arith.constant 0 : i32
    %c0_i32_0 = arith.constant 0 : i32
    %c0_i32_1 = arith.constant 0 : i32
    return %arg0, %c0_i32, %c0_i32_0 : i32, i32, i32
  }
  func.func @transform_2(%arg0: i32) -> (i32, i32) {
    %c0_i32 = arith.constant 0 : i32
    %c0_i32_0 = arith.constant 0 : i32
    %c0_i32_1 = arith.constant 0 : i32
    return %c0_i32, %c0_i32_0 : i32, i32
  }
  func.func @transform_3(%arg0: i32) -> (i32, i32) {
    %c0_i32 = arith.constant 0 : i32
    %c0_i32_0 = arith.constant 0 : i32
    %c0_i32_1 = arith.constant 0 : i32
    return %c0_i32, %c0_i32_0 : i32, i32
  }
  func.func @transform_4(%arg0: i32) -> (i32, i32, i32) {
    %c0_i32 = arith.constant 0 : i32
    %c0_i32_0 = arith.constant 0 : i32
    %c0_i32_1 = arith.constant 0 : i32
    return %arg0, %c0_i32, %c0_i32_0 : i32, i32, i32
  }
  func.func @transform_5(%arg0: i32) -> (i32, i32, i32) {
    %c0_i32 = arith.constant 0 : i32
    %c0_i32_0 = arith.constant 0 : i32
    %c0_i32_1 = arith.constant 0 : i32
    return %arg0, %c0_i32, %c0_i32_0 : i32, i32, i32
  }
  func.func @transform_6(%arg0: i32) -> (i32, i32, i32) {
    %c0_i32 = arith.constant 0 : i32
    %c0_i32_0 = arith.constant 0 : i32
    %c0_i32_1 = arith.constant 0 : i32
    return %arg0, %c0_i32, %c0_i32_0 : i32, i32, i32
  }
  func.func @transform_7(%arg0: i32) -> (i32, i32, i32) {
    %c0_i32 = arith.constant 0 : i32
    %c0_i32_0 = arith.constant 0 : i32
    %c0_i32_1 = arith.constant 0 : i32
    return %arg0, %c0_i32, %c0_i32_0 : i32, i32, i32
  }
}

module attributes {stable_mosaic.version = 14 : i64} {
  func.func @_main_kernel(%arg0: i32, %arg1: memref<1x3x5x76x76xf32, #tpu.memory_space<vmem>>, %arg2: memref<1x100x96xf32, #tpu.memory_space<vmem>>, %arg3: memref<1x100x5xf32, #tpu.memory_space<smem>>, %arg4: memref<1x5x100xf32, #tpu.memory_space<vmem>>, %arg5: memref<1x100x12xf32, #tpu.memory_space<vmem>>, %arg6: memref<1x1x1xf32, #tpu.memory_space<vmem>>) attributes {dimension_semantics = [#tpu.dimension_semantics<arbitrary>], iteration_bounds = array<i64: 16>, scalar_prefetch = 0 : i64, scratch_operands = 0 : i64, tpu.core_type = #tpu.core_type<tc>, window_params = [{transform_indices = @transform_0, window_bounds = array<i64: 1, 3, 5, 76, 76>}, {transform_indices = @transform_1, window_bounds = array<i64: 1, 100, 96>}, {transform_indices = @transform_2, window_bounds = array<i64: 1, 100, 5>}, {transform_indices = @transform_3, window_bounds = array<i64: 1, 5, 100>}, {transform_indices = @transform_4, window_bounds = array<i64: 1, 100, 12>}, {transform_indices = @transform_5, window_bounds = array<i64: 1, 1, 1>}]} {
    %get3A = arith.constant 0 : index
    %get3A_0 = arith.constant 0 : index
    %get3A_1 = arith.constant 0 : index
    %get3A_2 = arith.constant 0 : index
    %get3A_3 = arith.constant 0 : index
    %get3A_4 = vector.load %arg1[%get3A, %get3A_0, %get3A_1, %get3A_2, %get3A_3] : memref<1x3x5x76x76xf32, #tpu.memory_space<vmem>>, vector<1x1x1x24x76xf32>
    %get3A_5 = vector.shape_cast %get3A_4 : vector<1x1x1x24x76xf32> to vector<24x76xf32>
    %get3A_6 = arith.constant 0 : index
    %get3A_7 = arith.constant 0 : index
    %get3A_8 = arith.constant 1 : index
    %get3A_9 = arith.constant 0 : index
    %get3A_10 = arith.constant 0 : index
    %get3A_11 = vector.load %arg1[%get3A_6, %get3A_7, %get3A_8, %get3A_9, %get3A_10] : memref<1x3x5x76x76xf32, #tpu.memory_space<vmem>>, vector<1x1x1x24x76xf32>
    %get3A_12 = vector.shape_cast %get3A_11 : vector<1x1x1x24x76xf32> to vector<24x76xf32>
    %get3A_13 = arith.constant 0 : index
    %get3A_14 = arith.constant 0 : index
    %get3A_15 = arith.constant 2 : index
    %get3A_16 = arith.constant 0 : index
    %get3A_17 = arith.constant 0 : index
    %get3A_18 = vector.load %arg1[%get3A_13, %get3A_14, %get3A_15, %get3A_16, %get3A_17] : memref<1x3x5x76x76xf32, #tpu.memory_space<vmem>>, vector<1x1x1x24x76xf32>
    %get3A_19 = vector.shape_cast %get3A_18 : vector<1x1x1x24x76xf32> to vector<24x76xf32>
    %get3A_20 = arith.constant 0 : index
    %get3A_21 = arith.constant 0 : index
    %get3A_22 = arith.constant 3 : index
    %get3A_23 = arith.constant 0 : index
    %get3A_24 = arith.constant 0 : index
    %get3A_25 = vector.load %arg1[%get3A_20, %get3A_21, %get3A_22, %get3A_23, %get3A_24] : memref<1x3x5x76x76xf32, #tpu.memory_space<vmem>>, vector<1x1x1x24x76xf32>
    %get3A_26 = vector.shape_cast %get3A_25 : vector<1x1x1x24x76xf32> to vector<24x76xf32>
    %get3A_27 = arith.constant 0 : index
    %get3A_28 = arith.constant 0 : index
    %get3A_29 = arith.constant 4 : index
    %get3A_30 = arith.constant 0 : index
    %get3A_31 = arith.constant 0 : index
    %get3A_32 = vector.load %arg1[%get3A_27, %get3A_28, %get3A_29, %get3A_30, %get3A_31] : memref<1x3x5x76x76xf32, #tpu.memory_space<vmem>>, vector<1x1x1x24x76xf32>
    %get3A_33 = vector.shape_cast %get3A_32 : vector<1x1x1x24x76xf32> to vector<24x76xf32>
    %iota3A = tpu.iota {dimensions = array<i32: 1>} : vector<24x76xi32>
    %convert_element_type3A = arith.sitofp %iota3A : vector<24x76xi32> to vector<24x76xf32>
    %iota3A_34 = tpu.iota {dimensions = array<i32: 0>} : vector<24x76xi32>
    %convert_element_type3A_35 = arith.sitofp %iota3A_34 : vector<24x76xi32> to vector<24x76xf32>
    %add3A = arith.constant 0.000000e+00 : f32
    %add3A_36 = vector.broadcast %add3A : f32 to vector<24x76xf32>
    %add3A_37 = arith.addf %convert_element_type3A_35, %add3A_36 : vector<24x76xf32>
    %neg3A = arith.constant 0.000000e+00 : f32
    %neg3A_38 = vector.broadcast %neg3A : f32 to vector<24x76xf32>
    %neg3A_39 = arith.subf %neg3A_38, %get3A_5 : vector<24x76xf32>
    %exp3A = math.exp %neg3A_39 : vector<24x76xf32>
    %add3A_40 = arith.constant 1.000000e+00 : f32
    %add3A_41 = vector.broadcast %add3A_40 : f32 to vector<24x76xf32>
    %add3A_42 = arith.addf %add3A_41, %exp3A : vector<24x76xf32>
    %div3A = arith.constant 1.000000e+00 : f32
    %div3A_43 = vector.broadcast %div3A : f32 to vector<24x76xf32>
    %div3A_44 = arith.divf %div3A_43, %add3A_42 : vector<24x76xf32>
    %add3A_45 = arith.addf %div3A_44, %convert_element_type3A : vector<24x76xf32>
    %neg3A_46 = arith.constant 0.000000e+00 : f32
    %neg3A_47 = vector.broadcast %neg3A_46 : f32 to vector<24x76xf32>
    %neg3A_48 = arith.subf %neg3A_47, %get3A_12 : vector<24x76xf32>
    %exp3A_49 = math.exp %neg3A_48 : vector<24x76xf32>
    %add3A_50 = arith.constant 1.000000e+00 : f32
    %add3A_51 = vector.broadcast %add3A_50 : f32 to vector<24x76xf32>
    %add3A_52 = arith.addf %add3A_51, %exp3A_49 : vector<24x76xf32>
    %div3A_53 = arith.constant 1.000000e+00 : f32
    %div3A_54 = vector.broadcast %div3A_53 : f32 to vector<24x76xf32>
    %div3A_55 = arith.divf %div3A_54, %add3A_52 : vector<24x76xf32>
    %add3A_56 = arith.addf %div3A_55, %add3A_37 : vector<24x76xf32>
    %exp3A_57 = math.exp %get3A_19 : vector<24x76xf32>
    %mul3A = arith.constant 1.250000e+00 : f32
    %mul3A_58 = vector.broadcast %mul3A : f32 to vector<24x76xf32>
    %mul3A_59 = arith.mulf %exp3A_57, %mul3A_58 : vector<24x76xf32>
    %exp3A_60 = math.exp %get3A_26 : vector<24x76xf32>
    %mul3A_61 = arith.constant 1.625000e+00 : f32
    %mul3A_62 = vector.broadcast %mul3A_61 : f32 to vector<24x76xf32>
    %mul3A_63 = arith.mulf %exp3A_60, %mul3A_62 : vector<24x76xf32>
    %div3A_64 = arith.constant 2.000000e+00 : f32
    %div3A_65 = vector.broadcast %div3A_64 : f32 to vector<24x76xf32>
    %div3A_66 = arith.divf %mul3A_59, %div3A_65 : vector<24x76xf32>
    %sub3A = arith.subf %add3A_45, %div3A_66 : vector<24x76xf32>
    %div3A_67 = arith.constant 2.000000e+00 : f32
    %div3A_68 = vector.broadcast %div3A_67 : f32 to vector<24x76xf32>
    %div3A_69 = arith.divf %mul3A_59, %div3A_68 : vector<24x76xf32>
    %add3A_70 = arith.addf %add3A_45, %div3A_69 : vector<24x76xf32>
    %div3A_71 = arith.constant 2.000000e+00 : f32
    %div3A_72 = vector.broadcast %div3A_71 : f32 to vector<24x76xf32>
    %div3A_73 = arith.divf %mul3A_63, %div3A_72 : vector<24x76xf32>
    %sub3A_74 = arith.subf %add3A_56, %div3A_73 : vector<24x76xf32>
    %div3A_75 = arith.constant 2.000000e+00 : f32
    %div3A_76 = vector.broadcast %div3A_75 : f32 to vector<24x76xf32>
    %div3A_77 = arith.divf %mul3A_63, %div3A_76 : vector<24x76xf32>
    %add3A_78 = arith.addf %add3A_56, %div3A_77 : vector<24x76xf32>
    %mul3A_79 = arith.mulf %mul3A_59, %mul3A_63 : vector<24x76xf32>
    %mul3A_80 = arith.constant 0.411764711 : f32
    %mul3A_81 = vector.broadcast %mul3A_80 : f32 to vector<24x76xf32>
    %mul3A_82 = arith.mulf %mul3A_81, %mul3A_79 : vector<24x76xf32>
    %broadcast_in_dim3A = arith.constant -1.000000e+30 : f32
    %broadcast_in_dim3A_83 = vector.broadcast %broadcast_in_dim3A : f32 to vector<24x76xf32>
    %scan3A = arith.constant 0 : i32
    %scan3A_84 = arith.constant 100 : i32
    %scan3A_85 = arith.addi %scan3A, %scan3A_84 : i32
    %scan3A_86 = arith.constant 1 : i32
    %scan3A_87 = scf.for %scan3A_1713 = %scan3A to %scan3A_85 step %scan3A_86 iter_args(%scan3A_1714 = %broadcast_in_dim3A_83) -> (vector<24x76xf32>)  : i32 {
      %get3A_1715 = arith.constant 0 : index
      %get3A_1716 = arith.index_cast %scan3A_1713 : i32 to index
      %get3A_1717 = arith.constant 0 : index
      %get3A_1718 = memref.load %arg3[%get3A_1715, %get3A_1716, %get3A_1717] : memref<1x100x5xf32, #tpu.memory_space<smem>>
      %get3A_1719 = arith.constant 0 : index
      %get3A_1720 = arith.index_cast %scan3A_1713 : i32 to index
      %get3A_1721 = arith.constant 1 : index
      %get3A_1722 = memref.load %arg3[%get3A_1719, %get3A_1720, %get3A_1721] : memref<1x100x5xf32, #tpu.memory_space<smem>>
      %get3A_1723 = arith.constant 0 : index
      %get3A_1724 = arith.index_cast %scan3A_1713 : i32 to index
      %get3A_1725 = arith.constant 2 : index
      %get3A_1726 = memref.load %arg3[%get3A_1723, %get3A_1724, %get3A_1725] : memref<1x100x5xf32, #tpu.memory_space<smem>>
      %get3A_1727 = arith.constant 0 : index
      %get3A_1728 = arith.index_cast %scan3A_1713 : i32 to index
      %get3A_1729 = arith.constant 3 : index
      %get3A_1730 = memref.load %arg3[%get3A_1727, %get3A_1728, %get3A_1729] : memref<1x100x5xf32, #tpu.memory_space<smem>>
      %get3A_1731 = arith.constant 0 : index
      %get3A_1732 = arith.index_cast %scan3A_1713 : i32 to index
      %get3A_1733 = arith.constant 4 : index
      %get3A_1734 = memref.load %arg3[%get3A_1731, %get3A_1732, %get3A_1733] : memref<1x100x5xf32, #tpu.memory_space<smem>>
      %min3A_1735 = vector.broadcast %get3A_1722 : f32 to vector<24x76xf32>
      %min3A_1736 = arith.minimumf %add3A_70, %min3A_1735 : vector<24x76xf32>
      %max3A_1737 = vector.broadcast %get3A_1718 : f32 to vector<24x76xf32>
      %max3A_1738 = arith.maximumf %sub3A, %max3A_1737 : vector<24x76xf32>
      %sub3A_1739 = arith.subf %min3A_1736, %max3A_1738 : vector<24x76xf32>
      %min3A_1740 = vector.broadcast %get3A_1730 : f32 to vector<24x76xf32>
      %min3A_1741 = arith.minimumf %add3A_78, %min3A_1740 : vector<24x76xf32>
      %max3A_1742 = vector.broadcast %get3A_1726 : f32 to vector<24x76xf32>
      %max3A_1743 = arith.maximumf %sub3A_74, %max3A_1742 : vector<24x76xf32>
      %sub3A_1744 = arith.subf %min3A_1741, %max3A_1743 : vector<24x76xf32>
      %max3A_1745 = arith.constant 0.000000e+00 : f32
      %max3A_1746 = vector.broadcast %max3A_1745 : f32 to vector<24x76xf32>
      %max3A_1747 = arith.maximumf %sub3A_1739, %max3A_1746 : vector<24x76xf32>
      %mul3A_1748 = arith.mulf %max3A_1747, %sub3A_1744 : vector<24x76xf32>
      %sub3A_1749 = vector.broadcast %get3A_1734 : f32 to vector<24x76xf32>
      %sub3A_1750 = arith.subf %mul3A_1748, %sub3A_1749 : vector<24x76xf32>
      %max3A_1751 = arith.maximumf %scan3A_1714, %sub3A_1750 : vector<24x76xf32>
      scf.yield %max3A_1751 : vector<24x76xf32>
    }
    %scan3A_88 = arith.constant 100 : i32
    %gt3A = arith.cmpf ogt, %scan3A_87, %mul3A_82 : vector<24x76xf32>
    %max3A = arith.constant 0.000000e+00 : f32
    %max3A_89 = vector.broadcast %max3A : f32 to vector<24x76xf32>
    %max3A_90 = arith.maximumf %get3A_33, %max3A_89 : vector<24x76xf32>
    %abs3A = math.absf %get3A_33 : vector<24x76xf32>
    %neg3A_91 = arith.constant 0.000000e+00 : f32
    %neg3A_92 = vector.broadcast %neg3A_91 : f32 to vector<24x76xf32>
    %neg3A_93 = arith.subf %neg3A_92, %abs3A : vector<24x76xf32>
    %exp3A_94 = math.exp %neg3A_93 : vector<24x76xf32>
    %log1p3A = math.log1p %exp3A_94 : vector<24x76xf32>
    %add3A_95 = arith.addf %max3A_90, %log1p3A : vector<24x76xf32>
    %jit3A = arith.constant 0.000000e+00 : f32
    %broadcast_in_dim3A_96 = vector.broadcast %jit3A : f32 to vector<24x76xf32>
    %select_n3A = arith.select %gt3A, %broadcast_in_dim3A_96, %add3A_95 : vector<24x76xi1>, vector<24x76xf32>
    %reduce_sum3A = vector.shape_cast %select_n3A : vector<24x76xf32> to vector<1x24x76xf32>
    %reduce_sum3A_97 = arith.constant dense<0.000000e+00> : vector<1xf32>
    %reduce_sum3A_98 = vector.multi_reduction <add>, %reduce_sum3A, %reduce_sum3A_97 [1, 2] : vector<1x24x76xf32> to vector<1xf32>
    %reduce_sum3A_99 = vector.shape_cast %reduce_sum3A_98 : vector<1xf32> to vector<1x1x1xf32>
    %reduce_sum3A_100 = vector.extract %reduce_sum3A_99[0, 0, 0] : f32 from vector<1x1x1xf32>
    %add3A_101 = arith.constant 0.000000e+00 : f32
    %add3A_102 = arith.addf %add3A_101, %reduce_sum3A_100 : f32
    %get3A_103 = arith.constant 0 : index
    %get3A_104 = arith.constant 0 : index
    %get3A_105 = arith.constant 0 : index
    %get3A_106 = arith.constant 24 : index
    %get3A_107 = arith.constant 0 : index
    %get3A_108 = vector.load %arg1[%get3A_103, %get3A_104, %get3A_105, %get3A_106, %get3A_107] : memref<1x3x5x76x76xf32, #tpu.memory_space<vmem>>, vector<1x1x1x24x76xf32>
    %get3A_109 = vector.shape_cast %get3A_108 : vector<1x1x1x24x76xf32> to vector<24x76xf32>
    %get3A_110 = arith.constant 0 : index
    %get3A_111 = arith.constant 0 : index
    %get3A_112 = arith.constant 1 : index
    %get3A_113 = arith.constant 24 : index
    %get3A_114 = arith.constant 0 : index
    %get3A_115 = vector.load %arg1[%get3A_110, %get3A_111, %get3A_112, %get3A_113, %get3A_114] : memref<1x3x5x76x76xf32, #tpu.memory_space<vmem>>, vector<1x1x1x24x76xf32>
    %get3A_116 = vector.shape_cast %get3A_115 : vector<1x1x1x24x76xf32> to vector<24x76xf32>
    %get3A_117 = arith.constant 0 : index
    %get3A_118 = arith.constant 0 : index
    %get3A_119 = arith.constant 2 : index
    %get3A_120 = arith.constant 24 : index
    %get3A_121 = arith.constant 0 : index
    %get3A_122 = vector.load %arg1[%get3A_117, %get3A_118, %get3A_119, %get3A_120, %get3A_121] : memref<1x3x5x76x76xf32, #tpu.memory_space<vmem>>, vector<1x1x1x24x76xf32>
    %get3A_123 = vector.shape_cast %get3A_122 : vector<1x1x1x24x76xf32> to vector<24x76xf32>
    %get3A_124 = arith.constant 0 : index
    %get3A_125 = arith.constant 0 : index
    %get3A_126 = arith.constant 3 : index
    %get3A_127 = arith.constant 24 : index
    %get3A_128 = arith.constant 0 : index
    %get3A_129 = vector.load %arg1[%get3A_124, %get3A_125, %get3A_126, %get3A_127, %get3A_128] : memref<1x3x5x76x76xf32, #tpu.memory_space<vmem>>, vector<1x1x1x24x76xf32>
    %get3A_130 = vector.shape_cast %get3A_129 : vector<1x1x1x24x76xf32> to vector<24x76xf32>
    %get3A_131 = arith.constant 0 : index
    %get3A_132 = arith.constant 0 : index
    %get3A_133 = arith.constant 4 : index
    %get3A_134 = arith.constant 24 : index
    %get3A_135 = arith.constant 0 : index
    %get3A_136 = vector.load %arg1[%get3A_131, %get3A_132, %get3A_133, %get3A_134, %get3A_135] : memref<1x3x5x76x76xf32, #tpu.memory_space<vmem>>, vector<1x1x1x24x76xf32>
    %get3A_137 = vector.shape_cast %get3A_136 : vector<1x1x1x24x76xf32> to vector<24x76xf32>
    %iota3A_138 = tpu.iota {dimensions = array<i32: 1>} : vector<24x76xi32>
    %convert_element_type3A_139 = arith.sitofp %iota3A_138 : vector<24x76xi32> to vector<24x76xf32>
    %iota3A_140 = tpu.iota {dimensions = array<i32: 0>} : vector<24x76xi32>
    %convert_element_type3A_141 = arith.sitofp %iota3A_140 : vector<24x76xi32> to vector<24x76xf32>
    %add3A_142 = arith.constant 2.400000e+01 : f32
    %add3A_143 = vector.broadcast %add3A_142 : f32 to vector<24x76xf32>
    %add3A_144 = arith.addf %convert_element_type3A_141, %add3A_143 : vector<24x76xf32>
    %neg3A_145 = arith.constant 0.000000e+00 : f32
    %neg3A_146 = vector.broadcast %neg3A_145 : f32 to vector<24x76xf32>
    %neg3A_147 = arith.subf %neg3A_146, %get3A_109 : vector<24x76xf32>
    %exp3A_148 = math.exp %neg3A_147 : vector<24x76xf32>
    %add3A_149 = arith.constant 1.000000e+00 : f32
    %add3A_150 = vector.broadcast %add3A_149 : f32 to vector<24x76xf32>
    %add3A_151 = arith.addf %add3A_150, %exp3A_148 : vector<24x76xf32>
    %div3A_152 = arith.constant 1.000000e+00 : f32
    %div3A_153 = vector.broadcast %div3A_152 : f32 to vector<24x76xf32>
    %div3A_154 = arith.divf %div3A_153, %add3A_151 : vector<24x76xf32>
    %add3A_155 = arith.addf %div3A_154, %convert_element_type3A_139 : vector<24x76xf32>
    %neg3A_156 = arith.constant 0.000000e+00 : f32
    %neg3A_157 = vector.broadcast %neg3A_156 : f32 to vector<24x76xf32>
    %neg3A_158 = arith.subf %neg3A_157, %get3A_116 : vector<24x76xf32>
    %exp3A_159 = math.exp %neg3A_158 : vector<24x76xf32>
    %add3A_160 = arith.constant 1.000000e+00 : f32
    %add3A_161 = vector.broadcast %add3A_160 : f32 to vector<24x76xf32>
    %add3A_162 = arith.addf %add3A_161, %exp3A_159 : vector<24x76xf32>
    %div3A_163 = arith.constant 1.000000e+00 : f32
    %div3A_164 = vector.broadcast %div3A_163 : f32 to vector<24x76xf32>
    %div3A_165 = arith.divf %div3A_164, %add3A_162 : vector<24x76xf32>
    %add3A_166 = arith.addf %div3A_165, %add3A_144 : vector<24x76xf32>
    %exp3A_167 = math.exp %get3A_123 : vector<24x76xf32>
    %mul3A_168 = arith.constant 1.250000e+00 : f32
    %mul3A_169 = vector.broadcast %mul3A_168 : f32 to vector<24x76xf32>
    %mul3A_170 = arith.mulf %exp3A_167, %mul3A_169 : vector<24x76xf32>
    %exp3A_171 = math.exp %get3A_130 : vector<24x76xf32>
    %mul3A_172 = arith.constant 1.625000e+00 : f32
    %mul3A_173 = vector.broadcast %mul3A_172 : f32 to vector<24x76xf32>
    %mul3A_174 = arith.mulf %exp3A_171, %mul3A_173 : vector<24x76xf32>
    %div3A_175 = arith.constant 2.000000e+00 : f32
    %div3A_176 = vector.broadcast %div3A_175 : f32 to vector<24x76xf32>
    %div3A_177 = arith.divf %mul3A_170, %div3A_176 : vector<24x76xf32>
    %sub3A_178 = arith.subf %add3A_155, %div3A_177 : vector<24x76xf32>
    %div3A_179 = arith.constant 2.000000e+00 : f32
    %div3A_180 = vector.broadcast %div3A_179 : f32 to vector<24x76xf32>
    %div3A_181 = arith.divf %mul3A_170, %div3A_180 : vector<24x76xf32>
    %add3A_182 = arith.addf %add3A_155, %div3A_181 : vector<24x76xf32>
    %div3A_183 = arith.constant 2.000000e+00 : f32
    %div3A_184 = vector.broadcast %div3A_183 : f32 to vector<24x76xf32>
    %div3A_185 = arith.divf %mul3A_174, %div3A_184 : vector<24x76xf32>
    %sub3A_186 = arith.subf %add3A_166, %div3A_185 : vector<24x76xf32>
    %div3A_187 = arith.constant 2.000000e+00 : f32
    %div3A_188 = vector.broadcast %div3A_187 : f32 to vector<24x76xf32>
    %div3A_189 = arith.divf %mul3A_174, %div3A_188 : vector<24x76xf32>
    %add3A_190 = arith.addf %add3A_166, %div3A_189 : vector<24x76xf32>
    %mul3A_191 = arith.mulf %mul3A_170, %mul3A_174 : vector<24x76xf32>
    %mul3A_192 = arith.constant 0.411764711 : f32
    %mul3A_193 = vector.broadcast %mul3A_192 : f32 to vector<24x76xf32>
    %mul3A_194 = arith.mulf %mul3A_193, %mul3A_191 : vector<24x76xf32>
    %broadcast_in_dim3A_195 = arith.constant -1.000000e+30 : f32
    %broadcast_in_dim3A_196 = vector.broadcast %broadcast_in_dim3A_195 : f32 to vector<24x76xf32>
    %scan3A_197 = arith.constant 0 : i32
    %scan3A_198 = arith.constant 100 : i32
    %scan3A_199 = arith.addi %scan3A_197, %scan3A_198 : i32
    %scan3A_200 = arith.constant 1 : i32
    %scan3A_201 = scf.for %scan3A_1713 = %scan3A_197 to %scan3A_199 step %scan3A_200 iter_args(%scan3A_1714 = %broadcast_in_dim3A_196) -> (vector<24x76xf32>)  : i32 {
      %get3A_1715 = arith.constant 0 : index
      %get3A_1716 = arith.index_cast %scan3A_1713 : i32 to index
      %get3A_1717 = arith.constant 0 : index
      %get3A_1718 = memref.load %arg3[%get3A_1715, %get3A_1716, %get3A_1717] : memref<1x100x5xf32, #tpu.memory_space<smem>>
      %get3A_1719 = arith.constant 0 : index
      %get3A_1720 = arith.index_cast %scan3A_1713 : i32 to index
      %get3A_1721 = arith.constant 1 : index
      %get3A_1722 = memref.load %arg3[%get3A_1719, %get3A_1720, %get3A_1721] : memref<1x100x5xf32, #tpu.memory_space<smem>>
      %get3A_1723 = arith.constant 0 : index
      %get3A_1724 = arith.index_cast %scan3A_1713 : i32 to index
      %get3A_1725 = arith.constant 2 : index
      %get3A_1726 = memref.load %arg3[%get3A_1723, %get3A_1724, %get3A_1725] : memref<1x100x5xf32, #tpu.memory_space<smem>>
      %get3A_1727 = arith.constant 0 : index
      %get3A_1728 = arith.index_cast %scan3A_1713 : i32 to index
      %get3A_1729 = arith.constant 3 : index
      %get3A_1730 = memref.load %arg3[%get3A_1727, %get3A_1728, %get3A_1729] : memref<1x100x5xf32, #tpu.memory_space<smem>>
      %get3A_1731 = arith.constant 0 : index
      %get3A_1732 = arith.index_cast %scan3A_1713 : i32 to index
      %get3A_1733 = arith.constant 4 : index
      %get3A_1734 = memref.load %arg3[%get3A_1731, %get3A_1732, %get3A_1733] : memref<1x100x5xf32, #tpu.memory_space<smem>>
      %min3A_1735 = vector.broadcast %get3A_1722 : f32 to vector<24x76xf32>
      %min3A_1736 = arith.minimumf %add3A_182, %min3A_1735 : vector<24x76xf32>
      %max3A_1737 = vector.broadcast %get3A_1718 : f32 to vector<24x76xf32>
      %max3A_1738 = arith.maximumf %sub3A_178, %max3A_1737 : vector<24x76xf32>
      %sub3A_1739 = arith.subf %min3A_1736, %max3A_1738 : vector<24x76xf32>
      %min3A_1740 = vector.broadcast %get3A_1730 : f32 to vector<24x76xf32>
      %min3A_1741 = arith.minimumf %add3A_190, %min3A_1740 : vector<24x76xf32>
      %max3A_1742 = vector.broadcast %get3A_1726 : f32 to vector<24x76xf32>
      %max3A_1743 = arith.maximumf %sub3A_186, %max3A_1742 : vector<24x76xf32>
      %sub3A_1744 = arith.subf %min3A_1741, %max3A_1743 : vector<24x76xf32>
      %max3A_1745 = arith.constant 0.000000e+00 : f32
      %max3A_1746 = vector.broadcast %max3A_1745 : f32 to vector<24x76xf32>
      %max3A_1747 = arith.maximumf %sub3A_1739, %max3A_1746 : vector<24x76xf32>
      %mul3A_1748 = arith.mulf %max3A_1747, %sub3A_1744 : vector<24x76xf32>
      %sub3A_1749 = vector.broadcast %get3A_1734 : f32 to vector<24x76xf32>
      %sub3A_1750 = arith.subf %mul3A_1748, %sub3A_1749 : vector<24x76xf32>
      %max3A_1751 = arith.maximumf %scan3A_1714, %sub3A_1750 : vector<24x76xf32>
      scf.yield %max3A_1751 : vector<24x76xf32>
    }
    %scan3A_202 = arith.constant 100 : i32
    %gt3A_203 = arith.cmpf ogt, %scan3A_201, %mul3A_194 : vector<24x76xf32>
    %max3A_204 = arith.constant 0.000000e+00 : f32
    %max3A_205 = vector.broadcast %max3A_204 : f32 to vector<24x76xf32>
    %max3A_206 = arith.maximumf %get3A_137, %max3A_205 : vector<24x76xf32>
    %abs3A_207 = math.absf %get3A_137 : vector<24x76xf32>
    %neg3A_208 = arith.constant 0.000000e+00 : f32
    %neg3A_209 = vector.broadcast %neg3A_208 : f32 to vector<24x76xf32>
    %neg3A_210 = arith.subf %neg3A_209, %abs3A_207 : vector<24x76xf32>
    %exp3A_211 = math.exp %neg3A_210 : vector<24x76xf32>
    %log1p3A_212 = math.log1p %exp3A_211 : vector<24x76xf32>
    %add3A_213 = arith.addf %max3A_206, %log1p3A_212 : vector<24x76xf32>
    %jit3A_214 = arith.constant 0.000000e+00 : f32
    %broadcast_in_dim3A_215 = vector.broadcast %jit3A_214 : f32 to vector<24x76xf32>
    %select_n3A_216 = arith.select %gt3A_203, %broadcast_in_dim3A_215, %add3A_213 : vector<24x76xi1>, vector<24x76xf32>
    %reduce_sum3A_217 = vector.shape_cast %select_n3A_216 : vector<24x76xf32> to vector<1x24x76xf32>
    %reduce_sum3A_218 = arith.constant dense<0.000000e+00> : vector<1xf32>
    %reduce_sum3A_219 = vector.multi_reduction <add>, %reduce_sum3A_217, %reduce_sum3A_218 [1, 2] : vector<1x24x76xf32> to vector<1xf32>
    %reduce_sum3A_220 = vector.shape_cast %reduce_sum3A_219 : vector<1xf32> to vector<1x1x1xf32>
    %reduce_sum3A_221 = vector.extract %reduce_sum3A_220[0, 0, 0] : f32 from vector<1x1x1xf32>
    %add3A_222 = arith.addf %add3A_102, %reduce_sum3A_221 : f32
    %get3A_223 = arith.constant 0 : index
    %get3A_224 = arith.constant 0 : index
    %get3A_225 = arith.constant 0 : index
    %get3A_226 = arith.constant 48 : index
    %get3A_227 = arith.constant 0 : index
    %get3A_228 = vector.load %arg1[%get3A_223, %get3A_224, %get3A_225, %get3A_226, %get3A_227] : memref<1x3x5x76x76xf32, #tpu.memory_space<vmem>>, vector<1x1x1x24x76xf32>
    %get3A_229 = vector.shape_cast %get3A_228 : vector<1x1x1x24x76xf32> to vector<24x76xf32>
    %get3A_230 = arith.constant 0 : index
    %get3A_231 = arith.constant 0 : index
    %get3A_232 = arith.constant 1 : index
    %get3A_233 = arith.constant 48 : index
    %get3A_234 = arith.constant 0 : index
    %get3A_235 = vector.load %arg1[%get3A_230, %get3A_231, %get3A_232, %get3A_233, %get3A_234] : memref<1x3x5x76x76xf32, #tpu.memory_space<vmem>>, vector<1x1x1x24x76xf32>
    %get3A_236 = vector.shape_cast %get3A_235 : vector<1x1x1x24x76xf32> to vector<24x76xf32>
    %get3A_237 = arith.constant 0 : index
    %get3A_238 = arith.constant 0 : index
    %get3A_239 = arith.constant 2 : index
    %get3A_240 = arith.constant 48 : index
    %get3A_241 = arith.constant 0 : index
    %get3A_242 = vector.load %arg1[%get3A_237, %get3A_238, %get3A_239, %get3A_240, %get3A_241] : memref<1x3x5x76x76xf32, #tpu.memory_space<vmem>>, vector<1x1x1x24x76xf32>
    %get3A_243 = vector.shape_cast %get3A_242 : vector<1x1x1x24x76xf32> to vector<24x76xf32>
    %get3A_244 = arith.constant 0 : index
    %get3A_245 = arith.constant 0 : index
    %get3A_246 = arith.constant 3 : index
    %get3A_247 = arith.constant 48 : index
    %get3A_248 = arith.constant 0 : index
    %get3A_249 = vector.load %arg1[%get3A_244, %get3A_245, %get3A_246, %get3A_247, %get3A_248] : memref<1x3x5x76x76xf32, #tpu.memory_space<vmem>>, vector<1x1x1x24x76xf32>
    %get3A_250 = vector.shape_cast %get3A_249 : vector<1x1x1x24x76xf32> to vector<24x76xf32>
    %get3A_251 = arith.constant 0 : index
    %get3A_252 = arith.constant 0 : index
    %get3A_253 = arith.constant 4 : index
    %get3A_254 = arith.constant 48 : index
    %get3A_255 = arith.constant 0 : index
    %get3A_256 = vector.load %arg1[%get3A_251, %get3A_252, %get3A_253, %get3A_254, %get3A_255] : memref<1x3x5x76x76xf32, #tpu.memory_space<vmem>>, vector<1x1x1x24x76xf32>
    %get3A_257 = vector.shape_cast %get3A_256 : vector<1x1x1x24x76xf32> to vector<24x76xf32>
    %iota3A_258 = tpu.iota {dimensions = array<i32: 1>} : vector<24x76xi32>
    %convert_element_type3A_259 = arith.sitofp %iota3A_258 : vector<24x76xi32> to vector<24x76xf32>
    %iota3A_260 = tpu.iota {dimensions = array<i32: 0>} : vector<24x76xi32>
    %convert_element_type3A_261 = arith.sitofp %iota3A_260 : vector<24x76xi32> to vector<24x76xf32>
    %add3A_262 = arith.constant 4.800000e+01 : f32
    %add3A_263 = vector.broadcast %add3A_262 : f32 to vector<24x76xf32>
    %add3A_264 = arith.addf %convert_element_type3A_261, %add3A_263 : vector<24x76xf32>
    %neg3A_265 = arith.constant 0.000000e+00 : f32
    %neg3A_266 = vector.broadcast %neg3A_265 : f32 to vector<24x76xf32>
    %neg3A_267 = arith.subf %neg3A_266, %get3A_229 : vector<24x76xf32>
    %exp3A_268 = math.exp %neg3A_267 : vector<24x76xf32>
    %add3A_269 = arith.constant 1.000000e+00 : f32
    %add3A_270 = vector.broadcast %add3A_269 : f32 to vector<24x76xf32>
    %add3A_271 = arith.addf %add3A_270, %exp3A_268 : vector<24x76xf32>
    %div3A_272 = arith.constant 1.000000e+00 : f32
    %div3A_273 = vector.broadcast %div3A_272 : f32 to vector<24x76xf32>
    %div3A_274 = arith.divf %div3A_273, %add3A_271 : vector<24x76xf32>
    %add3A_275 = arith.addf %div3A_274, %convert_element_type3A_259 : vector<24x76xf32>
    %neg3A_276 = arith.constant 0.000000e+00 : f32
    %neg3A_277 = vector.broadcast %neg3A_276 : f32 to vector<24x76xf32>
    %neg3A_278 = arith.subf %neg3A_277, %get3A_236 : vector<24x76xf32>
    %exp3A_279 = math.exp %neg3A_278 : vector<24x76xf32>
    %add3A_280 = arith.constant 1.000000e+00 : f32
    %add3A_281 = vector.broadcast %add3A_280 : f32 to vector<24x76xf32>
    %add3A_282 = arith.addf %add3A_281, %exp3A_279 : vector<24x76xf32>
    %div3A_283 = arith.constant 1.000000e+00 : f32
    %div3A_284 = vector.broadcast %div3A_283 : f32 to vector<24x76xf32>
    %div3A_285 = arith.divf %div3A_284, %add3A_282 : vector<24x76xf32>
    %add3A_286 = arith.addf %div3A_285, %add3A_264 : vector<24x76xf32>
    %exp3A_287 = math.exp %get3A_243 : vector<24x76xf32>
    %mul3A_288 = arith.constant 1.250000e+00 : f32
    %mul3A_289 = vector.broadcast %mul3A_288 : f32 to vector<24x76xf32>
    %mul3A_290 = arith.mulf %exp3A_287, %mul3A_289 : vector<24x76xf32>
    %exp3A_291 = math.exp %get3A_250 : vector<24x76xf32>
    %mul3A_292 = arith.constant 1.625000e+00 : f32
    %mul3A_293 = vector.broadcast %mul3A_292 : f32 to vector<24x76xf32>
    %mul3A_294 = arith.mulf %exp3A_291, %mul3A_293 : vector<24x76xf32>
    %div3A_295 = arith.constant 2.000000e+00 : f32
    %div3A_296 = vector.broadcast %div3A_295 : f32 to vector<24x76xf32>
    %div3A_297 = arith.divf %mul3A_290, %div3A_296 : vector<24x76xf32>
    %sub3A_298 = arith.subf %add3A_275, %div3A_297 : vector<24x76xf32>
    %div3A_299 = arith.constant 2.000000e+00 : f32
    %div3A_300 = vector.broadcast %div3A_299 : f32 to vector<24x76xf32>
    %div3A_301 = arith.divf %mul3A_290, %div3A_300 : vector<24x76xf32>
    %add3A_302 = arith.addf %add3A_275, %div3A_301 : vector<24x76xf32>
    %div3A_303 = arith.constant 2.000000e+00 : f32
    %div3A_304 = vector.broadcast %div3A_303 : f32 to vector<24x76xf32>
    %div3A_305 = arith.divf %mul3A_294, %div3A_304 : vector<24x76xf32>
    %sub3A_306 = arith.subf %add3A_286, %div3A_305 : vector<24x76xf32>
    %div3A_307 = arith.constant 2.000000e+00 : f32
    %div3A_308 = vector.broadcast %div3A_307 : f32 to vector<24x76xf32>
    %div3A_309 = arith.divf %mul3A_294, %div3A_308 : vector<24x76xf32>
    %add3A_310 = arith.addf %add3A_286, %div3A_309 : vector<24x76xf32>
    %mul3A_311 = arith.mulf %mul3A_290, %mul3A_294 : vector<24x76xf32>
    %mul3A_312 = arith.constant 0.411764711 : f32
    %mul3A_313 = vector.broadcast %mul3A_312 : f32 to vector<24x76xf32>
    %mul3A_314 = arith.mulf %mul3A_313, %mul3A_311 : vector<24x76xf32>
    %broadcast_in_dim3A_315 = arith.constant -1.000000e+30 : f32
    %broadcast_in_dim3A_316 = vector.broadcast %broadcast_in_dim3A_315 : f32 to vector<24x76xf32>
    %scan3A_317 = arith.constant 0 : i32
    %scan3A_318 = arith.constant 100 : i32
    %scan3A_319 = arith.addi %scan3A_317, %scan3A_318 : i32
    %scan3A_320 = arith.constant 1 : i32
    %scan3A_321 = scf.for %scan3A_1713 = %scan3A_317 to %scan3A_319 step %scan3A_320 iter_args(%scan3A_1714 = %broadcast_in_dim3A_316) -> (vector<24x76xf32>)  : i32 {
      %get3A_1715 = arith.constant 0 : index
      %get3A_1716 = arith.index_cast %scan3A_1713 : i32 to index
      %get3A_1717 = arith.constant 0 : index
      %get3A_1718 = memref.load %arg3[%get3A_1715, %get3A_1716, %get3A_1717] : memref<1x100x5xf32, #tpu.memory_space<smem>>
      %get3A_1719 = arith.constant 0 : index
      %get3A_1720 = arith.index_cast %scan3A_1713 : i32 to index
      %get3A_1721 = arith.constant 1 : index
      %get3A_1722 = memref.load %arg3[%get3A_1719, %get3A_1720, %get3A_1721] : memref<1x100x5xf32, #tpu.memory_space<smem>>
      %get3A_1723 = arith.constant 0 : index
      %get3A_1724 = arith.index_cast %scan3A_1713 : i32 to index
      %get3A_1725 = arith.constant 2 : index
      %get3A_1726 = memref.load %arg3[%get3A_1723, %get3A_1724, %get3A_1725] : memref<1x100x5xf32, #tpu.memory_space<smem>>
      %get3A_1727 = arith.constant 0 : index
      %get3A_1728 = arith.index_cast %scan3A_1713 : i32 to index
      %get3A_1729 = arith.constant 3 : index
      %get3A_1730 = memref.load %arg3[%get3A_1727, %get3A_1728, %get3A_1729] : memref<1x100x5xf32, #tpu.memory_space<smem>>
      %get3A_1731 = arith.constant 0 : index
      %get3A_1732 = arith.index_cast %scan3A_1713 : i32 to index
      %get3A_1733 = arith.constant 4 : index
      %get3A_1734 = memref.load %arg3[%get3A_1731, %get3A_1732, %get3A_1733] : memref<1x100x5xf32, #tpu.memory_space<smem>>
      %min3A_1735 = vector.broadcast %get3A_1722 : f32 to vector<24x76xf32>
      %min3A_1736 = arith.minimumf %add3A_302, %min3A_1735 : vector<24x76xf32>
      %max3A_1737 = vector.broadcast %get3A_1718 : f32 to vector<24x76xf32>
      %max3A_1738 = arith.maximumf %sub3A_298, %max3A_1737 : vector<24x76xf32>
      %sub3A_1739 = arith.subf %min3A_1736, %max3A_1738 : vector<24x76xf32>
      %min3A_1740 = vector.broadcast %get3A_1730 : f32 to vector<24x76xf32>
      %min3A_1741 = arith.minimumf %add3A_310, %min3A_1740 : vector<24x76xf32>
      %max3A_1742 = vector.broadcast %get3A_1726 : f32 to vector<24x76xf32>
      %max3A_1743 = arith.maximumf %sub3A_306, %max3A_1742 : vector<24x76xf32>
      %sub3A_1744 = arith.subf %min3A_1741, %max3A_1743 : vector<24x76xf32>
      %max3A_1745 = arith.constant 0.000000e+00 : f32
      %max3A_1746 = vector.broadcast %max3A_1745 : f32 to vector<24x76xf32>
      %max3A_1747 = arith.maximumf %sub3A_1739, %max3A_1746 : vector<24x76xf32>
      %mul3A_1748 = arith.mulf %max3A_1747, %sub3A_1744 : vector<24x76xf32>
      %sub3A_1749 = vector.broadcast %get3A_1734 : f32 to vector<24x76xf32>
      %sub3A_1750 = arith.subf %mul3A_1748, %sub3A_1749 : vector<24x76xf32>
      %max3A_1751 = arith.maximumf %scan3A_1714, %sub3A_1750 : vector<24x76xf32>
      scf.yield %max3A_1751 : vector<24x76xf32>
    }
    %scan3A_322 = arith.constant 100 : i32
    %gt3A_323 = arith.cmpf ogt, %scan3A_321, %mul3A_314 : vector<24x76xf32>
    %max3A_324 = arith.constant 0.000000e+00 : f32
    %max3A_325 = vector.broadcast %max3A_324 : f32 to vector<24x76xf32>
    %max3A_326 = arith.maximumf %get3A_257, %max3A_325 : vector<24x76xf32>
    %abs3A_327 = math.absf %get3A_257 : vector<24x76xf32>
    %neg3A_328 = arith.constant 0.000000e+00 : f32
    %neg3A_329 = vector.broadcast %neg3A_328 : f32 to vector<24x76xf32>
    %neg3A_330 = arith.subf %neg3A_329, %abs3A_327 : vector<24x76xf32>
    %exp3A_331 = math.exp %neg3A_330 : vector<24x76xf32>
    %log1p3A_332 = math.log1p %exp3A_331 : vector<24x76xf32>
    %add3A_333 = arith.addf %max3A_326, %log1p3A_332 : vector<24x76xf32>
    %jit3A_334 = arith.constant 0.000000e+00 : f32
    %broadcast_in_dim3A_335 = vector.broadcast %jit3A_334 : f32 to vector<24x76xf32>
    %select_n3A_336 = arith.select %gt3A_323, %broadcast_in_dim3A_335, %add3A_333 : vector<24x76xi1>, vector<24x76xf32>
    %reduce_sum3A_337 = vector.shape_cast %select_n3A_336 : vector<24x76xf32> to vector<1x24x76xf32>
    %reduce_sum3A_338 = arith.constant dense<0.000000e+00> : vector<1xf32>
    %reduce_sum3A_339 = vector.multi_reduction <add>, %reduce_sum3A_337, %reduce_sum3A_338 [1, 2] : vector<1x24x76xf32> to vector<1xf32>
    %reduce_sum3A_340 = vector.shape_cast %reduce_sum3A_339 : vector<1xf32> to vector<1x1x1xf32>
    %reduce_sum3A_341 = vector.extract %reduce_sum3A_340[0, 0, 0] : f32 from vector<1x1x1xf32>
    %add3A_342 = arith.addf %add3A_222, %reduce_sum3A_341 : f32
    %get3A_343 = arith.constant 0 : index
    %get3A_344 = arith.constant 0 : index
    %get3A_345 = arith.constant 0 : index
    %get3A_346 = arith.constant 72 : index
    %get3A_347 = arith.constant 0 : index
    %get3A_348 = vector.load %arg1[%get3A_343, %get3A_344, %get3A_345, %get3A_346, %get3A_347] : memref<1x3x5x76x76xf32, #tpu.memory_space<vmem>>, vector<1x1x1x4x76xf32>
    %get3A_349 = vector.shape_cast %get3A_348 : vector<1x1x1x4x76xf32> to vector<4x76xf32>
    %get3A_350 = arith.constant 0 : index
    %get3A_351 = arith.constant 0 : index
    %get3A_352 = arith.constant 1 : index
    %get3A_353 = arith.constant 72 : index
    %get3A_354 = arith.constant 0 : index
    %get3A_355 = vector.load %arg1[%get3A_350, %get3A_351, %get3A_352, %get3A_353, %get3A_354] : memref<1x3x5x76x76xf32, #tpu.memory_space<vmem>>, vector<1x1x1x4x76xf32>
    %get3A_356 = vector.shape_cast %get3A_355 : vector<1x1x1x4x76xf32> to vector<4x76xf32>
    %get3A_357 = arith.constant 0 : index
    %get3A_358 = arith.constant 0 : index
    %get3A_359 = arith.constant 2 : index
    %get3A_360 = arith.constant 72 : index
    %get3A_361 = arith.constant 0 : index
    %get3A_362 = vector.load %arg1[%get3A_357, %get3A_358, %get3A_359, %get3A_360, %get3A_361] : memref<1x3x5x76x76xf32, #tpu.memory_space<vmem>>, vector<1x1x1x4x76xf32>
    %get3A_363 = vector.shape_cast %get3A_362 : vector<1x1x1x4x76xf32> to vector<4x76xf32>
    %get3A_364 = arith.constant 0 : index
    %get3A_365 = arith.constant 0 : index
    %get3A_366 = arith.constant 3 : index
    %get3A_367 = arith.constant 72 : index
    %get3A_368 = arith.constant 0 : index
    %get3A_369 = vector.load %arg1[%get3A_364, %get3A_365, %get3A_366, %get3A_367, %get3A_368] : memref<1x3x5x76x76xf32, #tpu.memory_space<vmem>>, vector<1x1x1x4x76xf32>
    %get3A_370 = vector.shape_cast %get3A_369 : vector<1x1x1x4x76xf32> to vector<4x76xf32>
    %get3A_371 = arith.constant 0 : index
    %get3A_372 = arith.constant 0 : index
    %get3A_373 = arith.constant 4 : index
    %get3A_374 = arith.constant 72 : index
    %get3A_375 = arith.constant 0 : index
    %get3A_376 = vector.load %arg1[%get3A_371, %get3A_372, %get3A_373, %get3A_374, %get3A_375] : memref<1x3x5x76x76xf32, #tpu.memory_space<vmem>>, vector<1x1x1x4x76xf32>
    %get3A_377 = vector.shape_cast %get3A_376 : vector<1x1x1x4x76xf32> to vector<4x76xf32>
    %iota3A_378 = tpu.iota {dimensions = array<i32: 1>} : vector<4x76xi32>
    %convert_element_type3A_379 = arith.sitofp %iota3A_378 : vector<4x76xi32> to vector<4x76xf32>
    %iota3A_380 = tpu.iota {dimensions = array<i32: 0>} : vector<4x76xi32>
    %convert_element_type3A_381 = arith.sitofp %iota3A_380 : vector<4x76xi32> to vector<4x76xf32>
    %add3A_382 = arith.constant 7.200000e+01 : f32
    %add3A_383 = vector.broadcast %add3A_382 : f32 to vector<4x76xf32>
    %add3A_384 = arith.addf %convert_element_type3A_381, %add3A_383 : vector<4x76xf32>
    %neg3A_385 = arith.constant 0.000000e+00 : f32
    %neg3A_386 = vector.broadcast %neg3A_385 : f32 to vector<4x76xf32>
    %neg3A_387 = arith.subf %neg3A_386, %get3A_349 : vector<4x76xf32>
    %exp3A_388 = math.exp %neg3A_387 : vector<4x76xf32>
    %add3A_389 = arith.constant 1.000000e+00 : f32
    %add3A_390 = vector.broadcast %add3A_389 : f32 to vector<4x76xf32>
    %add3A_391 = arith.addf %add3A_390, %exp3A_388 : vector<4x76xf32>
    %div3A_392 = arith.constant 1.000000e+00 : f32
    %div3A_393 = vector.broadcast %div3A_392 : f32 to vector<4x76xf32>
    %div3A_394 = arith.divf %div3A_393, %add3A_391 : vector<4x76xf32>
    %add3A_395 = arith.addf %div3A_394, %convert_element_type3A_379 : vector<4x76xf32>
    %neg3A_396 = arith.constant 0.000000e+00 : f32
    %neg3A_397 = vector.broadcast %neg3A_396 : f32 to vector<4x76xf32>
    %neg3A_398 = arith.subf %neg3A_397, %get3A_356 : vector<4x76xf32>
    %exp3A_399 = math.exp %neg3A_398 : vector<4x76xf32>
    %add3A_400 = arith.constant 1.000000e+00 : f32
    %add3A_401 = vector.broadcast %add3A_400 : f32 to vector<4x76xf32>
    %add3A_402 = arith.addf %add3A_401, %exp3A_399 : vector<4x76xf32>
    %div3A_403 = arith.constant 1.000000e+00 : f32
    %div3A_404 = vector.broadcast %div3A_403 : f32 to vector<4x76xf32>
    %div3A_405 = arith.divf %div3A_404, %add3A_402 : vector<4x76xf32>
    %add3A_406 = arith.addf %div3A_405, %add3A_384 : vector<4x76xf32>
    %exp3A_407 = math.exp %get3A_363 : vector<4x76xf32>
    %mul3A_408 = arith.constant 1.250000e+00 : f32
    %mul3A_409 = vector.broadcast %mul3A_408 : f32 to vector<4x76xf32>
    %mul3A_410 = arith.mulf %exp3A_407, %mul3A_409 : vector<4x76xf32>
    %exp3A_411 = math.exp %get3A_370 : vector<4x76xf32>
    %mul3A_412 = arith.constant 1.625000e+00 : f32
    %mul3A_413 = vector.broadcast %mul3A_412 : f32 to vector<4x76xf32>
    %mul3A_414 = arith.mulf %exp3A_411, %mul3A_413 : vector<4x76xf32>
    %div3A_415 = arith.constant 2.000000e+00 : f32
    %div3A_416 = vector.broadcast %div3A_415 : f32 to vector<4x76xf32>
    %div3A_417 = arith.divf %mul3A_410, %div3A_416 : vector<4x76xf32>
    %sub3A_418 = arith.subf %add3A_395, %div3A_417 : vector<4x76xf32>
    %div3A_419 = arith.constant 2.000000e+00 : f32
    %div3A_420 = vector.broadcast %div3A_419 : f32 to vector<4x76xf32>
    %div3A_421 = arith.divf %mul3A_410, %div3A_420 : vector<4x76xf32>
    %add3A_422 = arith.addf %add3A_395, %div3A_421 : vector<4x76xf32>
    %div3A_423 = arith.constant 2.000000e+00 : f32
    %div3A_424 = vector.broadcast %div3A_423 : f32 to vector<4x76xf32>
    %div3A_425 = arith.divf %mul3A_414, %div3A_424 : vector<4x76xf32>
    %sub3A_426 = arith.subf %add3A_406, %div3A_425 : vector<4x76xf32>
    %div3A_427 = arith.constant 2.000000e+00 : f32
    %div3A_428 = vector.broadcast %div3A_427 : f32 to vector<4x76xf32>
    %div3A_429 = arith.divf %mul3A_414, %div3A_428 : vector<4x76xf32>
    %add3A_430 = arith.addf %add3A_406, %div3A_429 : vector<4x76xf32>
    %mul3A_431 = arith.mulf %mul3A_410, %mul3A_414 : vector<4x76xf32>
    %mul3A_432 = arith.constant 0.411764711 : f32
    %mul3A_433 = vector.broadcast %mul3A_432 : f32 to vector<4x76xf32>
    %mul3A_434 = arith.mulf %mul3A_433, %mul3A_431 : vector<4x76xf32>
    %broadcast_in_dim3A_435 = arith.constant -1.000000e+30 : f32
    %broadcast_in_dim3A_436 = vector.broadcast %broadcast_in_dim3A_435 : f32 to vector<4x76xf32>
    %scan3A_437 = arith.constant 0 : i32
    %scan3A_438 = arith.constant 100 : i32
    %scan3A_439 = arith.addi %scan3A_437, %scan3A_438 : i32
    %scan3A_440 = arith.constant 1 : i32
    %scan3A_441 = scf.for %scan3A_1713 = %scan3A_437 to %scan3A_439 step %scan3A_440 iter_args(%scan3A_1714 = %broadcast_in_dim3A_436) -> (vector<4x76xf32>)  : i32 {
      %get3A_1715 = arith.constant 0 : index
      %get3A_1716 = arith.index_cast %scan3A_1713 : i32 to index
      %get3A_1717 = arith.constant 0 : index
      %get3A_1718 = memref.load %arg3[%get3A_1715, %get3A_1716, %get3A_1717] : memref<1x100x5xf32, #tpu.memory_space<smem>>
      %get3A_1719 = arith.constant 0 : index
      %get3A_1720 = arith.index_cast %scan3A_1713 : i32 to index
      %get3A_1721 = arith.constant 1 : index
      %get3A_1722 = memref.load %arg3[%get3A_1719, %get3A_1720, %get3A_1721] : memref<1x100x5xf32, #tpu.memory_space<smem>>
      %get3A_1723 = arith.constant 0 : index
      %get3A_1724 = arith.index_cast %scan3A_1713 : i32 to index
      %get3A_1725 = arith.constant 2 : index
      %get3A_1726 = memref.load %arg3[%get3A_1723, %get3A_1724, %get3A_1725] : memref<1x100x5xf32, #tpu.memory_space<smem>>
      %get3A_1727 = arith.constant 0 : index
      %get3A_1728 = arith.index_cast %scan3A_1713 : i32 to index
      %get3A_1729 = arith.constant 3 : index
      %get3A_1730 = memref.load %arg3[%get3A_1727, %get3A_1728, %get3A_1729] : memref<1x100x5xf32, #tpu.memory_space<smem>>
      %get3A_1731 = arith.constant 0 : index
      %get3A_1732 = arith.index_cast %scan3A_1713 : i32 to index
      %get3A_1733 = arith.constant 4 : index
      %get3A_1734 = memref.load %arg3[%get3A_1731, %get3A_1732, %get3A_1733] : memref<1x100x5xf32, #tpu.memory_space<smem>>
      %min3A_1735 = vector.broadcast %get3A_1722 : f32 to vector<4x76xf32>
      %min3A_1736 = arith.minimumf %add3A_422, %min3A_1735 : vector<4x76xf32>
      %max3A_1737 = vector.broadcast %get3A_1718 : f32 to vector<4x76xf32>
      %max3A_1738 = arith.maximumf %sub3A_418, %max3A_1737 : vector<4x76xf32>
      %sub3A_1739 = arith.subf %min3A_1736, %max3A_1738 : vector<4x76xf32>
      %min3A_1740 = vector.broadcast %get3A_1730 : f32 to vector<4x76xf32>
      %min3A_1741 = arith.minimumf %add3A_430, %min3A_1740 : vector<4x76xf32>
      %max3A_1742 = vector.broadcast %get3A_1726 : f32 to vector<4x76xf32>
      %max3A_1743 = arith.maximumf %sub3A_426, %max3A_1742 : vector<4x76xf32>
      %sub3A_1744 = arith.subf %min3A_1741, %max3A_1743 : vector<4x76xf32>
      %max3A_1745 = arith.constant 0.000000e+00 : f32
      %max3A_1746 = vector.broadcast %max3A_1745 : f32 to vector<4x76xf32>
      %max3A_1747 = arith.maximumf %sub3A_1739, %max3A_1746 : vector<4x76xf32>
      %mul3A_1748 = arith.mulf %max3A_1747, %sub3A_1744 : vector<4x76xf32>
      %sub3A_1749 = vector.broadcast %get3A_1734 : f32 to vector<4x76xf32>
      %sub3A_1750 = arith.subf %mul3A_1748, %sub3A_1749 : vector<4x76xf32>
      %max3A_1751 = arith.maximumf %scan3A_1714, %sub3A_1750 : vector<4x76xf32>
      scf.yield %max3A_1751 : vector<4x76xf32>
    }
    %scan3A_442 = arith.constant 100 : i32
    %gt3A_443 = arith.cmpf ogt, %scan3A_441, %mul3A_434 : vector<4x76xf32>
    %max3A_444 = arith.constant 0.000000e+00 : f32
    %max3A_445 = vector.broadcast %max3A_444 : f32 to vector<4x76xf32>
    %max3A_446 = arith.maximumf %get3A_377, %max3A_445 : vector<4x76xf32>
    %abs3A_447 = math.absf %get3A_377 : vector<4x76xf32>
    %neg3A_448 = arith.constant 0.000000e+00 : f32
    %neg3A_449 = vector.broadcast %neg3A_448 : f32 to vector<4x76xf32>
    %neg3A_450 = arith.subf %neg3A_449, %abs3A_447 : vector<4x76xf32>
    %exp3A_451 = math.exp %neg3A_450 : vector<4x76xf32>
    %log1p3A_452 = math.log1p %exp3A_451 : vector<4x76xf32>
    %add3A_453 = arith.addf %max3A_446, %log1p3A_452 : vector<4x76xf32>
    %jit3A_454 = arith.constant 0.000000e+00 : f32
    %broadcast_in_dim3A_455 = vector.broadcast %jit3A_454 : f32 to vector<4x76xf32>
    %select_n3A_456 = arith.select %gt3A_443, %broadcast_in_dim3A_455, %add3A_453 : vector<4x76xi1>, vector<4x76xf32>
    %reduce_sum3A_457 = vector.shape_cast %select_n3A_456 : vector<4x76xf32> to vector<1x4x76xf32>
    %reduce_sum3A_458 = arith.constant dense<0.000000e+00> : vector<1xf32>
    %reduce_sum3A_459 = vector.multi_reduction <add>, %reduce_sum3A_457, %reduce_sum3A_458 [1, 2] : vector<1x4x76xf32> to vector<1xf32>
    %reduce_sum3A_460 = vector.shape_cast %reduce_sum3A_459 : vector<1xf32> to vector<1x1x1xf32>
    %reduce_sum3A_461 = vector.extract %reduce_sum3A_460[0, 0, 0] : f32 from vector<1x1x1xf32>
    %add3A_462 = arith.addf %add3A_342, %reduce_sum3A_461 : f32
    %get3A_463 = arith.constant 0 : index
    %get3A_464 = arith.constant 1 : index
    %get3A_465 = arith.constant 0 : index
    %get3A_466 = arith.constant 0 : index
    %get3A_467 = arith.constant 0 : index
    %get3A_468 = vector.load %arg1[%get3A_463, %get3A_464, %get3A_465, %get3A_466, %get3A_467] : memref<1x3x5x76x76xf32, #tpu.memory_space<vmem>>, vector<1x1x1x24x76xf32>
    %get3A_469 = vector.shape_cast %get3A_468 : vector<1x1x1x24x76xf32> to vector<24x76xf32>
    %get3A_470 = arith.constant 0 : index
    %get3A_471 = arith.constant 1 : index
    %get3A_472 = arith.constant 1 : index
    %get3A_473 = arith.constant 0 : index
    %get3A_474 = arith.constant 0 : index
    %get3A_475 = vector.load %arg1[%get3A_470, %get3A_471, %get3A_472, %get3A_473, %get3A_474] : memref<1x3x5x76x76xf32, #tpu.memory_space<vmem>>, vector<1x1x1x24x76xf32>
    %get3A_476 = vector.shape_cast %get3A_475 : vector<1x1x1x24x76xf32> to vector<24x76xf32>
    %get3A_477 = arith.constant 0 : index
    %get3A_478 = arith.constant 1 : index
    %get3A_479 = arith.constant 2 : index
    %get3A_480 = arith.constant 0 : index
    %get3A_481 = arith.constant 0 : index
    %get3A_482 = vector.load %arg1[%get3A_477, %get3A_478, %get3A_479, %get3A_480, %get3A_481] : memref<1x3x5x76x76xf32, #tpu.memory_space<vmem>>, vector<1x1x1x24x76xf32>
    %get3A_483 = vector.shape_cast %get3A_482 : vector<1x1x1x24x76xf32> to vector<24x76xf32>
    %get3A_484 = arith.constant 0 : index
    %get3A_485 = arith.constant 1 : index
    %get3A_486 = arith.constant 3 : index
    %get3A_487 = arith.constant 0 : index
    %get3A_488 = arith.constant 0 : index
    %get3A_489 = vector.load %arg1[%get3A_484, %get3A_485, %get3A_486, %get3A_487, %get3A_488] : memref<1x3x5x76x76xf32, #tpu.memory_space<vmem>>, vector<1x1x1x24x76xf32>
    %get3A_490 = vector.shape_cast %get3A_489 : vector<1x1x1x24x76xf32> to vector<24x76xf32>
    %get3A_491 = arith.constant 0 : index
    %get3A_492 = arith.constant 1 : index
    %get3A_493 = arith.constant 4 : index
    %get3A_494 = arith.constant 0 : index
    %get3A_495 = arith.constant 0 : index
    %get3A_496 = vector.load %arg1[%get3A_491, %get3A_492, %get3A_493, %get3A_494, %get3A_495] : memref<1x3x5x76x76xf32, #tpu.memory_space<vmem>>, vector<1x1x1x24x76xf32>
    %get3A_497 = vector.shape_cast %get3A_496 : vector<1x1x1x24x76xf32> to vector<24x76xf32>
    %iota3A_498 = tpu.iota {dimensions = array<i32: 1>} : vector<24x76xi32>
    %convert_element_type3A_499 = arith.sitofp %iota3A_498 : vector<24x76xi32> to vector<24x76xf32>
    %iota3A_500 = tpu.iota {dimensions = array<i32: 0>} : vector<24x76xi32>
    %convert_element_type3A_501 = arith.sitofp %iota3A_500 : vector<24x76xi32> to vector<24x76xf32>
    %add3A_502 = arith.constant 0.000000e+00 : f32
    %add3A_503 = vector.broadcast %add3A_502 : f32 to vector<24x76xf32>
    %add3A_504 = arith.addf %convert_element_type3A_501, %add3A_503 : vector<24x76xf32>
    %neg3A_505 = arith.constant 0.000000e+00 : f32
    %neg3A_506 = vector.broadcast %neg3A_505 : f32 to vector<24x76xf32>
    %neg3A_507 = arith.subf %neg3A_506, %get3A_469 : vector<24x76xf32>
    %exp3A_508 = math.exp %neg3A_507 : vector<24x76xf32>
    %add3A_509 = arith.constant 1.000000e+00 : f32
    %add3A_510 = vector.broadcast %add3A_509 : f32 to vector<24x76xf32>
    %add3A_511 = arith.addf %add3A_510, %exp3A_508 : vector<24x76xf32>
    %div3A_512 = arith.constant 1.000000e+00 : f32
    %div3A_513 = vector.broadcast %div3A_512 : f32 to vector<24x76xf32>
    %div3A_514 = arith.divf %div3A_513, %add3A_511 : vector<24x76xf32>
    %add3A_515 = arith.addf %div3A_514, %convert_element_type3A_499 : vector<24x76xf32>
    %neg3A_516 = arith.constant 0.000000e+00 : f32
    %neg3A_517 = vector.broadcast %neg3A_516 : f32 to vector<24x76xf32>
    %neg3A_518 = arith.subf %neg3A_517, %get3A_476 : vector<24x76xf32>
    %exp3A_519 = math.exp %neg3A_518 : vector<24x76xf32>
    %add3A_520 = arith.constant 1.000000e+00 : f32
    %add3A_521 = vector.broadcast %add3A_520 : f32 to vector<24x76xf32>
    %add3A_522 = arith.addf %add3A_521, %exp3A_519 : vector<24x76xf32>
    %div3A_523 = arith.constant 1.000000e+00 : f32
    %div3A_524 = vector.broadcast %div3A_523 : f32 to vector<24x76xf32>
    %div3A_525 = arith.divf %div3A_524, %add3A_522 : vector<24x76xf32>
    %add3A_526 = arith.addf %div3A_525, %add3A_504 : vector<24x76xf32>
    %exp3A_527 = math.exp %get3A_483 : vector<24x76xf32>
    %mul3A_528 = arith.constant 2.000000e+00 : f32
    %mul3A_529 = vector.broadcast %mul3A_528 : f32 to vector<24x76xf32>
    %mul3A_530 = arith.mulf %exp3A_527, %mul3A_529 : vector<24x76xf32>
    %exp3A_531 = math.exp %get3A_490 : vector<24x76xf32>
    %mul3A_532 = arith.constant 3.750000e+00 : f32
    %mul3A_533 = vector.broadcast %mul3A_532 : f32 to vector<24x76xf32>
    %mul3A_534 = arith.mulf %exp3A_531, %mul3A_533 : vector<24x76xf32>
    %div3A_535 = arith.constant 2.000000e+00 : f32
    %div3A_536 = vector.broadcast %div3A_535 : f32 to vector<24x76xf32>
    %div3A_537 = arith.divf %mul3A_530, %div3A_536 : vector<24x76xf32>
    %sub3A_538 = arith.subf %add3A_515, %div3A_537 : vector<24x76xf32>
    %div3A_539 = arith.constant 2.000000e+00 : f32
    %div3A_540 = vector.broadcast %div3A_539 : f32 to vector<24x76xf32>
    %div3A_541 = arith.divf %mul3A_530, %div3A_540 : vector<24x76xf32>
    %add3A_542 = arith.addf %add3A_515, %div3A_541 : vector<24x76xf32>
    %div3A_543 = arith.constant 2.000000e+00 : f32
    %div3A_544 = vector.broadcast %div3A_543 : f32 to vector<24x76xf32>
    %div3A_545 = arith.divf %mul3A_534, %div3A_544 : vector<24x76xf32>
    %sub3A_546 = arith.subf %add3A_526, %div3A_545 : vector<24x76xf32>
    %div3A_547 = arith.constant 2.000000e+00 : f32
    %div3A_548 = vector.broadcast %div3A_547 : f32 to vector<24x76xf32>
    %div3A_549 = arith.divf %mul3A_534, %div3A_548 : vector<24x76xf32>
    %add3A_550 = arith.addf %add3A_526, %div3A_549 : vector<24x76xf32>
    %mul3A_551 = arith.mulf %mul3A_530, %mul3A_534 : vector<24x76xf32>
    %mul3A_552 = arith.constant 0.411764711 : f32
    %mul3A_553 = vector.broadcast %mul3A_552 : f32 to vector<24x76xf32>
    %mul3A_554 = arith.mulf %mul3A_553, %mul3A_551 : vector<24x76xf32>
    %broadcast_in_dim3A_555 = arith.constant -1.000000e+30 : f32
    %broadcast_in_dim3A_556 = vector.broadcast %broadcast_in_dim3A_555 : f32 to vector<24x76xf32>
    %scan3A_557 = arith.constant 0 : i32
    %scan3A_558 = arith.constant 100 : i32
    %scan3A_559 = arith.addi %scan3A_557, %scan3A_558 : i32
    %scan3A_560 = arith.constant 1 : i32
    %scan3A_561 = scf.for %scan3A_1713 = %scan3A_557 to %scan3A_559 step %scan3A_560 iter_args(%scan3A_1714 = %broadcast_in_dim3A_556) -> (vector<24x76xf32>)  : i32 {
      %get3A_1715 = arith.constant 0 : index
      %get3A_1716 = arith.index_cast %scan3A_1713 : i32 to index
      %get3A_1717 = arith.constant 0 : index
      %get3A_1718 = memref.load %arg3[%get3A_1715, %get3A_1716, %get3A_1717] : memref<1x100x5xf32, #tpu.memory_space<smem>>
      %get3A_1719 = arith.constant 0 : index
      %get3A_1720 = arith.index_cast %scan3A_1713 : i32 to index
      %get3A_1721 = arith.constant 1 : index
      %get3A_1722 = memref.load %arg3[%get3A_1719, %get3A_1720, %get3A_1721] : memref<1x100x5xf32, #tpu.memory_space<smem>>
      %get3A_1723 = arith.constant 0 : index
      %get3A_1724 = arith.index_cast %scan3A_1713 : i32 to index
      %get3A_1725 = arith.constant 2 : index
      %get3A_1726 = memref.load %arg3[%get3A_1723, %get3A_1724, %get3A_1725] : memref<1x100x5xf32, #tpu.memory_space<smem>>
      %get3A_1727 = arith.constant 0 : index
      %get3A_1728 = arith.index_cast %scan3A_1713 : i32 to index
      %get3A_1729 = arith.constant 3 : index
      %get3A_1730 = memref.load %arg3[%get3A_1727, %get3A_1728, %get3A_1729] : memref<1x100x5xf32, #tpu.memory_space<smem>>
      %get3A_1731 = arith.constant 0 : index
      %get3A_1732 = arith.index_cast %scan3A_1713 : i32 to index
      %get3A_1733 = arith.constant 4 : index
      %get3A_1734 = memref.load %arg3[%get3A_1731, %get3A_1732, %get3A_1733] : memref<1x100x5xf32, #tpu.memory_space<smem>>
      %min3A_1735 = vector.broadcast %get3A_1722 : f32 to vector<24x76xf32>
      %min3A_1736 = arith.minimumf %add3A_542, %min3A_1735 : vector<24x76xf32>
      %max3A_1737 = vector.broadcast %get3A_1718 : f32 to vector<24x76xf32>
      %max3A_1738 = arith.maximumf %sub3A_538, %max3A_1737 : vector<24x76xf32>
      %sub3A_1739 = arith.subf %min3A_1736, %max3A_1738 : vector<24x76xf32>
      %min3A_1740 = vector.broadcast %get3A_1730 : f32 to vector<24x76xf32>
      %min3A_1741 = arith.minimumf %add3A_550, %min3A_1740 : vector<24x76xf32>
      %max3A_1742 = vector.broadcast %get3A_1726 : f32 to vector<24x76xf32>
      %max3A_1743 = arith.maximumf %sub3A_546, %max3A_1742 : vector<24x76xf32>
      %sub3A_1744 = arith.subf %min3A_1741, %max3A_1743 : vector<24x76xf32>
      %max3A_1745 = arith.constant 0.000000e+00 : f32
      %max3A_1746 = vector.broadcast %max3A_1745 : f32 to vector<24x76xf32>
      %max3A_1747 = arith.maximumf %sub3A_1739, %max3A_1746 : vector<24x76xf32>
      %mul3A_1748 = arith.mulf %max3A_1747, %sub3A_1744 : vector<24x76xf32>
      %sub3A_1749 = vector.broadcast %get3A_1734 : f32 to vector<24x76xf32>
      %sub3A_1750 = arith.subf %mul3A_1748, %sub3A_1749 : vector<24x76xf32>
      %max3A_1751 = arith.maximumf %scan3A_1714, %sub3A_1750 : vector<24x76xf32>
      scf.yield %max3A_1751 : vector<24x76xf32>
    }
    %scan3A_562 = arith.constant 100 : i32
    %gt3A_563 = arith.cmpf ogt, %scan3A_561, %mul3A_554 : vector<24x76xf32>
    %max3A_564 = arith.constant 0.000000e+00 : f32
    %max3A_565 = vector.broadcast %max3A_564 : f32 to vector<24x76xf32>
    %max3A_566 = arith.maximumf %get3A_497, %max3A_565 : vector<24x76xf32>
    %abs3A_567 = math.absf %get3A_497 : vector<24x76xf32>
    %neg3A_568 = arith.constant 0.000000e+00 : f32
    %neg3A_569 = vector.broadcast %neg3A_568 : f32 to vector<24x76xf32>
    %neg3A_570 = arith.subf %neg3A_569, %abs3A_567 : vector<24x76xf32>
    %exp3A_571 = math.exp %neg3A_570 : vector<24x76xf32>
    %log1p3A_572 = math.log1p %exp3A_571 : vector<24x76xf32>
    %add3A_573 = arith.addf %max3A_566, %log1p3A_572 : vector<24x76xf32>
    %jit3A_574 = arith.constant 0.000000e+00 : f32
    %broadcast_in_dim3A_575 = vector.broadcast %jit3A_574 : f32 to vector<24x76xf32>
    %select_n3A_576 = arith.select %gt3A_563, %broadcast_in_dim3A_575, %add3A_573 : vector<24x76xi1>, vector<24x76xf32>
    %reduce_sum3A_577 = vector.shape_cast %select_n3A_576 : vector<24x76xf32> to vector<1x24x76xf32>
    %reduce_sum3A_578 = arith.constant dense<0.000000e+00> : vector<1xf32>
    %reduce_sum3A_579 = vector.multi_reduction <add>, %reduce_sum3A_577, %reduce_sum3A_578 [1, 2] : vector<1x24x76xf32> to vector<1xf32>
    %reduce_sum3A_580 = vector.shape_cast %reduce_sum3A_579 : vector<1xf32> to vector<1x1x1xf32>
    %reduce_sum3A_581 = vector.extract %reduce_sum3A_580[0, 0, 0] : f32 from vector<1x1x1xf32>
    %add3A_582 = arith.addf %add3A_462, %reduce_sum3A_581 : f32
    %get3A_583 = arith.constant 0 : index
    %get3A_584 = arith.constant 1 : index
    %get3A_585 = arith.constant 0 : index
    %get3A_586 = arith.constant 24 : index
    %get3A_587 = arith.constant 0 : index
    %get3A_588 = vector.load %arg1[%get3A_583, %get3A_584, %get3A_585, %get3A_586, %get3A_587] : memref<1x3x5x76x76xf32, #tpu.memory_space<vmem>>, vector<1x1x1x24x76xf32>
    %get3A_589 = vector.shape_cast %get3A_588 : vector<1x1x1x24x76xf32> to vector<24x76xf32>
    %get3A_590 = arith.constant 0 : index
    %get3A_591 = arith.constant 1 : index
    %get3A_592 = arith.constant 1 : index
    %get3A_593 = arith.constant 24 : index
    %get3A_594 = arith.constant 0 : index
    %get3A_595 = vector.load %arg1[%get3A_590, %get3A_591, %get3A_592, %get3A_593, %get3A_594] : memref<1x3x5x76x76xf32, #tpu.memory_space<vmem>>, vector<1x1x1x24x76xf32>
    %get3A_596 = vector.shape_cast %get3A_595 : vector<1x1x1x24x76xf32> to vector<24x76xf32>
    %get3A_597 = arith.constant 0 : index
    %get3A_598 = arith.constant 1 : index
    %get3A_599 = arith.constant 2 : index
    %get3A_600 = arith.constant 24 : index
    %get3A_601 = arith.constant 0 : index
    %get3A_602 = vector.load %arg1[%get3A_597, %get3A_598, %get3A_599, %get3A_600, %get3A_601] : memref<1x3x5x76x76xf32, #tpu.memory_space<vmem>>, vector<1x1x1x24x76xf32>
    %get3A_603 = vector.shape_cast %get3A_602 : vector<1x1x1x24x76xf32> to vector<24x76xf32>
    %get3A_604 = arith.constant 0 : index
    %get3A_605 = arith.constant 1 : index
    %get3A_606 = arith.constant 3 : index
    %get3A_607 = arith.constant 24 : index
    %get3A_608 = arith.constant 0 : index
    %get3A_609 = vector.load %arg1[%get3A_604, %get3A_605, %get3A_606, %get3A_607, %get3A_608] : memref<1x3x5x76x76xf32, #tpu.memory_space<vmem>>, vector<1x1x1x24x76xf32>
    %get3A_610 = vector.shape_cast %get3A_609 : vector<1x1x1x24x76xf32> to vector<24x76xf32>
    %get3A_611 = arith.constant 0 : index
    %get3A_612 = arith.constant 1 : index
    %get3A_613 = arith.constant 4 : index
    %get3A_614 = arith.constant 24 : index
    %get3A_615 = arith.constant 0 : index
    %get3A_616 = vector.load %arg1[%get3A_611, %get3A_612, %get3A_613, %get3A_614, %get3A_615] : memref<1x3x5x76x76xf32, #tpu.memory_space<vmem>>, vector<1x1x1x24x76xf32>
    %get3A_617 = vector.shape_cast %get3A_616 : vector<1x1x1x24x76xf32> to vector<24x76xf32>
    %iota3A_618 = tpu.iota {dimensions = array<i32: 1>} : vector<24x76xi32>
    %convert_element_type3A_619 = arith.sitofp %iota3A_618 : vector<24x76xi32> to vector<24x76xf32>
    %iota3A_620 = tpu.iota {dimensions = array<i32: 0>} : vector<24x76xi32>
    %convert_element_type3A_621 = arith.sitofp %iota3A_620 : vector<24x76xi32> to vector<24x76xf32>
    %add3A_622 = arith.constant 2.400000e+01 : f32
    %add3A_623 = vector.broadcast %add3A_622 : f32 to vector<24x76xf32>
    %add3A_624 = arith.addf %convert_element_type3A_621, %add3A_623 : vector<24x76xf32>
    %neg3A_625 = arith.constant 0.000000e+00 : f32
    %neg3A_626 = vector.broadcast %neg3A_625 : f32 to vector<24x76xf32>
    %neg3A_627 = arith.subf %neg3A_626, %get3A_589 : vector<24x76xf32>
    %exp3A_628 = math.exp %neg3A_627 : vector<24x76xf32>
    %add3A_629 = arith.constant 1.000000e+00 : f32
    %add3A_630 = vector.broadcast %add3A_629 : f32 to vector<24x76xf32>
    %add3A_631 = arith.addf %add3A_630, %exp3A_628 : vector<24x76xf32>
    %div3A_632 = arith.constant 1.000000e+00 : f32
    %div3A_633 = vector.broadcast %div3A_632 : f32 to vector<24x76xf32>
    %div3A_634 = arith.divf %div3A_633, %add3A_631 : vector<24x76xf32>
    %add3A_635 = arith.addf %div3A_634, %convert_element_type3A_619 : vector<24x76xf32>
    %neg3A_636 = arith.constant 0.000000e+00 : f32
    %neg3A_637 = vector.broadcast %neg3A_636 : f32 to vector<24x76xf32>
    %neg3A_638 = arith.subf %neg3A_637, %get3A_596 : vector<24x76xf32>
    %exp3A_639 = math.exp %neg3A_638 : vector<24x76xf32>
    %add3A_640 = arith.constant 1.000000e+00 : f32
    %add3A_641 = vector.broadcast %add3A_640 : f32 to vector<24x76xf32>
    %add3A_642 = arith.addf %add3A_641, %exp3A_639 : vector<24x76xf32>
    %div3A_643 = arith.constant 1.000000e+00 : f32
    %div3A_644 = vector.broadcast %div3A_643 : f32 to vector<24x76xf32>
    %div3A_645 = arith.divf %div3A_644, %add3A_642 : vector<24x76xf32>
    %add3A_646 = arith.addf %div3A_645, %add3A_624 : vector<24x76xf32>
    %exp3A_647 = math.exp %get3A_603 : vector<24x76xf32>
    %mul3A_648 = arith.constant 2.000000e+00 : f32
    %mul3A_649 = vector.broadcast %mul3A_648 : f32 to vector<24x76xf32>
    %mul3A_650 = arith.mulf %exp3A_647, %mul3A_649 : vector<24x76xf32>
    %exp3A_651 = math.exp %get3A_610 : vector<24x76xf32>
    %mul3A_652 = arith.constant 3.750000e+00 : f32
    %mul3A_653 = vector.broadcast %mul3A_652 : f32 to vector<24x76xf32>
    %mul3A_654 = arith.mulf %exp3A_651, %mul3A_653 : vector<24x76xf32>
    %div3A_655 = arith.constant 2.000000e+00 : f32
    %div3A_656 = vector.broadcast %div3A_655 : f32 to vector<24x76xf32>
    %div3A_657 = arith.divf %mul3A_650, %div3A_656 : vector<24x76xf32>
    %sub3A_658 = arith.subf %add3A_635, %div3A_657 : vector<24x76xf32>
    %div3A_659 = arith.constant 2.000000e+00 : f32
    %div3A_660 = vector.broadcast %div3A_659 : f32 to vector<24x76xf32>
    %div3A_661 = arith.divf %mul3A_650, %div3A_660 : vector<24x76xf32>
    %add3A_662 = arith.addf %add3A_635, %div3A_661 : vector<24x76xf32>
    %div3A_663 = arith.constant 2.000000e+00 : f32
    %div3A_664 = vector.broadcast %div3A_663 : f32 to vector<24x76xf32>
    %div3A_665 = arith.divf %mul3A_654, %div3A_664 : vector<24x76xf32>
    %sub3A_666 = arith.subf %add3A_646, %div3A_665 : vector<24x76xf32>
    %div3A_667 = arith.constant 2.000000e+00 : f32
    %div3A_668 = vector.broadcast %div3A_667 : f32 to vector<24x76xf32>
    %div3A_669 = arith.divf %mul3A_654, %div3A_668 : vector<24x76xf32>
    %add3A_670 = arith.addf %add3A_646, %div3A_669 : vector<24x76xf32>
    %mul3A_671 = arith.mulf %mul3A_650, %mul3A_654 : vector<24x76xf32>
    %mul3A_672 = arith.constant 0.411764711 : f32
    %mul3A_673 = vector.broadcast %mul3A_672 : f32 to vector<24x76xf32>
    %mul3A_674 = arith.mulf %mul3A_673, %mul3A_671 : vector<24x76xf32>
    %broadcast_in_dim3A_675 = arith.constant -1.000000e+30 : f32
    %broadcast_in_dim3A_676 = vector.broadcast %broadcast_in_dim3A_675 : f32 to vector<24x76xf32>
    %scan3A_677 = arith.constant 0 : i32
    %scan3A_678 = arith.constant 100 : i32
    %scan3A_679 = arith.addi %scan3A_677, %scan3A_678 : i32
    %scan3A_680 = arith.constant 1 : i32
    %scan3A_681 = scf.for %scan3A_1713 = %scan3A_677 to %scan3A_679 step %scan3A_680 iter_args(%scan3A_1714 = %broadcast_in_dim3A_676) -> (vector<24x76xf32>)  : i32 {
      %get3A_1715 = arith.constant 0 : index
      %get3A_1716 = arith.index_cast %scan3A_1713 : i32 to index
      %get3A_1717 = arith.constant 0 : index
      %get3A_1718 = memref.load %arg3[%get3A_1715, %get3A_1716, %get3A_1717] : memref<1x100x5xf32, #tpu.memory_space<smem>>
      %get3A_1719 = arith.constant 0 : index
      %get3A_1720 = arith.index_cast %scan3A_1713 : i32 to index
      %get3A_1721 = arith.constant 1 : index
      %get3A_1722 = memref.load %arg3[%get3A_1719, %get3A_1720, %get3A_1721] : memref<1x100x5xf32, #tpu.memory_space<smem>>
      %get3A_1723 = arith.constant 0 : index
      %get3A_1724 = arith.index_cast %scan3A_1713 : i32 to index
      %get3A_1725 = arith.constant 2 : index
      %get3A_1726 = memref.load %arg3[%get3A_1723, %get3A_1724, %get3A_1725] : memref<1x100x5xf32, #tpu.memory_space<smem>>
      %get3A_1727 = arith.constant 0 : index
      %get3A_1728 = arith.index_cast %scan3A_1713 : i32 to index
      %get3A_1729 = arith.constant 3 : index
      %get3A_1730 = memref.load %arg3[%get3A_1727, %get3A_1728, %get3A_1729] : memref<1x100x5xf32, #tpu.memory_space<smem>>
      %get3A_1731 = arith.constant 0 : index
      %get3A_1732 = arith.index_cast %scan3A_1713 : i32 to index
      %get3A_1733 = arith.constant 4 : index
      %get3A_1734 = memref.load %arg3[%get3A_1731, %get3A_1732, %get3A_1733] : memref<1x100x5xf32, #tpu.memory_space<smem>>
      %min3A_1735 = vector.broadcast %get3A_1722 : f32 to vector<24x76xf32>
      %min3A_1736 = arith.minimumf %add3A_662, %min3A_1735 : vector<24x76xf32>
      %max3A_1737 = vector.broadcast %get3A_1718 : f32 to vector<24x76xf32>
      %max3A_1738 = arith.maximumf %sub3A_658, %max3A_1737 : vector<24x76xf32>
      %sub3A_1739 = arith.subf %min3A_1736, %max3A_1738 : vector<24x76xf32>
      %min3A_1740 = vector.broadcast %get3A_1730 : f32 to vector<24x76xf32>
      %min3A_1741 = arith.minimumf %add3A_670, %min3A_1740 : vector<24x76xf32>
      %max3A_1742 = vector.broadcast %get3A_1726 : f32 to vector<24x76xf32>
      %max3A_1743 = arith.maximumf %sub3A_666, %max3A_1742 : vector<24x76xf32>
      %sub3A_1744 = arith.subf %min3A_1741, %max3A_1743 : vector<24x76xf32>
      %max3A_1745 = arith.constant 0.000000e+00 : f32
      %max3A_1746 = vector.broadcast %max3A_1745 : f32 to vector<24x76xf32>
      %max3A_1747 = arith.maximumf %sub3A_1739, %max3A_1746 : vector<24x76xf32>
      %mul3A_1748 = arith.mulf %max3A_1747, %sub3A_1744 : vector<24x76xf32>
      %sub3A_1749 = vector.broadcast %get3A_1734 : f32 to vector<24x76xf32>
      %sub3A_1750 = arith.subf %mul3A_1748, %sub3A_1749 : vector<24x76xf32>
      %max3A_1751 = arith.maximumf %scan3A_1714, %sub3A_1750 : vector<24x76xf32>
      scf.yield %max3A_1751 : vector<24x76xf32>
    }
    %scan3A_682 = arith.constant 100 : i32
    %gt3A_683 = arith.cmpf ogt, %scan3A_681, %mul3A_674 : vector<24x76xf32>
    %max3A_684 = arith.constant 0.000000e+00 : f32
    %max3A_685 = vector.broadcast %max3A_684 : f32 to vector<24x76xf32>
    %max3A_686 = arith.maximumf %get3A_617, %max3A_685 : vector<24x76xf32>
    %abs3A_687 = math.absf %get3A_617 : vector<24x76xf32>
    %neg3A_688 = arith.constant 0.000000e+00 : f32
    %neg3A_689 = vector.broadcast %neg3A_688 : f32 to vector<24x76xf32>
    %neg3A_690 = arith.subf %neg3A_689, %abs3A_687 : vector<24x76xf32>
    %exp3A_691 = math.exp %neg3A_690 : vector<24x76xf32>
    %log1p3A_692 = math.log1p %exp3A_691 : vector<24x76xf32>
    %add3A_693 = arith.addf %max3A_686, %log1p3A_692 : vector<24x76xf32>
    %jit3A_694 = arith.constant 0.000000e+00 : f32
    %broadcast_in_dim3A_695 = vector.broadcast %jit3A_694 : f32 to vector<24x76xf32>
    %select_n3A_696 = arith.select %gt3A_683, %broadcast_in_dim3A_695, %add3A_693 : vector<24x76xi1>, vector<24x76xf32>
    %reduce_sum3A_697 = vector.shape_cast %select_n3A_696 : vector<24x76xf32> to vector<1x24x76xf32>
    %reduce_sum3A_698 = arith.constant dense<0.000000e+00> : vector<1xf32>
    %reduce_sum3A_699 = vector.multi_reduction <add>, %reduce_sum3A_697, %reduce_sum3A_698 [1, 2] : vector<1x24x76xf32> to vector<1xf32>
    %reduce_sum3A_700 = vector.shape_cast %reduce_sum3A_699 : vector<1xf32> to vector<1x1x1xf32>
    %reduce_sum3A_701 = vector.extract %reduce_sum3A_700[0, 0, 0] : f32 from vector<1x1x1xf32>
    %add3A_702 = arith.addf %add3A_582, %reduce_sum3A_701 : f32
    %get3A_703 = arith.constant 0 : index
    %get3A_704 = arith.constant 1 : index
    %get3A_705 = arith.constant 0 : index
    %get3A_706 = arith.constant 48 : index
    %get3A_707 = arith.constant 0 : index
    %get3A_708 = vector.load %arg1[%get3A_703, %get3A_704, %get3A_705, %get3A_706, %get3A_707] : memref<1x3x5x76x76xf32, #tpu.memory_space<vmem>>, vector<1x1x1x24x76xf32>
    %get3A_709 = vector.shape_cast %get3A_708 : vector<1x1x1x24x76xf32> to vector<24x76xf32>
    %get3A_710 = arith.constant 0 : index
    %get3A_711 = arith.constant 1 : index
    %get3A_712 = arith.constant 1 : index
    %get3A_713 = arith.constant 48 : index
    %get3A_714 = arith.constant 0 : index
    %get3A_715 = vector.load %arg1[%get3A_710, %get3A_711, %get3A_712, %get3A_713, %get3A_714] : memref<1x3x5x76x76xf32, #tpu.memory_space<vmem>>, vector<1x1x1x24x76xf32>
    %get3A_716 = vector.shape_cast %get3A_715 : vector<1x1x1x24x76xf32> to vector<24x76xf32>
    %get3A_717 = arith.constant 0 : index
    %get3A_718 = arith.constant 1 : index
    %get3A_719 = arith.constant 2 : index
    %get3A_720 = arith.constant 48 : index
    %get3A_721 = arith.constant 0 : index
    %get3A_722 = vector.load %arg1[%get3A_717, %get3A_718, %get3A_719, %get3A_720, %get3A_721] : memref<1x3x5x76x76xf32, #tpu.memory_space<vmem>>, vector<1x1x1x24x76xf32>
    %get3A_723 = vector.shape_cast %get3A_722 : vector<1x1x1x24x76xf32> to vector<24x76xf32>
    %get3A_724 = arith.constant 0 : index
    %get3A_725 = arith.constant 1 : index
    %get3A_726 = arith.constant 3 : index
    %get3A_727 = arith.constant 48 : index
    %get3A_728 = arith.constant 0 : index
    %get3A_729 = vector.load %arg1[%get3A_724, %get3A_725, %get3A_726, %get3A_727, %get3A_728] : memref<1x3x5x76x76xf32, #tpu.memory_space<vmem>>, vector<1x1x1x24x76xf32>
    %get3A_730 = vector.shape_cast %get3A_729 : vector<1x1x1x24x76xf32> to vector<24x76xf32>
    %get3A_731 = arith.constant 0 : index
    %get3A_732 = arith.constant 1 : index
    %get3A_733 = arith.constant 4 : index
    %get3A_734 = arith.constant 48 : index
    %get3A_735 = arith.constant 0 : index
    %get3A_736 = vector.load %arg1[%get3A_731, %get3A_732, %get3A_733, %get3A_734, %get3A_735] : memref<1x3x5x76x76xf32, #tpu.memory_space<vmem>>, vector<1x1x1x24x76xf32>
    %get3A_737 = vector.shape_cast %get3A_736 : vector<1x1x1x24x76xf32> to vector<24x76xf32>
    %iota3A_738 = tpu.iota {dimensions = array<i32: 1>} : vector<24x76xi32>
    %convert_element_type3A_739 = arith.sitofp %iota3A_738 : vector<24x76xi32> to vector<24x76xf32>
    %iota3A_740 = tpu.iota {dimensions = array<i32: 0>} : vector<24x76xi32>
    %convert_element_type3A_741 = arith.sitofp %iota3A_740 : vector<24x76xi32> to vector<24x76xf32>
    %add3A_742 = arith.constant 4.800000e+01 : f32
    %add3A_743 = vector.broadcast %add3A_742 : f32 to vector<24x76xf32>
    %add3A_744 = arith.addf %convert_element_type3A_741, %add3A_743 : vector<24x76xf32>
    %neg3A_745 = arith.constant 0.000000e+00 : f32
    %neg3A_746 = vector.broadcast %neg3A_745 : f32 to vector<24x76xf32>
    %neg3A_747 = arith.subf %neg3A_746, %get3A_709 : vector<24x76xf32>
    %exp3A_748 = math.exp %neg3A_747 : vector<24x76xf32>
    %add3A_749 = arith.constant 1.000000e+00 : f32
    %add3A_750 = vector.broadcast %add3A_749 : f32 to vector<24x76xf32>
    %add3A_751 = arith.addf %add3A_750, %exp3A_748 : vector<24x76xf32>
    %div3A_752 = arith.constant 1.000000e+00 : f32
    %div3A_753 = vector.broadcast %div3A_752 : f32 to vector<24x76xf32>
    %div3A_754 = arith.divf %div3A_753, %add3A_751 : vector<24x76xf32>
    %add3A_755 = arith.addf %div3A_754, %convert_element_type3A_739 : vector<24x76xf32>
    %neg3A_756 = arith.constant 0.000000e+00 : f32
    %neg3A_757 = vector.broadcast %neg3A_756 : f32 to vector<24x76xf32>
    %neg3A_758 = arith.subf %neg3A_757, %get3A_716 : vector<24x76xf32>
    %exp3A_759 = math.exp %neg3A_758 : vector<24x76xf32>
    %add3A_760 = arith.constant 1.000000e+00 : f32
    %add3A_761 = vector.broadcast %add3A_760 : f32 to vector<24x76xf32>
    %add3A_762 = arith.addf %add3A_761, %exp3A_759 : vector<24x76xf32>
    %div3A_763 = arith.constant 1.000000e+00 : f32
    %div3A_764 = vector.broadcast %div3A_763 : f32 to vector<24x76xf32>
    %div3A_765 = arith.divf %div3A_764, %add3A_762 : vector<24x76xf32>
    %add3A_766 = arith.addf %div3A_765, %add3A_744 : vector<24x76xf32>
    %exp3A_767 = math.exp %get3A_723 : vector<24x76xf32>
    %mul3A_768 = arith.constant 2.000000e+00 : f32
    %mul3A_769 = vector.broadcast %mul3A_768 : f32 to vector<24x76xf32>
    %mul3A_770 = arith.mulf %exp3A_767, %mul3A_769 : vector<24x76xf32>
    %exp3A_771 = math.exp %get3A_730 : vector<24x76xf32>
    %mul3A_772 = arith.constant 3.750000e+00 : f32
    %mul3A_773 = vector.broadcast %mul3A_772 : f32 to vector<24x76xf32>
    %mul3A_774 = arith.mulf %exp3A_771, %mul3A_773 : vector<24x76xf32>
    %div3A_775 = arith.constant 2.000000e+00 : f32
    %div3A_776 = vector.broadcast %div3A_775 : f32 to vector<24x76xf32>
    %div3A_777 = arith.divf %mul3A_770, %div3A_776 : vector<24x76xf32>
    %sub3A_778 = arith.subf %add3A_755, %div3A_777 : vector<24x76xf32>
    %div3A_779 = arith.constant 2.000000e+00 : f32
    %div3A_780 = vector.broadcast %div3A_779 : f32 to vector<24x76xf32>
    %div3A_781 = arith.divf %mul3A_770, %div3A_780 : vector<24x76xf32>
    %add3A_782 = arith.addf %add3A_755, %div3A_781 : vector<24x76xf32>
    %div3A_783 = arith.constant 2.000000e+00 : f32
    %div3A_784 = vector.broadcast %div3A_783 : f32 to vector<24x76xf32>
    %div3A_785 = arith.divf %mul3A_774, %div3A_784 : vector<24x76xf32>
    %sub3A_786 = arith.subf %add3A_766, %div3A_785 : vector<24x76xf32>
    %div3A_787 = arith.constant 2.000000e+00 : f32
    %div3A_788 = vector.broadcast %div3A_787 : f32 to vector<24x76xf32>
    %div3A_789 = arith.divf %mul3A_774, %div3A_788 : vector<24x76xf32>
    %add3A_790 = arith.addf %add3A_766, %div3A_789 : vector<24x76xf32>
    %mul3A_791 = arith.mulf %mul3A_770, %mul3A_774 : vector<24x76xf32>
    %mul3A_792 = arith.constant 0.411764711 : f32
    %mul3A_793 = vector.broadcast %mul3A_792 : f32 to vector<24x76xf32>
    %mul3A_794 = arith.mulf %mul3A_793, %mul3A_791 : vector<24x76xf32>
    %broadcast_in_dim3A_795 = arith.constant -1.000000e+30 : f32
    %broadcast_in_dim3A_796 = vector.broadcast %broadcast_in_dim3A_795 : f32 to vector<24x76xf32>
    %scan3A_797 = arith.constant 0 : i32
    %scan3A_798 = arith.constant 100 : i32
    %scan3A_799 = arith.addi %scan3A_797, %scan3A_798 : i32
    %scan3A_800 = arith.constant 1 : i32
    %scan3A_801 = scf.for %scan3A_1713 = %scan3A_797 to %scan3A_799 step %scan3A_800 iter_args(%scan3A_1714 = %broadcast_in_dim3A_796) -> (vector<24x76xf32>)  : i32 {
      %get3A_1715 = arith.constant 0 : index
      %get3A_1716 = arith.index_cast %scan3A_1713 : i32 to index
      %get3A_1717 = arith.constant 0 : index
      %get3A_1718 = memref.load %arg3[%get3A_1715, %get3A_1716, %get3A_1717] : memref<1x100x5xf32, #tpu.memory_space<smem>>
      %get3A_1719 = arith.constant 0 : index
      %get3A_1720 = arith.index_cast %scan3A_1713 : i32 to index
      %get3A_1721 = arith.constant 1 : index
      %get3A_1722 = memref.load %arg3[%get3A_1719, %get3A_1720, %get3A_1721] : memref<1x100x5xf32, #tpu.memory_space<smem>>
      %get3A_1723 = arith.constant 0 : index
      %get3A_1724 = arith.index_cast %scan3A_1713 : i32 to index
      %get3A_1725 = arith.constant 2 : index
      %get3A_1726 = memref.load %arg3[%get3A_1723, %get3A_1724, %get3A_1725] : memref<1x100x5xf32, #tpu.memory_space<smem>>
      %get3A_1727 = arith.constant 0 : index
      %get3A_1728 = arith.index_cast %scan3A_1713 : i32 to index
      %get3A_1729 = arith.constant 3 : index
      %get3A_1730 = memref.load %arg3[%get3A_1727, %get3A_1728, %get3A_1729] : memref<1x100x5xf32, #tpu.memory_space<smem>>
      %get3A_1731 = arith.constant 0 : index
      %get3A_1732 = arith.index_cast %scan3A_1713 : i32 to index
      %get3A_1733 = arith.constant 4 : index
      %get3A_1734 = memref.load %arg3[%get3A_1731, %get3A_1732, %get3A_1733] : memref<1x100x5xf32, #tpu.memory_space<smem>>
      %min3A_1735 = vector.broadcast %get3A_1722 : f32 to vector<24x76xf32>
      %min3A_1736 = arith.minimumf %add3A_782, %min3A_1735 : vector<24x76xf32>
      %max3A_1737 = vector.broadcast %get3A_1718 : f32 to vector<24x76xf32>
      %max3A_1738 = arith.maximumf %sub3A_778, %max3A_1737 : vector<24x76xf32>
      %sub3A_1739 = arith.subf %min3A_1736, %max3A_1738 : vector<24x76xf32>
      %min3A_1740 = vector.broadcast %get3A_1730 : f32 to vector<24x76xf32>
      %min3A_1741 = arith.minimumf %add3A_790, %min3A_1740 : vector<24x76xf32>
      %max3A_1742 = vector.broadcast %get3A_1726 : f32 to vector<24x76xf32>
      %max3A_1743 = arith.maximumf %sub3A_786, %max3A_1742 : vector<24x76xf32>
      %sub3A_1744 = arith.subf %min3A_1741, %max3A_1743 : vector<24x76xf32>
      %max3A_1745 = arith.constant 0.000000e+00 : f32
      %max3A_1746 = vector.broadcast %max3A_1745 : f32 to vector<24x76xf32>
      %max3A_1747 = arith.maximumf %sub3A_1739, %max3A_1746 : vector<24x76xf32>
      %mul3A_1748 = arith.mulf %max3A_1747, %sub3A_1744 : vector<24x76xf32>
      %sub3A_1749 = vector.broadcast %get3A_1734 : f32 to vector<24x76xf32>
      %sub3A_1750 = arith.subf %mul3A_1748, %sub3A_1749 : vector<24x76xf32>
      %max3A_1751 = arith.maximumf %scan3A_1714, %sub3A_1750 : vector<24x76xf32>
      scf.yield %max3A_1751 : vector<24x76xf32>
    }
    %scan3A_802 = arith.constant 100 : i32
    %gt3A_803 = arith.cmpf ogt, %scan3A_801, %mul3A_794 : vector<24x76xf32>
    %max3A_804 = arith.constant 0.000000e+00 : f32
    %max3A_805 = vector.broadcast %max3A_804 : f32 to vector<24x76xf32>
    %max3A_806 = arith.maximumf %get3A_737, %max3A_805 : vector<24x76xf32>
    %abs3A_807 = math.absf %get3A_737 : vector<24x76xf32>
    %neg3A_808 = arith.constant 0.000000e+00 : f32
    %neg3A_809 = vector.broadcast %neg3A_808 : f32 to vector<24x76xf32>
    %neg3A_810 = arith.subf %neg3A_809, %abs3A_807 : vector<24x76xf32>
    %exp3A_811 = math.exp %neg3A_810 : vector<24x76xf32>
    %log1p3A_812 = math.log1p %exp3A_811 : vector<24x76xf32>
    %add3A_813 = arith.addf %max3A_806, %log1p3A_812 : vector<24x76xf32>
    %jit3A_814 = arith.constant 0.000000e+00 : f32
    %broadcast_in_dim3A_815 = vector.broadcast %jit3A_814 : f32 to vector<24x76xf32>
    %select_n3A_816 = arith.select %gt3A_803, %broadcast_in_dim3A_815, %add3A_813 : vector<24x76xi1>, vector<24x76xf32>
    %reduce_sum3A_817 = vector.shape_cast %select_n3A_816 : vector<24x76xf32> to vector<1x24x76xf32>
    %reduce_sum3A_818 = arith.constant dense<0.000000e+00> : vector<1xf32>
    %reduce_sum3A_819 = vector.multi_reduction <add>, %reduce_sum3A_817, %reduce_sum3A_818 [1, 2] : vector<1x24x76xf32> to vector<1xf32>
    %reduce_sum3A_820 = vector.shape_cast %reduce_sum3A_819 : vector<1xf32> to vector<1x1x1xf32>
    %reduce_sum3A_821 = vector.extract %reduce_sum3A_820[0, 0, 0] : f32 from vector<1x1x1xf32>
    %add3A_822 = arith.addf %add3A_702, %reduce_sum3A_821 : f32
    %get3A_823 = arith.constant 0 : index
    %get3A_824 = arith.constant 1 : index
    %get3A_825 = arith.constant 0 : index
    %get3A_826 = arith.constant 72 : index
    %get3A_827 = arith.constant 0 : index
    %get3A_828 = vector.load %arg1[%get3A_823, %get3A_824, %get3A_825, %get3A_826, %get3A_827] : memref<1x3x5x76x76xf32, #tpu.memory_space<vmem>>, vector<1x1x1x4x76xf32>
    %get3A_829 = vector.shape_cast %get3A_828 : vector<1x1x1x4x76xf32> to vector<4x76xf32>
    %get3A_830 = arith.constant 0 : index
    %get3A_831 = arith.constant 1 : index
    %get3A_832 = arith.constant 1 : index
    %get3A_833 = arith.constant 72 : index
    %get3A_834 = arith.constant 0 : index
    %get3A_835 = vector.load %arg1[%get3A_830, %get3A_831, %get3A_832, %get3A_833, %get3A_834] : memref<1x3x5x76x76xf32, #tpu.memory_space<vmem>>, vector<1x1x1x4x76xf32>
    %get3A_836 = vector.shape_cast %get3A_835 : vector<1x1x1x4x76xf32> to vector<4x76xf32>
    %get3A_837 = arith.constant 0 : index
    %get3A_838 = arith.constant 1 : index
    %get3A_839 = arith.constant 2 : index
    %get3A_840 = arith.constant 72 : index
    %get3A_841 = arith.constant 0 : index
    %get3A_842 = vector.load %arg1[%get3A_837, %get3A_838, %get3A_839, %get3A_840, %get3A_841] : memref<1x3x5x76x76xf32, #tpu.memory_space<vmem>>, vector<1x1x1x4x76xf32>
    %get3A_843 = vector.shape_cast %get3A_842 : vector<1x1x1x4x76xf32> to vector<4x76xf32>
    %get3A_844 = arith.constant 0 : index
    %get3A_845 = arith.constant 1 : index
    %get3A_846 = arith.constant 3 : index
    %get3A_847 = arith.constant 72 : index
    %get3A_848 = arith.constant 0 : index
    %get3A_849 = vector.load %arg1[%get3A_844, %get3A_845, %get3A_846, %get3A_847, %get3A_848] : memref<1x3x5x76x76xf32, #tpu.memory_space<vmem>>, vector<1x1x1x4x76xf32>
    %get3A_850 = vector.shape_cast %get3A_849 : vector<1x1x1x4x76xf32> to vector<4x76xf32>
    %get3A_851 = arith.constant 0 : index
    %get3A_852 = arith.constant 1 : index
    %get3A_853 = arith.constant 4 : index
    %get3A_854 = arith.constant 72 : index
    %get3A_855 = arith.constant 0 : index
    %get3A_856 = vector.load %arg1[%get3A_851, %get3A_852, %get3A_853, %get3A_854, %get3A_855] : memref<1x3x5x76x76xf32, #tpu.memory_space<vmem>>, vector<1x1x1x4x76xf32>
    %get3A_857 = vector.shape_cast %get3A_856 : vector<1x1x1x4x76xf32> to vector<4x76xf32>
    %iota3A_858 = tpu.iota {dimensions = array<i32: 1>} : vector<4x76xi32>
    %convert_element_type3A_859 = arith.sitofp %iota3A_858 : vector<4x76xi32> to vector<4x76xf32>
    %iota3A_860 = tpu.iota {dimensions = array<i32: 0>} : vector<4x76xi32>
    %convert_element_type3A_861 = arith.sitofp %iota3A_860 : vector<4x76xi32> to vector<4x76xf32>
    %add3A_862 = arith.constant 7.200000e+01 : f32
    %add3A_863 = vector.broadcast %add3A_862 : f32 to vector<4x76xf32>
    %add3A_864 = arith.addf %convert_element_type3A_861, %add3A_863 : vector<4x76xf32>
    %neg3A_865 = arith.constant 0.000000e+00 : f32
    %neg3A_866 = vector.broadcast %neg3A_865 : f32 to vector<4x76xf32>
    %neg3A_867 = arith.subf %neg3A_866, %get3A_829 : vector<4x76xf32>
    %exp3A_868 = math.exp %neg3A_867 : vector<4x76xf32>
    %add3A_869 = arith.constant 1.000000e+00 : f32
    %add3A_870 = vector.broadcast %add3A_869 : f32 to vector<4x76xf32>
    %add3A_871 = arith.addf %add3A_870, %exp3A_868 : vector<4x76xf32>
    %div3A_872 = arith.constant 1.000000e+00 : f32
    %div3A_873 = vector.broadcast %div3A_872 : f32 to vector<4x76xf32>
    %div3A_874 = arith.divf %div3A_873, %add3A_871 : vector<4x76xf32>
    %add3A_875 = arith.addf %div3A_874, %convert_element_type3A_859 : vector<4x76xf32>
    %neg3A_876 = arith.constant 0.000000e+00 : f32
    %neg3A_877 = vector.broadcast %neg3A_876 : f32 to vector<4x76xf32>
    %neg3A_878 = arith.subf %neg3A_877, %get3A_836 : vector<4x76xf32>
    %exp3A_879 = math.exp %neg3A_878 : vector<4x76xf32>
    %add3A_880 = arith.constant 1.000000e+00 : f32
    %add3A_881 = vector.broadcast %add3A_880 : f32 to vector<4x76xf32>
    %add3A_882 = arith.addf %add3A_881, %exp3A_879 : vector<4x76xf32>
    %div3A_883 = arith.constant 1.000000e+00 : f32
    %div3A_884 = vector.broadcast %div3A_883 : f32 to vector<4x76xf32>
    %div3A_885 = arith.divf %div3A_884, %add3A_882 : vector<4x76xf32>
    %add3A_886 = arith.addf %div3A_885, %add3A_864 : vector<4x76xf32>
    %exp3A_887 = math.exp %get3A_843 : vector<4x76xf32>
    %mul3A_888 = arith.constant 2.000000e+00 : f32
    %mul3A_889 = vector.broadcast %mul3A_888 : f32 to vector<4x76xf32>
    %mul3A_890 = arith.mulf %exp3A_887, %mul3A_889 : vector<4x76xf32>
    %exp3A_891 = math.exp %get3A_850 : vector<4x76xf32>
    %mul3A_892 = arith.constant 3.750000e+00 : f32
    %mul3A_893 = vector.broadcast %mul3A_892 : f32 to vector<4x76xf32>
    %mul3A_894 = arith.mulf %exp3A_891, %mul3A_893 : vector<4x76xf32>
    %div3A_895 = arith.constant 2.000000e+00 : f32
    %div3A_896 = vector.broadcast %div3A_895 : f32 to vector<4x76xf32>
    %div3A_897 = arith.divf %mul3A_890, %div3A_896 : vector<4x76xf32>
    %sub3A_898 = arith.subf %add3A_875, %div3A_897 : vector<4x76xf32>
    %div3A_899 = arith.constant 2.000000e+00 : f32
    %div3A_900 = vector.broadcast %div3A_899 : f32 to vector<4x76xf32>
    %div3A_901 = arith.divf %mul3A_890, %div3A_900 : vector<4x76xf32>
    %add3A_902 = arith.addf %add3A_875, %div3A_901 : vector<4x76xf32>
    %div3A_903 = arith.constant 2.000000e+00 : f32
    %div3A_904 = vector.broadcast %div3A_903 : f32 to vector<4x76xf32>
    %div3A_905 = arith.divf %mul3A_894, %div3A_904 : vector<4x76xf32>
    %sub3A_906 = arith.subf %add3A_886, %div3A_905 : vector<4x76xf32>
    %div3A_907 = arith.constant 2.000000e+00 : f32
    %div3A_908 = vector.broadcast %div3A_907 : f32 to vector<4x76xf32>
    %div3A_909 = arith.divf %mul3A_894, %div3A_908 : vector<4x76xf32>
    %add3A_910 = arith.addf %add3A_886, %div3A_909 : vector<4x76xf32>
    %mul3A_911 = arith.mulf %mul3A_890, %mul3A_894 : vector<4x76xf32>
    %mul3A_912 = arith.constant 0.411764711 : f32
    %mul3A_913 = vector.broadcast %mul3A_912 : f32 to vector<4x76xf32>
    %mul3A_914 = arith.mulf %mul3A_913, %mul3A_911 : vector<4x76xf32>
    %broadcast_in_dim3A_915 = arith.constant -1.000000e+30 : f32
    %broadcast_in_dim3A_916 = vector.broadcast %broadcast_in_dim3A_915 : f32 to vector<4x76xf32>
    %scan3A_917 = arith.constant 0 : i32
    %scan3A_918 = arith.constant 100 : i32
    %scan3A_919 = arith.addi %scan3A_917, %scan3A_918 : i32
    %scan3A_920 = arith.constant 1 : i32
    %scan3A_921 = scf.for %scan3A_1713 = %scan3A_917 to %scan3A_919 step %scan3A_920 iter_args(%scan3A_1714 = %broadcast_in_dim3A_916) -> (vector<4x76xf32>)  : i32 {
      %get3A_1715 = arith.constant 0 : index
      %get3A_1716 = arith.index_cast %scan3A_1713 : i32 to index
      %get3A_1717 = arith.constant 0 : index
      %get3A_1718 = memref.load %arg3[%get3A_1715, %get3A_1716, %get3A_1717] : memref<1x100x5xf32, #tpu.memory_space<smem>>
      %get3A_1719 = arith.constant 0 : index
      %get3A_1720 = arith.index_cast %scan3A_1713 : i32 to index
      %get3A_1721 = arith.constant 1 : index
      %get3A_1722 = memref.load %arg3[%get3A_1719, %get3A_1720, %get3A_1721] : memref<1x100x5xf32, #tpu.memory_space<smem>>
      %get3A_1723 = arith.constant 0 : index
      %get3A_1724 = arith.index_cast %scan3A_1713 : i32 to index
      %get3A_1725 = arith.constant 2 : index
      %get3A_1726 = memref.load %arg3[%get3A_1723, %get3A_1724, %get3A_1725] : memref<1x100x5xf32, #tpu.memory_space<smem>>
      %get3A_1727 = arith.constant 0 : index
      %get3A_1728 = arith.index_cast %scan3A_1713 : i32 to index
      %get3A_1729 = arith.constant 3 : index
      %get3A_1730 = memref.load %arg3[%get3A_1727, %get3A_1728, %get3A_1729] : memref<1x100x5xf32, #tpu.memory_space<smem>>
      %get3A_1731 = arith.constant 0 : index
      %get3A_1732 = arith.index_cast %scan3A_1713 : i32 to index
      %get3A_1733 = arith.constant 4 : index
      %get3A_1734 = memref.load %arg3[%get3A_1731, %get3A_1732, %get3A_1733] : memref<1x100x5xf32, #tpu.memory_space<smem>>
      %min3A_1735 = vector.broadcast %get3A_1722 : f32 to vector<4x76xf32>
      %min3A_1736 = arith.minimumf %add3A_902, %min3A_1735 : vector<4x76xf32>
      %max3A_1737 = vector.broadcast %get3A_1718 : f32 to vector<4x76xf32>
      %max3A_1738 = arith.maximumf %sub3A_898, %max3A_1737 : vector<4x76xf32>
      %sub3A_1739 = arith.subf %min3A_1736, %max3A_1738 : vector<4x76xf32>
      %min3A_1740 = vector.broadcast %get3A_1730 : f32 to vector<4x76xf32>
      %min3A_1741 = arith.minimumf %add3A_910, %min3A_1740 : vector<4x76xf32>
      %max3A_1742 = vector.broadcast %get3A_1726 : f32 to vector<4x76xf32>
      %max3A_1743 = arith.maximumf %sub3A_906, %max3A_1742 : vector<4x76xf32>
      %sub3A_1744 = arith.subf %min3A_1741, %max3A_1743 : vector<4x76xf32>
      %max3A_1745 = arith.constant 0.000000e+00 : f32
      %max3A_1746 = vector.broadcast %max3A_1745 : f32 to vector<4x76xf32>
      %max3A_1747 = arith.maximumf %sub3A_1739, %max3A_1746 : vector<4x76xf32>
      %mul3A_1748 = arith.mulf %max3A_1747, %sub3A_1744 : vector<4x76xf32>
      %sub3A_1749 = vector.broadcast %get3A_1734 : f32 to vector<4x76xf32>
      %sub3A_1750 = arith.subf %mul3A_1748, %sub3A_1749 : vector<4x76xf32>
      %max3A_1751 = arith.maximumf %scan3A_1714, %sub3A_1750 : vector<4x76xf32>
      scf.yield %max3A_1751 : vector<4x76xf32>
    }
    %scan3A_922 = arith.constant 100 : i32
    %gt3A_923 = arith.cmpf ogt, %scan3A_921, %mul3A_914 : vector<4x76xf32>
    %max3A_924 = arith.constant 0.000000e+00 : f32
    %max3A_925 = vector.broadcast %max3A_924 : f32 to vector<4x76xf32>
    %max3A_926 = arith.maximumf %get3A_857, %max3A_925 : vector<4x76xf32>
    %abs3A_927 = math.absf %get3A_857 : vector<4x76xf32>
    %neg3A_928 = arith.constant 0.000000e+00 : f32
    %neg3A_929 = vector.broadcast %neg3A_928 : f32 to vector<4x76xf32>
    %neg3A_930 = arith.subf %neg3A_929, %abs3A_927 : vector<4x76xf32>
    %exp3A_931 = math.exp %neg3A_930 : vector<4x76xf32>
    %log1p3A_932 = math.log1p %exp3A_931 : vector<4x76xf32>
    %add3A_933 = arith.addf %max3A_926, %log1p3A_932 : vector<4x76xf32>
    %jit3A_934 = arith.constant 0.000000e+00 : f32
    %broadcast_in_dim3A_935 = vector.broadcast %jit3A_934 : f32 to vector<4x76xf32>
    %select_n3A_936 = arith.select %gt3A_923, %broadcast_in_dim3A_935, %add3A_933 : vector<4x76xi1>, vector<4x76xf32>
    %reduce_sum3A_937 = vector.shape_cast %select_n3A_936 : vector<4x76xf32> to vector<1x4x76xf32>
    %reduce_sum3A_938 = arith.constant dense<0.000000e+00> : vector<1xf32>
    %reduce_sum3A_939 = vector.multi_reduction <add>, %reduce_sum3A_937, %reduce_sum3A_938 [1, 2] : vector<1x4x76xf32> to vector<1xf32>
    %reduce_sum3A_940 = vector.shape_cast %reduce_sum3A_939 : vector<1xf32> to vector<1x1x1xf32>
    %reduce_sum3A_941 = vector.extract %reduce_sum3A_940[0, 0, 0] : f32 from vector<1x1x1xf32>
    %add3A_942 = arith.addf %add3A_822, %reduce_sum3A_941 : f32
    %get3A_943 = arith.constant 0 : index
    %get3A_944 = arith.constant 2 : index
    %get3A_945 = arith.constant 0 : index
    %get3A_946 = arith.constant 0 : index
    %get3A_947 = arith.constant 0 : index
    %get3A_948 = vector.load %arg1[%get3A_943, %get3A_944, %get3A_945, %get3A_946, %get3A_947] : memref<1x3x5x76x76xf32, #tpu.memory_space<vmem>>, vector<1x1x1x24x76xf32>
    %get3A_949 = vector.shape_cast %get3A_948 : vector<1x1x1x24x76xf32> to vector<24x76xf32>
    %get3A_950 = arith.constant 0 : index
    %get3A_951 = arith.constant 2 : index
    %get3A_952 = arith.constant 1 : index
    %get3A_953 = arith.constant 0 : index
    %get3A_954 = arith.constant 0 : index
    %get3A_955 = vector.load %arg1[%get3A_950, %get3A_951, %get3A_952, %get3A_953, %get3A_954] : memref<1x3x5x76x76xf32, #tpu.memory_space<vmem>>, vector<1x1x1x24x76xf32>
    %get3A_956 = vector.shape_cast %get3A_955 : vector<1x1x1x24x76xf32> to vector<24x76xf32>
    %get3A_957 = arith.constant 0 : index
    %get3A_958 = arith.constant 2 : index
    %get3A_959 = arith.constant 2 : index
    %get3A_960 = arith.constant 0 : index
    %get3A_961 = arith.constant 0 : index
    %get3A_962 = vector.load %arg1[%get3A_957, %get3A_958, %get3A_959, %get3A_960, %get3A_961] : memref<1x3x5x76x76xf32, #tpu.memory_space<vmem>>, vector<1x1x1x24x76xf32>
    %get3A_963 = vector.shape_cast %get3A_962 : vector<1x1x1x24x76xf32> to vector<24x76xf32>
    %get3A_964 = arith.constant 0 : index
    %get3A_965 = arith.constant 2 : index
    %get3A_966 = arith.constant 3 : index
    %get3A_967 = arith.constant 0 : index
    %get3A_968 = arith.constant 0 : index
    %get3A_969 = vector.load %arg1[%get3A_964, %get3A_965, %get3A_966, %get3A_967, %get3A_968] : memref<1x3x5x76x76xf32, #tpu.memory_space<vmem>>, vector<1x1x1x24x76xf32>
    %get3A_970 = vector.shape_cast %get3A_969 : vector<1x1x1x24x76xf32> to vector<24x76xf32>
    %get3A_971 = arith.constant 0 : index
    %get3A_972 = arith.constant 2 : index
    %get3A_973 = arith.constant 4 : index
    %get3A_974 = arith.constant 0 : index
    %get3A_975 = arith.constant 0 : index
    %get3A_976 = vector.load %arg1[%get3A_971, %get3A_972, %get3A_973, %get3A_974, %get3A_975] : memref<1x3x5x76x76xf32, #tpu.memory_space<vmem>>, vector<1x1x1x24x76xf32>
    %get3A_977 = vector.shape_cast %get3A_976 : vector<1x1x1x24x76xf32> to vector<24x76xf32>
    %iota3A_978 = tpu.iota {dimensions = array<i32: 1>} : vector<24x76xi32>
    %convert_element_type3A_979 = arith.sitofp %iota3A_978 : vector<24x76xi32> to vector<24x76xf32>
    %iota3A_980 = tpu.iota {dimensions = array<i32: 0>} : vector<24x76xi32>
    %convert_element_type3A_981 = arith.sitofp %iota3A_980 : vector<24x76xi32> to vector<24x76xf32>
    %add3A_982 = arith.constant 0.000000e+00 : f32
    %add3A_983 = vector.broadcast %add3A_982 : f32 to vector<24x76xf32>
    %add3A_984 = arith.addf %convert_element_type3A_981, %add3A_983 : vector<24x76xf32>
    %neg3A_985 = arith.constant 0.000000e+00 : f32
    %neg3A_986 = vector.broadcast %neg3A_985 : f32 to vector<24x76xf32>
    %neg3A_987 = arith.subf %neg3A_986, %get3A_949 : vector<24x76xf32>
    %exp3A_988 = math.exp %neg3A_987 : vector<24x76xf32>
    %add3A_989 = arith.constant 1.000000e+00 : f32
    %add3A_990 = vector.broadcast %add3A_989 : f32 to vector<24x76xf32>
    %add3A_991 = arith.addf %add3A_990, %exp3A_988 : vector<24x76xf32>
    %div3A_992 = arith.constant 1.000000e+00 : f32
    %div3A_993 = vector.broadcast %div3A_992 : f32 to vector<24x76xf32>
    %div3A_994 = arith.divf %div3A_993, %add3A_991 : vector<24x76xf32>
    %add3A_995 = arith.addf %div3A_994, %convert_element_type3A_979 : vector<24x76xf32>
    %neg3A_996 = arith.constant 0.000000e+00 : f32
    %neg3A_997 = vector.broadcast %neg3A_996 : f32 to vector<24x76xf32>
    %neg3A_998 = arith.subf %neg3A_997, %get3A_956 : vector<24x76xf32>
    %exp3A_999 = math.exp %neg3A_998 : vector<24x76xf32>
    %add3A_1000 = arith.constant 1.000000e+00 : f32
    %add3A_1001 = vector.broadcast %add3A_1000 : f32 to vector<24x76xf32>
    %add3A_1002 = arith.addf %add3A_1001, %exp3A_999 : vector<24x76xf32>
    %div3A_1003 = arith.constant 1.000000e+00 : f32
    %div3A_1004 = vector.broadcast %div3A_1003 : f32 to vector<24x76xf32>
    %div3A_1005 = arith.divf %div3A_1004, %add3A_1002 : vector<24x76xf32>
    %add3A_1006 = arith.addf %div3A_1005, %add3A_984 : vector<24x76xf32>
    %exp3A_1007 = math.exp %get3A_963 : vector<24x76xf32>
    %mul3A_1008 = arith.constant 4.125000e+00 : f32
    %mul3A_1009 = vector.broadcast %mul3A_1008 : f32 to vector<24x76xf32>
    %mul3A_1010 = arith.mulf %exp3A_1007, %mul3A_1009 : vector<24x76xf32>
    %exp3A_1011 = math.exp %get3A_970 : vector<24x76xf32>
    %mul3A_1012 = arith.constant 2.875000e+00 : f32
    %mul3A_1013 = vector.broadcast %mul3A_1012 : f32 to vector<24x76xf32>
    %mul3A_1014 = arith.mulf %exp3A_1011, %mul3A_1013 : vector<24x76xf32>
    %div3A_1015 = arith.constant 2.000000e+00 : f32
    %div3A_1016 = vector.broadcast %div3A_1015 : f32 to vector<24x76xf32>
    %div3A_1017 = arith.divf %mul3A_1010, %div3A_1016 : vector<24x76xf32>
    %sub3A_1018 = arith.subf %add3A_995, %div3A_1017 : vector<24x76xf32>
    %div3A_1019 = arith.constant 2.000000e+00 : f32
    %div3A_1020 = vector.broadcast %div3A_1019 : f32 to vector<24x76xf32>
    %div3A_1021 = arith.divf %mul3A_1010, %div3A_1020 : vector<24x76xf32>
    %add3A_1022 = arith.addf %add3A_995, %div3A_1021 : vector<24x76xf32>
    %div3A_1023 = arith.constant 2.000000e+00 : f32
    %div3A_1024 = vector.broadcast %div3A_1023 : f32 to vector<24x76xf32>
    %div3A_1025 = arith.divf %mul3A_1014, %div3A_1024 : vector<24x76xf32>
    %sub3A_1026 = arith.subf %add3A_1006, %div3A_1025 : vector<24x76xf32>
    %div3A_1027 = arith.constant 2.000000e+00 : f32
    %div3A_1028 = vector.broadcast %div3A_1027 : f32 to vector<24x76xf32>
    %div3A_1029 = arith.divf %mul3A_1014, %div3A_1028 : vector<24x76xf32>
    %add3A_1030 = arith.addf %add3A_1006, %div3A_1029 : vector<24x76xf32>
    %mul3A_1031 = arith.mulf %mul3A_1010, %mul3A_1014 : vector<24x76xf32>
    %mul3A_1032 = arith.constant 0.411764711 : f32
    %mul3A_1033 = vector.broadcast %mul3A_1032 : f32 to vector<24x76xf32>
    %mul3A_1034 = arith.mulf %mul3A_1033, %mul3A_1031 : vector<24x76xf32>
    %broadcast_in_dim3A_1035 = arith.constant -1.000000e+30 : f32
    %broadcast_in_dim3A_1036 = vector.broadcast %broadcast_in_dim3A_1035 : f32 to vector<24x76xf32>
    %scan3A_1037 = arith.constant 0 : i32
    %scan3A_1038 = arith.constant 100 : i32
    %scan3A_1039 = arith.addi %scan3A_1037, %scan3A_1038 : i32
    %scan3A_1040 = arith.constant 1 : i32
    %scan3A_1041 = scf.for %scan3A_1713 = %scan3A_1037 to %scan3A_1039 step %scan3A_1040 iter_args(%scan3A_1714 = %broadcast_in_dim3A_1036) -> (vector<24x76xf32>)  : i32 {
      %get3A_1715 = arith.constant 0 : index
      %get3A_1716 = arith.index_cast %scan3A_1713 : i32 to index
      %get3A_1717 = arith.constant 0 : index
      %get3A_1718 = memref.load %arg3[%get3A_1715, %get3A_1716, %get3A_1717] : memref<1x100x5xf32, #tpu.memory_space<smem>>
      %get3A_1719 = arith.constant 0 : index
      %get3A_1720 = arith.index_cast %scan3A_1713 : i32 to index
      %get3A_1721 = arith.constant 1 : index
      %get3A_1722 = memref.load %arg3[%get3A_1719, %get3A_1720, %get3A_1721] : memref<1x100x5xf32, #tpu.memory_space<smem>>
      %get3A_1723 = arith.constant 0 : index
      %get3A_1724 = arith.index_cast %scan3A_1713 : i32 to index
      %get3A_1725 = arith.constant 2 : index
      %get3A_1726 = memref.load %arg3[%get3A_1723, %get3A_1724, %get3A_1725] : memref<1x100x5xf32, #tpu.memory_space<smem>>
      %get3A_1727 = arith.constant 0 : index
      %get3A_1728 = arith.index_cast %scan3A_1713 : i32 to index
      %get3A_1729 = arith.constant 3 : index
      %get3A_1730 = memref.load %arg3[%get3A_1727, %get3A_1728, %get3A_1729] : memref<1x100x5xf32, #tpu.memory_space<smem>>
      %get3A_1731 = arith.constant 0 : index
      %get3A_1732 = arith.index_cast %scan3A_1713 : i32 to index
      %get3A_1733 = arith.constant 4 : index
      %get3A_1734 = memref.load %arg3[%get3A_1731, %get3A_1732, %get3A_1733] : memref<1x100x5xf32, #tpu.memory_space<smem>>
      %min3A_1735 = vector.broadcast %get3A_1722 : f32 to vector<24x76xf32>
      %min3A_1736 = arith.minimumf %add3A_1022, %min3A_1735 : vector<24x76xf32>
      %max3A_1737 = vector.broadcast %get3A_1718 : f32 to vector<24x76xf32>
      %max3A_1738 = arith.maximumf %sub3A_1018, %max3A_1737 : vector<24x76xf32>
      %sub3A_1739 = arith.subf %min3A_1736, %max3A_1738 : vector<24x76xf32>
      %min3A_1740 = vector.broadcast %get3A_1730 : f32 to vector<24x76xf32>
      %min3A_1741 = arith.minimumf %add3A_1030, %min3A_1740 : vector<24x76xf32>
      %max3A_1742 = vector.broadcast %get3A_1726 : f32 to vector<24x76xf32>
      %max3A_1743 = arith.maximumf %sub3A_1026, %max3A_1742 : vector<24x76xf32>
      %sub3A_1744 = arith.subf %min3A_1741, %max3A_1743 : vector<24x76xf32>
      %max3A_1745 = arith.constant 0.000000e+00 : f32
      %max3A_1746 = vector.broadcast %max3A_1745 : f32 to vector<24x76xf32>
      %max3A_1747 = arith.maximumf %sub3A_1739, %max3A_1746 : vector<24x76xf32>
      %mul3A_1748 = arith.mulf %max3A_1747, %sub3A_1744 : vector<24x76xf32>
      %sub3A_1749 = vector.broadcast %get3A_1734 : f32 to vector<24x76xf32>
      %sub3A_1750 = arith.subf %mul3A_1748, %sub3A_1749 : vector<24x76xf32>
      %max3A_1751 = arith.maximumf %scan3A_1714, %sub3A_1750 : vector<24x76xf32>
      scf.yield %max3A_1751 : vector<24x76xf32>
    }
    %scan3A_1042 = arith.constant 100 : i32
    %gt3A_1043 = arith.cmpf ogt, %scan3A_1041, %mul3A_1034 : vector<24x76xf32>
    %max3A_1044 = arith.constant 0.000000e+00 : f32
    %max3A_1045 = vector.broadcast %max3A_1044 : f32 to vector<24x76xf32>
    %max3A_1046 = arith.maximumf %get3A_977, %max3A_1045 : vector<24x76xf32>
    %abs3A_1047 = math.absf %get3A_977 : vector<24x76xf32>
    %neg3A_1048 = arith.constant 0.000000e+00 : f32
    %neg3A_1049 = vector.broadcast %neg3A_1048 : f32 to vector<24x76xf32>
    %neg3A_1050 = arith.subf %neg3A_1049, %abs3A_1047 : vector<24x76xf32>
    %exp3A_1051 = math.exp %neg3A_1050 : vector<24x76xf32>
    %log1p3A_1052 = math.log1p %exp3A_1051 : vector<24x76xf32>
    %add3A_1053 = arith.addf %max3A_1046, %log1p3A_1052 : vector<24x76xf32>
    %jit3A_1054 = arith.constant 0.000000e+00 : f32
    %broadcast_in_dim3A_1055 = vector.broadcast %jit3A_1054 : f32 to vector<24x76xf32>
    %select_n3A_1056 = arith.select %gt3A_1043, %broadcast_in_dim3A_1055, %add3A_1053 : vector<24x76xi1>, vector<24x76xf32>
    %reduce_sum3A_1057 = vector.shape_cast %select_n3A_1056 : vector<24x76xf32> to vector<1x24x76xf32>
    %reduce_sum3A_1058 = arith.constant dense<0.000000e+00> : vector<1xf32>
    %reduce_sum3A_1059 = vector.multi_reduction <add>, %reduce_sum3A_1057, %reduce_sum3A_1058 [1, 2] : vector<1x24x76xf32> to vector<1xf32>
    %reduce_sum3A_1060 = vector.shape_cast %reduce_sum3A_1059 : vector<1xf32> to vector<1x1x1xf32>
    %reduce_sum3A_1061 = vector.extract %reduce_sum3A_1060[0, 0, 0] : f32 from vector<1x1x1xf32>
    %add3A_1062 = arith.addf %add3A_942, %reduce_sum3A_1061 : f32
    %get3A_1063 = arith.constant 0 : index
    %get3A_1064 = arith.constant 2 : index
    %get3A_1065 = arith.constant 0 : index
    %get3A_1066 = arith.constant 24 : index
    %get3A_1067 = arith.constant 0 : index
    %get3A_1068 = vector.load %arg1[%get3A_1063, %get3A_1064, %get3A_1065, %get3A_1066, %get3A_1067] : memref<1x3x5x76x76xf32, #tpu.memory_space<vmem>>, vector<1x1x1x24x76xf32>
    %get3A_1069 = vector.shape_cast %get3A_1068 : vector<1x1x1x24x76xf32> to vector<24x76xf32>
    %get3A_1070 = arith.constant 0 : index
    %get3A_1071 = arith.constant 2 : index
    %get3A_1072 = arith.constant 1 : index
    %get3A_1073 = arith.constant 24 : index
    %get3A_1074 = arith.constant 0 : index
    %get3A_1075 = vector.load %arg1[%get3A_1070, %get3A_1071, %get3A_1072, %get3A_1073, %get3A_1074] : memref<1x3x5x76x76xf32, #tpu.memory_space<vmem>>, vector<1x1x1x24x76xf32>
    %get3A_1076 = vector.shape_cast %get3A_1075 : vector<1x1x1x24x76xf32> to vector<24x76xf32>
    %get3A_1077 = arith.constant 0 : index
    %get3A_1078 = arith.constant 2 : index
    %get3A_1079 = arith.constant 2 : index
    %get3A_1080 = arith.constant 24 : index
    %get3A_1081 = arith.constant 0 : index
    %get3A_1082 = vector.load %arg1[%get3A_1077, %get3A_1078, %get3A_1079, %get3A_1080, %get3A_1081] : memref<1x3x5x76x76xf32, #tpu.memory_space<vmem>>, vector<1x1x1x24x76xf32>
    %get3A_1083 = vector.shape_cast %get3A_1082 : vector<1x1x1x24x76xf32> to vector<24x76xf32>
    %get3A_1084 = arith.constant 0 : index
    %get3A_1085 = arith.constant 2 : index
    %get3A_1086 = arith.constant 3 : index
    %get3A_1087 = arith.constant 24 : index
    %get3A_1088 = arith.constant 0 : index
    %get3A_1089 = vector.load %arg1[%get3A_1084, %get3A_1085, %get3A_1086, %get3A_1087, %get3A_1088] : memref<1x3x5x76x76xf32, #tpu.memory_space<vmem>>, vector<1x1x1x24x76xf32>
    %get3A_1090 = vector.shape_cast %get3A_1089 : vector<1x1x1x24x76xf32> to vector<24x76xf32>
    %get3A_1091 = arith.constant 0 : index
    %get3A_1092 = arith.constant 2 : index
    %get3A_1093 = arith.constant 4 : index
    %get3A_1094 = arith.constant 24 : index
    %get3A_1095 = arith.constant 0 : index
    %get3A_1096 = vector.load %arg1[%get3A_1091, %get3A_1092, %get3A_1093, %get3A_1094, %get3A_1095] : memref<1x3x5x76x76xf32, #tpu.memory_space<vmem>>, vector<1x1x1x24x76xf32>
    %get3A_1097 = vector.shape_cast %get3A_1096 : vector<1x1x1x24x76xf32> to vector<24x76xf32>
    %iota3A_1098 = tpu.iota {dimensions = array<i32: 1>} : vector<24x76xi32>
    %convert_element_type3A_1099 = arith.sitofp %iota3A_1098 : vector<24x76xi32> to vector<24x76xf32>
    %iota3A_1100 = tpu.iota {dimensions = array<i32: 0>} : vector<24x76xi32>
    %convert_element_type3A_1101 = arith.sitofp %iota3A_1100 : vector<24x76xi32> to vector<24x76xf32>
    %add3A_1102 = arith.constant 2.400000e+01 : f32
    %add3A_1103 = vector.broadcast %add3A_1102 : f32 to vector<24x76xf32>
    %add3A_1104 = arith.addf %convert_element_type3A_1101, %add3A_1103 : vector<24x76xf32>
    %neg3A_1105 = arith.constant 0.000000e+00 : f32
    %neg3A_1106 = vector.broadcast %neg3A_1105 : f32 to vector<24x76xf32>
    %neg3A_1107 = arith.subf %neg3A_1106, %get3A_1069 : vector<24x76xf32>
    %exp3A_1108 = math.exp %neg3A_1107 : vector<24x76xf32>
    %add3A_1109 = arith.constant 1.000000e+00 : f32
    %add3A_1110 = vector.broadcast %add3A_1109 : f32 to vector<24x76xf32>
    %add3A_1111 = arith.addf %add3A_1110, %exp3A_1108 : vector<24x76xf32>
    %div3A_1112 = arith.constant 1.000000e+00 : f32
    %div3A_1113 = vector.broadcast %div3A_1112 : f32 to vector<24x76xf32>
    %div3A_1114 = arith.divf %div3A_1113, %add3A_1111 : vector<24x76xf32>
    %add3A_1115 = arith.addf %div3A_1114, %convert_element_type3A_1099 : vector<24x76xf32>
    %neg3A_1116 = arith.constant 0.000000e+00 : f32
    %neg3A_1117 = vector.broadcast %neg3A_1116 : f32 to vector<24x76xf32>
    %neg3A_1118 = arith.subf %neg3A_1117, %get3A_1076 : vector<24x76xf32>
    %exp3A_1119 = math.exp %neg3A_1118 : vector<24x76xf32>
    %add3A_1120 = arith.constant 1.000000e+00 : f32
    %add3A_1121 = vector.broadcast %add3A_1120 : f32 to vector<24x76xf32>
    %add3A_1122 = arith.addf %add3A_1121, %exp3A_1119 : vector<24x76xf32>
    %div3A_1123 = arith.constant 1.000000e+00 : f32
    %div3A_1124 = vector.broadcast %div3A_1123 : f32 to vector<24x76xf32>
    %div3A_1125 = arith.divf %div3A_1124, %add3A_1122 : vector<24x76xf32>
    %add3A_1126 = arith.addf %div3A_1125, %add3A_1104 : vector<24x76xf32>
    %exp3A_1127 = math.exp %get3A_1083 : vector<24x76xf32>
    %mul3A_1128 = arith.constant 4.125000e+00 : f32
    %mul3A_1129 = vector.broadcast %mul3A_1128 : f32 to vector<24x76xf32>
    %mul3A_1130 = arith.mulf %exp3A_1127, %mul3A_1129 : vector<24x76xf32>
    %exp3A_1131 = math.exp %get3A_1090 : vector<24x76xf32>
    %mul3A_1132 = arith.constant 2.875000e+00 : f32
    %mul3A_1133 = vector.broadcast %mul3A_1132 : f32 to vector<24x76xf32>
    %mul3A_1134 = arith.mulf %exp3A_1131, %mul3A_1133 : vector<24x76xf32>
    %div3A_1135 = arith.constant 2.000000e+00 : f32
    %div3A_1136 = vector.broadcast %div3A_1135 : f32 to vector<24x76xf32>
    %div3A_1137 = arith.divf %mul3A_1130, %div3A_1136 : vector<24x76xf32>
    %sub3A_1138 = arith.subf %add3A_1115, %div3A_1137 : vector<24x76xf32>
    %div3A_1139 = arith.constant 2.000000e+00 : f32
    %div3A_1140 = vector.broadcast %div3A_1139 : f32 to vector<24x76xf32>
    %div3A_1141 = arith.divf %mul3A_1130, %div3A_1140 : vector<24x76xf32>
    %add3A_1142 = arith.addf %add3A_1115, %div3A_1141 : vector<24x76xf32>
    %div3A_1143 = arith.constant 2.000000e+00 : f32
    %div3A_1144 = vector.broadcast %div3A_1143 : f32 to vector<24x76xf32>
    %div3A_1145 = arith.divf %mul3A_1134, %div3A_1144 : vector<24x76xf32>
    %sub3A_1146 = arith.subf %add3A_1126, %div3A_1145 : vector<24x76xf32>
    %div3A_1147 = arith.constant 2.000000e+00 : f32
    %div3A_1148 = vector.broadcast %div3A_1147 : f32 to vector<24x76xf32>
    %div3A_1149 = arith.divf %mul3A_1134, %div3A_1148 : vector<24x76xf32>
    %add3A_1150 = arith.addf %add3A_1126, %div3A_1149 : vector<24x76xf32>
    %mul3A_1151 = arith.mulf %mul3A_1130, %mul3A_1134 : vector<24x76xf32>
    %mul3A_1152 = arith.constant 0.411764711 : f32
    %mul3A_1153 = vector.broadcast %mul3A_1152 : f32 to vector<24x76xf32>
    %mul3A_1154 = arith.mulf %mul3A_1153, %mul3A_1151 : vector<24x76xf32>
    %broadcast_in_dim3A_1155 = arith.constant -1.000000e+30 : f32
    %broadcast_in_dim3A_1156 = vector.broadcast %broadcast_in_dim3A_1155 : f32 to vector<24x76xf32>
    %scan3A_1157 = arith.constant 0 : i32
    %scan3A_1158 = arith.constant 100 : i32
    %scan3A_1159 = arith.addi %scan3A_1157, %scan3A_1158 : i32
    %scan3A_1160 = arith.constant 1 : i32
    %scan3A_1161 = scf.for %scan3A_1713 = %scan3A_1157 to %scan3A_1159 step %scan3A_1160 iter_args(%scan3A_1714 = %broadcast_in_dim3A_1156) -> (vector<24x76xf32>)  : i32 {
      %get3A_1715 = arith.constant 0 : index
      %get3A_1716 = arith.index_cast %scan3A_1713 : i32 to index
      %get3A_1717 = arith.constant 0 : index
      %get3A_1718 = memref.load %arg3[%get3A_1715, %get3A_1716, %get3A_1717] : memref<1x100x5xf32, #tpu.memory_space<smem>>
      %get3A_1719 = arith.constant 0 : index
      %get3A_1720 = arith.index_cast %scan3A_1713 : i32 to index
      %get3A_1721 = arith.constant 1 : index
      %get3A_1722 = memref.load %arg3[%get3A_1719, %get3A_1720, %get3A_1721] : memref<1x100x5xf32, #tpu.memory_space<smem>>
      %get3A_1723 = arith.constant 0 : index
      %get3A_1724 = arith.index_cast %scan3A_1713 : i32 to index
      %get3A_1725 = arith.constant 2 : index
      %get3A_1726 = memref.load %arg3[%get3A_1723, %get3A_1724, %get3A_1725] : memref<1x100x5xf32, #tpu.memory_space<smem>>
      %get3A_1727 = arith.constant 0 : index
      %get3A_1728 = arith.index_cast %scan3A_1713 : i32 to index
      %get3A_1729 = arith.constant 3 : index
      %get3A_1730 = memref.load %arg3[%get3A_1727, %get3A_1728, %get3A_1729] : memref<1x100x5xf32, #tpu.memory_space<smem>>
      %get3A_1731 = arith.constant 0 : index
      %get3A_1732 = arith.index_cast %scan3A_1713 : i32 to index
      %get3A_1733 = arith.constant 4 : index
      %get3A_1734 = memref.load %arg3[%get3A_1731, %get3A_1732, %get3A_1733] : memref<1x100x5xf32, #tpu.memory_space<smem>>
      %min3A_1735 = vector.broadcast %get3A_1722 : f32 to vector<24x76xf32>
      %min3A_1736 = arith.minimumf %add3A_1142, %min3A_1735 : vector<24x76xf32>
      %max3A_1737 = vector.broadcast %get3A_1718 : f32 to vector<24x76xf32>
      %max3A_1738 = arith.maximumf %sub3A_1138, %max3A_1737 : vector<24x76xf32>
      %sub3A_1739 = arith.subf %min3A_1736, %max3A_1738 : vector<24x76xf32>
      %min3A_1740 = vector.broadcast %get3A_1730 : f32 to vector<24x76xf32>
      %min3A_1741 = arith.minimumf %add3A_1150, %min3A_1740 : vector<24x76xf32>
      %max3A_1742 = vector.broadcast %get3A_1726 : f32 to vector<24x76xf32>
      %max3A_1743 = arith.maximumf %sub3A_1146, %max3A_1742 : vector<24x76xf32>
      %sub3A_1744 = arith.subf %min3A_1741, %max3A_1743 : vector<24x76xf32>
      %max3A_1745 = arith.constant 0.000000e+00 : f32
      %max3A_1746 = vector.broadcast %max3A_1745 : f32 to vector<24x76xf32>
      %max3A_1747 = arith.maximumf %sub3A_1739, %max3A_1746 : vector<24x76xf32>
      %mul3A_1748 = arith.mulf %max3A_1747, %sub3A_1744 : vector<24x76xf32>
      %sub3A_1749 = vector.broadcast %get3A_1734 : f32 to vector<24x76xf32>
      %sub3A_1750 = arith.subf %mul3A_1748, %sub3A_1749 : vector<24x76xf32>
      %max3A_1751 = arith.maximumf %scan3A_1714, %sub3A_1750 : vector<24x76xf32>
      scf.yield %max3A_1751 : vector<24x76xf32>
    }
    %scan3A_1162 = arith.constant 100 : i32
    %gt3A_1163 = arith.cmpf ogt, %scan3A_1161, %mul3A_1154 : vector<24x76xf32>
    %max3A_1164 = arith.constant 0.000000e+00 : f32
    %max3A_1165 = vector.broadcast %max3A_1164 : f32 to vector<24x76xf32>
    %max3A_1166 = arith.maximumf %get3A_1097, %max3A_1165 : vector<24x76xf32>
    %abs3A_1167 = math.absf %get3A_1097 : vector<24x76xf32>
    %neg3A_1168 = arith.constant 0.000000e+00 : f32
    %neg3A_1169 = vector.broadcast %neg3A_1168 : f32 to vector<24x76xf32>
    %neg3A_1170 = arith.subf %neg3A_1169, %abs3A_1167 : vector<24x76xf32>
    %exp3A_1171 = math.exp %neg3A_1170 : vector<24x76xf32>
    %log1p3A_1172 = math.log1p %exp3A_1171 : vector<24x76xf32>
    %add3A_1173 = arith.addf %max3A_1166, %log1p3A_1172 : vector<24x76xf32>
    %jit3A_1174 = arith.constant 0.000000e+00 : f32
    %broadcast_in_dim3A_1175 = vector.broadcast %jit3A_1174 : f32 to vector<24x76xf32>
    %select_n3A_1176 = arith.select %gt3A_1163, %broadcast_in_dim3A_1175, %add3A_1173 : vector<24x76xi1>, vector<24x76xf32>
    %reduce_sum3A_1177 = vector.shape_cast %select_n3A_1176 : vector<24x76xf32> to vector<1x24x76xf32>
    %reduce_sum3A_1178 = arith.constant dense<0.000000e+00> : vector<1xf32>
    %reduce_sum3A_1179 = vector.multi_reduction <add>, %reduce_sum3A_1177, %reduce_sum3A_1178 [1, 2] : vector<1x24x76xf32> to vector<1xf32>
    %reduce_sum3A_1180 = vector.shape_cast %reduce_sum3A_1179 : vector<1xf32> to vector<1x1x1xf32>
    %reduce_sum3A_1181 = vector.extract %reduce_sum3A_1180[0, 0, 0] : f32 from vector<1x1x1xf32>
    %add3A_1182 = arith.addf %add3A_1062, %reduce_sum3A_1181 : f32
    %get3A_1183 = arith.constant 0 : index
    %get3A_1184 = arith.constant 2 : index
    %get3A_1185 = arith.constant 0 : index
    %get3A_1186 = arith.constant 48 : index
    %get3A_1187 = arith.constant 0 : index
    %get3A_1188 = vector.load %arg1[%get3A_1183, %get3A_1184, %get3A_1185, %get3A_1186, %get3A_1187] : memref<1x3x5x76x76xf32, #tpu.memory_space<vmem>>, vector<1x1x1x24x76xf32>
    %get3A_1189 = vector.shape_cast %get3A_1188 : vector<1x1x1x24x76xf32> to vector<24x76xf32>
    %get3A_1190 = arith.constant 0 : index
    %get3A_1191 = arith.constant 2 : index
    %get3A_1192 = arith.constant 1 : index
    %get3A_1193 = arith.constant 48 : index
    %get3A_1194 = arith.constant 0 : index
    %get3A_1195 = vector.load %arg1[%get3A_1190, %get3A_1191, %get3A_1192, %get3A_1193, %get3A_1194] : memref<1x3x5x76x76xf32, #tpu.memory_space<vmem>>, vector<1x1x1x24x76xf32>
    %get3A_1196 = vector.shape_cast %get3A_1195 : vector<1x1x1x24x76xf32> to vector<24x76xf32>
    %get3A_1197 = arith.constant 0 : index
    %get3A_1198 = arith.constant 2 : index
    %get3A_1199 = arith.constant 2 : index
    %get3A_1200 = arith.constant 48 : index
    %get3A_1201 = arith.constant 0 : index
    %get3A_1202 = vector.load %arg1[%get3A_1197, %get3A_1198, %get3A_1199, %get3A_1200, %get3A_1201] : memref<1x3x5x76x76xf32, #tpu.memory_space<vmem>>, vector<1x1x1x24x76xf32>
    %get3A_1203 = vector.shape_cast %get3A_1202 : vector<1x1x1x24x76xf32> to vector<24x76xf32>
    %get3A_1204 = arith.constant 0 : index
    %get3A_1205 = arith.constant 2 : index
    %get3A_1206 = arith.constant 3 : index
    %get3A_1207 = arith.constant 48 : index
    %get3A_1208 = arith.constant 0 : index
    %get3A_1209 = vector.load %arg1[%get3A_1204, %get3A_1205, %get3A_1206, %get3A_1207, %get3A_1208] : memref<1x3x5x76x76xf32, #tpu.memory_space<vmem>>, vector<1x1x1x24x76xf32>
    %get3A_1210 = vector.shape_cast %get3A_1209 : vector<1x1x1x24x76xf32> to vector<24x76xf32>
    %get3A_1211 = arith.constant 0 : index
    %get3A_1212 = arith.constant 2 : index
    %get3A_1213 = arith.constant 4 : index
    %get3A_1214 = arith.constant 48 : index
    %get3A_1215 = arith.constant 0 : index
    %get3A_1216 = vector.load %arg1[%get3A_1211, %get3A_1212, %get3A_1213, %get3A_1214, %get3A_1215] : memref<1x3x5x76x76xf32, #tpu.memory_space<vmem>>, vector<1x1x1x24x76xf32>
    %get3A_1217 = vector.shape_cast %get3A_1216 : vector<1x1x1x24x76xf32> to vector<24x76xf32>
    %iota3A_1218 = tpu.iota {dimensions = array<i32: 1>} : vector<24x76xi32>
    %convert_element_type3A_1219 = arith.sitofp %iota3A_1218 : vector<24x76xi32> to vector<24x76xf32>
    %iota3A_1220 = tpu.iota {dimensions = array<i32: 0>} : vector<24x76xi32>
    %convert_element_type3A_1221 = arith.sitofp %iota3A_1220 : vector<24x76xi32> to vector<24x76xf32>
    %add3A_1222 = arith.constant 4.800000e+01 : f32
    %add3A_1223 = vector.broadcast %add3A_1222 : f32 to vector<24x76xf32>
    %add3A_1224 = arith.addf %convert_element_type3A_1221, %add3A_1223 : vector<24x76xf32>
    %neg3A_1225 = arith.constant 0.000000e+00 : f32
    %neg3A_1226 = vector.broadcast %neg3A_1225 : f32 to vector<24x76xf32>
    %neg3A_1227 = arith.subf %neg3A_1226, %get3A_1189 : vector<24x76xf32>
    %exp3A_1228 = math.exp %neg3A_1227 : vector<24x76xf32>
    %add3A_1229 = arith.constant 1.000000e+00 : f32
    %add3A_1230 = vector.broadcast %add3A_1229 : f32 to vector<24x76xf32>
    %add3A_1231 = arith.addf %add3A_1230, %exp3A_1228 : vector<24x76xf32>
    %div3A_1232 = arith.constant 1.000000e+00 : f32
    %div3A_1233 = vector.broadcast %div3A_1232 : f32 to vector<24x76xf32>
    %div3A_1234 = arith.divf %div3A_1233, %add3A_1231 : vector<24x76xf32>
    %add3A_1235 = arith.addf %div3A_1234, %convert_element_type3A_1219 : vector<24x76xf32>
    %neg3A_1236 = arith.constant 0.000000e+00 : f32
    %neg3A_1237 = vector.broadcast %neg3A_1236 : f32 to vector<24x76xf32>
    %neg3A_1238 = arith.subf %neg3A_1237, %get3A_1196 : vector<24x76xf32>
    %exp3A_1239 = math.exp %neg3A_1238 : vector<24x76xf32>
    %add3A_1240 = arith.constant 1.000000e+00 : f32
    %add3A_1241 = vector.broadcast %add3A_1240 : f32 to vector<24x76xf32>
    %add3A_1242 = arith.addf %add3A_1241, %exp3A_1239 : vector<24x76xf32>
    %div3A_1243 = arith.constant 1.000000e+00 : f32
    %div3A_1244 = vector.broadcast %div3A_1243 : f32 to vector<24x76xf32>
    %div3A_1245 = arith.divf %div3A_1244, %add3A_1242 : vector<24x76xf32>
    %add3A_1246 = arith.addf %div3A_1245, %add3A_1224 : vector<24x76xf32>
    %exp3A_1247 = math.exp %get3A_1203 : vector<24x76xf32>
    %mul3A_1248 = arith.constant 4.125000e+00 : f32
    %mul3A_1249 = vector.broadcast %mul3A_1248 : f32 to vector<24x76xf32>
    %mul3A_1250 = arith.mulf %exp3A_1247, %mul3A_1249 : vector<24x76xf32>
    %exp3A_1251 = math.exp %get3A_1210 : vector<24x76xf32>
    %mul3A_1252 = arith.constant 2.875000e+00 : f32
    %mul3A_1253 = vector.broadcast %mul3A_1252 : f32 to vector<24x76xf32>
    %mul3A_1254 = arith.mulf %exp3A_1251, %mul3A_1253 : vector<24x76xf32>
    %div3A_1255 = arith.constant 2.000000e+00 : f32
    %div3A_1256 = vector.broadcast %div3A_1255 : f32 to vector<24x76xf32>
    %div3A_1257 = arith.divf %mul3A_1250, %div3A_1256 : vector<24x76xf32>
    %sub3A_1258 = arith.subf %add3A_1235, %div3A_1257 : vector<24x76xf32>
    %div3A_1259 = arith.constant 2.000000e+00 : f32
    %div3A_1260 = vector.broadcast %div3A_1259 : f32 to vector<24x76xf32>
    %div3A_1261 = arith.divf %mul3A_1250, %div3A_1260 : vector<24x76xf32>
    %add3A_1262 = arith.addf %add3A_1235, %div3A_1261 : vector<24x76xf32>
    %div3A_1263 = arith.constant 2.000000e+00 : f32
    %div3A_1264 = vector.broadcast %div3A_1263 : f32 to vector<24x76xf32>
    %div3A_1265 = arith.divf %mul3A_1254, %div3A_1264 : vector<24x76xf32>
    %sub3A_1266 = arith.subf %add3A_1246, %div3A_1265 : vector<24x76xf32>
    %div3A_1267 = arith.constant 2.000000e+00 : f32
    %div3A_1268 = vector.broadcast %div3A_1267 : f32 to vector<24x76xf32>
    %div3A_1269 = arith.divf %mul3A_1254, %div3A_1268 : vector<24x76xf32>
    %add3A_1270 = arith.addf %add3A_1246, %div3A_1269 : vector<24x76xf32>
    %mul3A_1271 = arith.mulf %mul3A_1250, %mul3A_1254 : vector<24x76xf32>
    %mul3A_1272 = arith.constant 0.411764711 : f32
    %mul3A_1273 = vector.broadcast %mul3A_1272 : f32 to vector<24x76xf32>
    %mul3A_1274 = arith.mulf %mul3A_1273, %mul3A_1271 : vector<24x76xf32>
    %broadcast_in_dim3A_1275 = arith.constant -1.000000e+30 : f32
    %broadcast_in_dim3A_1276 = vector.broadcast %broadcast_in_dim3A_1275 : f32 to vector<24x76xf32>
    %scan3A_1277 = arith.constant 0 : i32
    %scan3A_1278 = arith.constant 100 : i32
    %scan3A_1279 = arith.addi %scan3A_1277, %scan3A_1278 : i32
    %scan3A_1280 = arith.constant 1 : i32
    %scan3A_1281 = scf.for %scan3A_1713 = %scan3A_1277 to %scan3A_1279 step %scan3A_1280 iter_args(%scan3A_1714 = %broadcast_in_dim3A_1276) -> (vector<24x76xf32>)  : i32 {
      %get3A_1715 = arith.constant 0 : index
      %get3A_1716 = arith.index_cast %scan3A_1713 : i32 to index
      %get3A_1717 = arith.constant 0 : index
      %get3A_1718 = memref.load %arg3[%get3A_1715, %get3A_1716, %get3A_1717] : memref<1x100x5xf32, #tpu.memory_space<smem>>
      %get3A_1719 = arith.constant 0 : index
      %get3A_1720 = arith.index_cast %scan3A_1713 : i32 to index
      %get3A_1721 = arith.constant 1 : index
      %get3A_1722 = memref.load %arg3[%get3A_1719, %get3A_1720, %get3A_1721] : memref<1x100x5xf32, #tpu.memory_space<smem>>
      %get3A_1723 = arith.constant 0 : index
      %get3A_1724 = arith.index_cast %scan3A_1713 : i32 to index
      %get3A_1725 = arith.constant 2 : index
      %get3A_1726 = memref.load %arg3[%get3A_1723, %get3A_1724, %get3A_1725] : memref<1x100x5xf32, #tpu.memory_space<smem>>
      %get3A_1727 = arith.constant 0 : index
      %get3A_1728 = arith.index_cast %scan3A_1713 : i32 to index
      %get3A_1729 = arith.constant 3 : index
      %get3A_1730 = memref.load %arg3[%get3A_1727, %get3A_1728, %get3A_1729] : memref<1x100x5xf32, #tpu.memory_space<smem>>
      %get3A_1731 = arith.constant 0 : index
      %get3A_1732 = arith.index_cast %scan3A_1713 : i32 to index
      %get3A_1733 = arith.constant 4 : index
      %get3A_1734 = memref.load %arg3[%get3A_1731, %get3A_1732, %get3A_1733] : memref<1x100x5xf32, #tpu.memory_space<smem>>
      %min3A_1735 = vector.broadcast %get3A_1722 : f32 to vector<24x76xf32>
      %min3A_1736 = arith.minimumf %add3A_1262, %min3A_1735 : vector<24x76xf32>
      %max3A_1737 = vector.broadcast %get3A_1718 : f32 to vector<24x76xf32>
      %max3A_1738 = arith.maximumf %sub3A_1258, %max3A_1737 : vector<24x76xf32>
      %sub3A_1739 = arith.subf %min3A_1736, %max3A_1738 : vector<24x76xf32>
      %min3A_1740 = vector.broadcast %get3A_1730 : f32 to vector<24x76xf32>
      %min3A_1741 = arith.minimumf %add3A_1270, %min3A_1740 : vector<24x76xf32>
      %max3A_1742 = vector.broadcast %get3A_1726 : f32 to vector<24x76xf32>
      %max3A_1743 = arith.maximumf %sub3A_1266, %max3A_1742 : vector<24x76xf32>
      %sub3A_1744 = arith.subf %min3A_1741, %max3A_1743 : vector<24x76xf32>
      %max3A_1745 = arith.constant 0.000000e+00 : f32
      %max3A_1746 = vector.broadcast %max3A_1745 : f32 to vector<24x76xf32>
      %max3A_1747 = arith.maximumf %sub3A_1739, %max3A_1746 : vector<24x76xf32>
      %mul3A_1748 = arith.mulf %max3A_1747, %sub3A_1744 : vector<24x76xf32>
      %sub3A_1749 = vector.broadcast %get3A_1734 : f32 to vector<24x76xf32>
      %sub3A_1750 = arith.subf %mul3A_1748, %sub3A_1749 : vector<24x76xf32>
      %max3A_1751 = arith.maximumf %scan3A_1714, %sub3A_1750 : vector<24x76xf32>
      scf.yield %max3A_1751 : vector<24x76xf32>
    }
    %scan3A_1282 = arith.constant 100 : i32
    %gt3A_1283 = arith.cmpf ogt, %scan3A_1281, %mul3A_1274 : vector<24x76xf32>
    %max3A_1284 = arith.constant 0.000000e+00 : f32
    %max3A_1285 = vector.broadcast %max3A_1284 : f32 to vector<24x76xf32>
    %max3A_1286 = arith.maximumf %get3A_1217, %max3A_1285 : vector<24x76xf32>
    %abs3A_1287 = math.absf %get3A_1217 : vector<24x76xf32>
    %neg3A_1288 = arith.constant 0.000000e+00 : f32
    %neg3A_1289 = vector.broadcast %neg3A_1288 : f32 to vector<24x76xf32>
    %neg3A_1290 = arith.subf %neg3A_1289, %abs3A_1287 : vector<24x76xf32>
    %exp3A_1291 = math.exp %neg3A_1290 : vector<24x76xf32>
    %log1p3A_1292 = math.log1p %exp3A_1291 : vector<24x76xf32>
    %add3A_1293 = arith.addf %max3A_1286, %log1p3A_1292 : vector<24x76xf32>
    %jit3A_1294 = arith.constant 0.000000e+00 : f32
    %broadcast_in_dim3A_1295 = vector.broadcast %jit3A_1294 : f32 to vector<24x76xf32>
    %select_n3A_1296 = arith.select %gt3A_1283, %broadcast_in_dim3A_1295, %add3A_1293 : vector<24x76xi1>, vector<24x76xf32>
    %reduce_sum3A_1297 = vector.shape_cast %select_n3A_1296 : vector<24x76xf32> to vector<1x24x76xf32>
    %reduce_sum3A_1298 = arith.constant dense<0.000000e+00> : vector<1xf32>
    %reduce_sum3A_1299 = vector.multi_reduction <add>, %reduce_sum3A_1297, %reduce_sum3A_1298 [1, 2] : vector<1x24x76xf32> to vector<1xf32>
    %reduce_sum3A_1300 = vector.shape_cast %reduce_sum3A_1299 : vector<1xf32> to vector<1x1x1xf32>
    %reduce_sum3A_1301 = vector.extract %reduce_sum3A_1300[0, 0, 0] : f32 from vector<1x1x1xf32>
    %add3A_1302 = arith.addf %add3A_1182, %reduce_sum3A_1301 : f32
    %get3A_1303 = arith.constant 0 : index
    %get3A_1304 = arith.constant 2 : index
    %get3A_1305 = arith.constant 0 : index
    %get3A_1306 = arith.constant 72 : index
    %get3A_1307 = arith.constant 0 : index
    %get3A_1308 = vector.load %arg1[%get3A_1303, %get3A_1304, %get3A_1305, %get3A_1306, %get3A_1307] : memref<1x3x5x76x76xf32, #tpu.memory_space<vmem>>, vector<1x1x1x4x76xf32>
    %get3A_1309 = vector.shape_cast %get3A_1308 : vector<1x1x1x4x76xf32> to vector<4x76xf32>
    %get3A_1310 = arith.constant 0 : index
    %get3A_1311 = arith.constant 2 : index
    %get3A_1312 = arith.constant 1 : index
    %get3A_1313 = arith.constant 72 : index
    %get3A_1314 = arith.constant 0 : index
    %get3A_1315 = vector.load %arg1[%get3A_1310, %get3A_1311, %get3A_1312, %get3A_1313, %get3A_1314] : memref<1x3x5x76x76xf32, #tpu.memory_space<vmem>>, vector<1x1x1x4x76xf32>
    %get3A_1316 = vector.shape_cast %get3A_1315 : vector<1x1x1x4x76xf32> to vector<4x76xf32>
    %get3A_1317 = arith.constant 0 : index
    %get3A_1318 = arith.constant 2 : index
    %get3A_1319 = arith.constant 2 : index
    %get3A_1320 = arith.constant 72 : index
    %get3A_1321 = arith.constant 0 : index
    %get3A_1322 = vector.load %arg1[%get3A_1317, %get3A_1318, %get3A_1319, %get3A_1320, %get3A_1321] : memref<1x3x5x76x76xf32, #tpu.memory_space<vmem>>, vector<1x1x1x4x76xf32>
    %get3A_1323 = vector.shape_cast %get3A_1322 : vector<1x1x1x4x76xf32> to vector<4x76xf32>
    %get3A_1324 = arith.constant 0 : index
    %get3A_1325 = arith.constant 2 : index
    %get3A_1326 = arith.constant 3 : index
    %get3A_1327 = arith.constant 72 : index
    %get3A_1328 = arith.constant 0 : index
    %get3A_1329 = vector.load %arg1[%get3A_1324, %get3A_1325, %get3A_1326, %get3A_1327, %get3A_1328] : memref<1x3x5x76x76xf32, #tpu.memory_space<vmem>>, vector<1x1x1x4x76xf32>
    %get3A_1330 = vector.shape_cast %get3A_1329 : vector<1x1x1x4x76xf32> to vector<4x76xf32>
    %get3A_1331 = arith.constant 0 : index
    %get3A_1332 = arith.constant 2 : index
    %get3A_1333 = arith.constant 4 : index
    %get3A_1334 = arith.constant 72 : index
    %get3A_1335 = arith.constant 0 : index
    %get3A_1336 = vector.load %arg1[%get3A_1331, %get3A_1332, %get3A_1333, %get3A_1334, %get3A_1335] : memref<1x3x5x76x76xf32, #tpu.memory_space<vmem>>, vector<1x1x1x4x76xf32>
    %get3A_1337 = vector.shape_cast %get3A_1336 : vector<1x1x1x4x76xf32> to vector<4x76xf32>
    %iota3A_1338 = tpu.iota {dimensions = array<i32: 1>} : vector<4x76xi32>
    %convert_element_type3A_1339 = arith.sitofp %iota3A_1338 : vector<4x76xi32> to vector<4x76xf32>
    %iota3A_1340 = tpu.iota {dimensions = array<i32: 0>} : vector<4x76xi32>
    %convert_element_type3A_1341 = arith.sitofp %iota3A_1340 : vector<4x76xi32> to vector<4x76xf32>
    %add3A_1342 = arith.constant 7.200000e+01 : f32
    %add3A_1343 = vector.broadcast %add3A_1342 : f32 to vector<4x76xf32>
    %add3A_1344 = arith.addf %convert_element_type3A_1341, %add3A_1343 : vector<4x76xf32>
    %neg3A_1345 = arith.constant 0.000000e+00 : f32
    %neg3A_1346 = vector.broadcast %neg3A_1345 : f32 to vector<4x76xf32>
    %neg3A_1347 = arith.subf %neg3A_1346, %get3A_1309 : vector<4x76xf32>
    %exp3A_1348 = math.exp %neg3A_1347 : vector<4x76xf32>
    %add3A_1349 = arith.constant 1.000000e+00 : f32
    %add3A_1350 = vector.broadcast %add3A_1349 : f32 to vector<4x76xf32>
    %add3A_1351 = arith.addf %add3A_1350, %exp3A_1348 : vector<4x76xf32>
    %div3A_1352 = arith.constant 1.000000e+00 : f32
    %div3A_1353 = vector.broadcast %div3A_1352 : f32 to vector<4x76xf32>
    %div3A_1354 = arith.divf %div3A_1353, %add3A_1351 : vector<4x76xf32>
    %add3A_1355 = arith.addf %div3A_1354, %convert_element_type3A_1339 : vector<4x76xf32>
    %neg3A_1356 = arith.constant 0.000000e+00 : f32
    %neg3A_1357 = vector.broadcast %neg3A_1356 : f32 to vector<4x76xf32>
    %neg3A_1358 = arith.subf %neg3A_1357, %get3A_1316 : vector<4x76xf32>
    %exp3A_1359 = math.exp %neg3A_1358 : vector<4x76xf32>
    %add3A_1360 = arith.constant 1.000000e+00 : f32
    %add3A_1361 = vector.broadcast %add3A_1360 : f32 to vector<4x76xf32>
    %add3A_1362 = arith.addf %add3A_1361, %exp3A_1359 : vector<4x76xf32>
    %div3A_1363 = arith.constant 1.000000e+00 : f32
    %div3A_1364 = vector.broadcast %div3A_1363 : f32 to vector<4x76xf32>
    %div3A_1365 = arith.divf %div3A_1364, %add3A_1362 : vector<4x76xf32>
    %add3A_1366 = arith.addf %div3A_1365, %add3A_1344 : vector<4x76xf32>
    %exp3A_1367 = math.exp %get3A_1323 : vector<4x76xf32>
    %mul3A_1368 = arith.constant 4.125000e+00 : f32
    %mul3A_1369 = vector.broadcast %mul3A_1368 : f32 to vector<4x76xf32>
    %mul3A_1370 = arith.mulf %exp3A_1367, %mul3A_1369 : vector<4x76xf32>
    %exp3A_1371 = math.exp %get3A_1330 : vector<4x76xf32>
    %mul3A_1372 = arith.constant 2.875000e+00 : f32
    %mul3A_1373 = vector.broadcast %mul3A_1372 : f32 to vector<4x76xf32>
    %mul3A_1374 = arith.mulf %exp3A_1371, %mul3A_1373 : vector<4x76xf32>
    %div3A_1375 = arith.constant 2.000000e+00 : f32
    %div3A_1376 = vector.broadcast %div3A_1375 : f32 to vector<4x76xf32>
    %div3A_1377 = arith.divf %mul3A_1370, %div3A_1376 : vector<4x76xf32>
    %sub3A_1378 = arith.subf %add3A_1355, %div3A_1377 : vector<4x76xf32>
    %div3A_1379 = arith.constant 2.000000e+00 : f32
    %div3A_1380 = vector.broadcast %div3A_1379 : f32 to vector<4x76xf32>
    %div3A_1381 = arith.divf %mul3A_1370, %div3A_1380 : vector<4x76xf32>
    %add3A_1382 = arith.addf %add3A_1355, %div3A_1381 : vector<4x76xf32>
    %div3A_1383 = arith.constant 2.000000e+00 : f32
    %div3A_1384 = vector.broadcast %div3A_1383 : f32 to vector<4x76xf32>
    %div3A_1385 = arith.divf %mul3A_1374, %div3A_1384 : vector<4x76xf32>
    %sub3A_1386 = arith.subf %add3A_1366, %div3A_1385 : vector<4x76xf32>
    %div3A_1387 = arith.constant 2.000000e+00 : f32
    %div3A_1388 = vector.broadcast %div3A_1387 : f32 to vector<4x76xf32>
    %div3A_1389 = arith.divf %mul3A_1374, %div3A_1388 : vector<4x76xf32>
    %add3A_1390 = arith.addf %add3A_1366, %div3A_1389 : vector<4x76xf32>
    %mul3A_1391 = arith.mulf %mul3A_1370, %mul3A_1374 : vector<4x76xf32>
    %mul3A_1392 = arith.constant 0.411764711 : f32
    %mul3A_1393 = vector.broadcast %mul3A_1392 : f32 to vector<4x76xf32>
    %mul3A_1394 = arith.mulf %mul3A_1393, %mul3A_1391 : vector<4x76xf32>
    %broadcast_in_dim3A_1395 = arith.constant -1.000000e+30 : f32
    %broadcast_in_dim3A_1396 = vector.broadcast %broadcast_in_dim3A_1395 : f32 to vector<4x76xf32>
    %scan3A_1397 = arith.constant 0 : i32
    %scan3A_1398 = arith.constant 100 : i32
    %scan3A_1399 = arith.addi %scan3A_1397, %scan3A_1398 : i32
    %scan3A_1400 = arith.constant 1 : i32
    %scan3A_1401 = scf.for %scan3A_1713 = %scan3A_1397 to %scan3A_1399 step %scan3A_1400 iter_args(%scan3A_1714 = %broadcast_in_dim3A_1396) -> (vector<4x76xf32>)  : i32 {
      %get3A_1715 = arith.constant 0 : index
      %get3A_1716 = arith.index_cast %scan3A_1713 : i32 to index
      %get3A_1717 = arith.constant 0 : index
      %get3A_1718 = memref.load %arg3[%get3A_1715, %get3A_1716, %get3A_1717] : memref<1x100x5xf32, #tpu.memory_space<smem>>
      %get3A_1719 = arith.constant 0 : index
      %get3A_1720 = arith.index_cast %scan3A_1713 : i32 to index
      %get3A_1721 = arith.constant 1 : index
      %get3A_1722 = memref.load %arg3[%get3A_1719, %get3A_1720, %get3A_1721] : memref<1x100x5xf32, #tpu.memory_space<smem>>
      %get3A_1723 = arith.constant 0 : index
      %get3A_1724 = arith.index_cast %scan3A_1713 : i32 to index
      %get3A_1725 = arith.constant 2 : index
      %get3A_1726 = memref.load %arg3[%get3A_1723, %get3A_1724, %get3A_1725] : memref<1x100x5xf32, #tpu.memory_space<smem>>
      %get3A_1727 = arith.constant 0 : index
      %get3A_1728 = arith.index_cast %scan3A_1713 : i32 to index
      %get3A_1729 = arith.constant 3 : index
      %get3A_1730 = memref.load %arg3[%get3A_1727, %get3A_1728, %get3A_1729] : memref<1x100x5xf32, #tpu.memory_space<smem>>
      %get3A_1731 = arith.constant 0 : index
      %get3A_1732 = arith.index_cast %scan3A_1713 : i32 to index
      %get3A_1733 = arith.constant 4 : index
      %get3A_1734 = memref.load %arg3[%get3A_1731, %get3A_1732, %get3A_1733] : memref<1x100x5xf32, #tpu.memory_space<smem>>
      %min3A_1735 = vector.broadcast %get3A_1722 : f32 to vector<4x76xf32>
      %min3A_1736 = arith.minimumf %add3A_1382, %min3A_1735 : vector<4x76xf32>
      %max3A_1737 = vector.broadcast %get3A_1718 : f32 to vector<4x76xf32>
      %max3A_1738 = arith.maximumf %sub3A_1378, %max3A_1737 : vector<4x76xf32>
      %sub3A_1739 = arith.subf %min3A_1736, %max3A_1738 : vector<4x76xf32>
      %min3A_1740 = vector.broadcast %get3A_1730 : f32 to vector<4x76xf32>
      %min3A_1741 = arith.minimumf %add3A_1390, %min3A_1740 : vector<4x76xf32>
      %max3A_1742 = vector.broadcast %get3A_1726 : f32 to vector<4x76xf32>
      %max3A_1743 = arith.maximumf %sub3A_1386, %max3A_1742 : vector<4x76xf32>
      %sub3A_1744 = arith.subf %min3A_1741, %max3A_1743 : vector<4x76xf32>
      %max3A_1745 = arith.constant 0.000000e+00 : f32
      %max3A_1746 = vector.broadcast %max3A_1745 : f32 to vector<4x76xf32>
      %max3A_1747 = arith.maximumf %sub3A_1739, %max3A_1746 : vector<4x76xf32>
      %mul3A_1748 = arith.mulf %max3A_1747, %sub3A_1744 : vector<4x76xf32>
      %sub3A_1749 = vector.broadcast %get3A_1734 : f32 to vector<4x76xf32>
      %sub3A_1750 = arith.subf %mul3A_1748, %sub3A_1749 : vector<4x76xf32>
      %max3A_1751 = arith.maximumf %scan3A_1714, %sub3A_1750 : vector<4x76xf32>
      scf.yield %max3A_1751 : vector<4x76xf32>
    }
    %scan3A_1402 = arith.constant 100 : i32
    %gt3A_1403 = arith.cmpf ogt, %scan3A_1401, %mul3A_1394 : vector<4x76xf32>
    %max3A_1404 = arith.constant 0.000000e+00 : f32
    %max3A_1405 = vector.broadcast %max3A_1404 : f32 to vector<4x76xf32>
    %max3A_1406 = arith.maximumf %get3A_1337, %max3A_1405 : vector<4x76xf32>
    %abs3A_1407 = math.absf %get3A_1337 : vector<4x76xf32>
    %neg3A_1408 = arith.constant 0.000000e+00 : f32
    %neg3A_1409 = vector.broadcast %neg3A_1408 : f32 to vector<4x76xf32>
    %neg3A_1410 = arith.subf %neg3A_1409, %abs3A_1407 : vector<4x76xf32>
    %exp3A_1411 = math.exp %neg3A_1410 : vector<4x76xf32>
    %log1p3A_1412 = math.log1p %exp3A_1411 : vector<4x76xf32>
    %add3A_1413 = arith.addf %max3A_1406, %log1p3A_1412 : vector<4x76xf32>
    %jit3A_1414 = arith.constant 0.000000e+00 : f32
    %broadcast_in_dim3A_1415 = vector.broadcast %jit3A_1414 : f32 to vector<4x76xf32>
    %select_n3A_1416 = arith.select %gt3A_1403, %broadcast_in_dim3A_1415, %add3A_1413 : vector<4x76xi1>, vector<4x76xf32>
    %reduce_sum3A_1417 = vector.shape_cast %select_n3A_1416 : vector<4x76xf32> to vector<1x4x76xf32>
    %reduce_sum3A_1418 = arith.constant dense<0.000000e+00> : vector<1xf32>
    %reduce_sum3A_1419 = vector.multi_reduction <add>, %reduce_sum3A_1417, %reduce_sum3A_1418 [1, 2] : vector<1x4x76xf32> to vector<1xf32>
    %reduce_sum3A_1420 = vector.shape_cast %reduce_sum3A_1419 : vector<1xf32> to vector<1x1x1xf32>
    %reduce_sum3A_1421 = vector.extract %reduce_sum3A_1420[0, 0, 0] : f32 from vector<1x1x1xf32>
    %add3A_1422 = arith.addf %add3A_1302, %reduce_sum3A_1421 : f32
    %get3A_1423 = arith.constant 0 : index
    %get3A_1424 = arith.constant 0 : index
    %get3A_1425 = arith.constant 0 : index
    %get3A_1426 = vector.load %arg2[%get3A_1423, %get3A_1424, %get3A_1425] : memref<1x100x96xf32, #tpu.memory_space<vmem>>, vector<1x100x96xf32>
    %get3A_1427 = vector.shape_cast %get3A_1426 : vector<1x100x96xf32> to vector<100x96xf32>
    %get3A_1428 = arith.constant 0 : index
    %get3A_1429 = arith.constant 0 : index
    %get3A_1430 = arith.constant 0 : index
    %get3A_1431 = vector.load %arg5[%get3A_1428, %get3A_1429, %get3A_1430] : memref<1x100x12xf32, #tpu.memory_space<vmem>>, vector<1x100x12xf32>
    %get3A_1432 = vector.shape_cast %get3A_1431 : vector<1x100x12xf32> to vector<100x12xf32>
    %slice3A = vector.extract_strided_slice %get3A_1432 {offsets = [0, 0], sizes = [100, 1], strides = [1, 1]} : vector<100x12xf32> to vector<100x1xf32>
    %slice3A_1433 = vector.extract_strided_slice %get3A_1432 {offsets = [0, 1], sizes = [100, 1], strides = [1, 1]} : vector<100x12xf32> to vector<100x1xf32>
    %slice3A_1434 = vector.extract_strided_slice %get3A_1432 {offsets = [0, 2], sizes = [100, 1], strides = [1, 1]} : vector<100x12xf32> to vector<100x1xf32>
    %slice3A_1435 = vector.extract_strided_slice %get3A_1432 {offsets = [0, 3], sizes = [100, 1], strides = [1, 1]} : vector<100x12xf32> to vector<100x1xf32>
    %slice3A_1436 = vector.extract_strided_slice %get3A_1432 {offsets = [0, 4], sizes = [100, 1], strides = [1, 1]} : vector<100x12xf32> to vector<100x1xf32>
    %slice3A_1437 = vector.extract_strided_slice %get3A_1432 {offsets = [0, 5], sizes = [100, 1], strides = [1, 1]} : vector<100x12xf32> to vector<100x1xf32>
    %slice3A_1438 = vector.extract_strided_slice %get3A_1432 {offsets = [0, 6], sizes = [100, 1], strides = [1, 1]} : vector<100x12xf32> to vector<100x1xf32>
    %slice3A_1439 = vector.extract_strided_slice %get3A_1432 {offsets = [0, 7], sizes = [100, 1], strides = [1, 1]} : vector<100x12xf32> to vector<100x1xf32>
    %slice3A_1440 = vector.extract_strided_slice %get3A_1432 {offsets = [0, 8], sizes = [100, 1], strides = [1, 1]} : vector<100x12xf32> to vector<100x1xf32>
    %slice3A_1441 = vector.extract_strided_slice %get3A_1432 {offsets = [0, 9], sizes = [100, 1], strides = [1, 1]} : vector<100x12xf32> to vector<100x1xf32>
    %slice3A_1442 = vector.extract_strided_slice %get3A_1432 {offsets = [0, 10], sizes = [100, 1], strides = [1, 1]} : vector<100x12xf32> to vector<100x1xf32>
    %slice3A_1443 = vector.extract_strided_slice %get3A_1432 {offsets = [0, 11], sizes = [100, 1], strides = [1, 1]} : vector<100x12xf32> to vector<100x1xf32>
    %slice3A_1444 = vector.extract_strided_slice %get3A_1427 {offsets = [0, 0], sizes = [100, 1], strides = [1, 1]} : vector<100x96xf32> to vector<100x1xf32>
    %slice3A_1445 = vector.extract_strided_slice %get3A_1427 {offsets = [0, 1], sizes = [100, 1], strides = [1, 1]} : vector<100x96xf32> to vector<100x1xf32>
    %slice3A_1446 = vector.extract_strided_slice %get3A_1427 {offsets = [0, 2], sizes = [100, 1], strides = [1, 1]} : vector<100x96xf32> to vector<100x1xf32>
    %slice3A_1447 = vector.extract_strided_slice %get3A_1427 {offsets = [0, 3], sizes = [100, 1], strides = [1, 1]} : vector<100x96xf32> to vector<100x1xf32>
    %slice3A_1448 = vector.extract_strided_slice %get3A_1427 {offsets = [0, 4], sizes = [100, 1], strides = [1, 1]} : vector<100x96xf32> to vector<100x1xf32>
    %max3A_1449 = arith.constant 0.000000e+00 : f32
    %max3A_1450 = vector.broadcast %max3A_1449 : f32 to vector<100x96xf32>
    %max3A_1451 = arith.maximumf %get3A_1427, %max3A_1450 : vector<100x96xf32>
    %abs3A_1452 = math.absf %get3A_1427 : vector<100x96xf32>
    %neg3A_1453 = arith.constant 0.000000e+00 : f32
    %neg3A_1454 = vector.broadcast %neg3A_1453 : f32 to vector<100x96xf32>
    %neg3A_1455 = arith.subf %neg3A_1454, %abs3A_1452 : vector<100x96xf32>
    %exp3A_1456 = math.exp %neg3A_1455 : vector<100x96xf32>
    %log1p3A_1457 = math.log1p %exp3A_1456 : vector<100x96xf32>
    %add3A_1458 = arith.addf %max3A_1451, %log1p3A_1457 : vector<100x96xf32>
    %reduce_sum3A_1459 = arith.constant dense<0.000000e+00> : vector<100xf32>
    %reduce_sum3A_1460 = vector.multi_reduction <add>, %add3A_1458, %reduce_sum3A_1459 [1] : vector<100x96xf32> to vector<100xf32>
    %broadcast_in_dim3A_1461 = vector.shape_cast %reduce_sum3A_1460 : vector<100xf32> to vector<100x1xf32>
    %max3A_1462 = arith.constant 0.000000e+00 : f32
    %max3A_1463 = vector.broadcast %max3A_1462 : f32 to vector<100x1xf32>
    %max3A_1464 = arith.maximumf %slice3A_1444, %max3A_1463 : vector<100x1xf32>
    %abs3A_1465 = math.absf %slice3A_1444 : vector<100x1xf32>
    %neg3A_1466 = arith.constant 0.000000e+00 : f32
    %neg3A_1467 = vector.broadcast %neg3A_1466 : f32 to vector<100x1xf32>
    %neg3A_1468 = arith.subf %neg3A_1467, %abs3A_1465 : vector<100x1xf32>
    %exp3A_1469 = math.exp %neg3A_1468 : vector<100x1xf32>
    %log1p3A_1470 = math.log1p %exp3A_1469 : vector<100x1xf32>
    %add3A_1471 = arith.addf %max3A_1464, %log1p3A_1470 : vector<100x1xf32>
    %max3A_1472 = arith.constant 0.000000e+00 : f32
    %max3A_1473 = vector.broadcast %max3A_1472 : f32 to vector<100x1xf32>
    %max3A_1474 = arith.maximumf %slice3A_1445, %max3A_1473 : vector<100x1xf32>
    %abs3A_1475 = math.absf %slice3A_1445 : vector<100x1xf32>
    %neg3A_1476 = arith.constant 0.000000e+00 : f32
    %neg3A_1477 = vector.broadcast %neg3A_1476 : f32 to vector<100x1xf32>
    %neg3A_1478 = arith.subf %neg3A_1477, %abs3A_1475 : vector<100x1xf32>
    %exp3A_1479 = math.exp %neg3A_1478 : vector<100x1xf32>
    %log1p3A_1480 = math.log1p %exp3A_1479 : vector<100x1xf32>
    %add3A_1481 = arith.addf %max3A_1474, %log1p3A_1480 : vector<100x1xf32>
    %add3A_1482 = arith.addf %add3A_1471, %add3A_1481 : vector<100x1xf32>
    %max3A_1483 = arith.constant 0.000000e+00 : f32
    %max3A_1484 = vector.broadcast %max3A_1483 : f32 to vector<100x1xf32>
    %max3A_1485 = arith.maximumf %slice3A_1446, %max3A_1484 : vector<100x1xf32>
    %abs3A_1486 = math.absf %slice3A_1446 : vector<100x1xf32>
    %neg3A_1487 = arith.constant 0.000000e+00 : f32
    %neg3A_1488 = vector.broadcast %neg3A_1487 : f32 to vector<100x1xf32>
    %neg3A_1489 = arith.subf %neg3A_1488, %abs3A_1486 : vector<100x1xf32>
    %exp3A_1490 = math.exp %neg3A_1489 : vector<100x1xf32>
    %log1p3A_1491 = math.log1p %exp3A_1490 : vector<100x1xf32>
    %add3A_1492 = arith.addf %max3A_1485, %log1p3A_1491 : vector<100x1xf32>
    %add3A_1493 = arith.addf %add3A_1482, %add3A_1492 : vector<100x1xf32>
    %max3A_1494 = arith.constant 0.000000e+00 : f32
    %max3A_1495 = vector.broadcast %max3A_1494 : f32 to vector<100x1xf32>
    %max3A_1496 = arith.maximumf %slice3A_1447, %max3A_1495 : vector<100x1xf32>
    %abs3A_1497 = math.absf %slice3A_1447 : vector<100x1xf32>
    %neg3A_1498 = arith.constant 0.000000e+00 : f32
    %neg3A_1499 = vector.broadcast %neg3A_1498 : f32 to vector<100x1xf32>
    %neg3A_1500 = arith.subf %neg3A_1499, %abs3A_1497 : vector<100x1xf32>
    %exp3A_1501 = math.exp %neg3A_1500 : vector<100x1xf32>
    %log1p3A_1502 = math.log1p %exp3A_1501 : vector<100x1xf32>
    %add3A_1503 = arith.addf %max3A_1496, %log1p3A_1502 : vector<100x1xf32>
    %add3A_1504 = arith.addf %add3A_1493, %add3A_1503 : vector<100x1xf32>
    %max3A_1505 = arith.constant 0.000000e+00 : f32
    %max3A_1506 = vector.broadcast %max3A_1505 : f32 to vector<100x1xf32>
    %max3A_1507 = arith.maximumf %slice3A_1448, %max3A_1506 : vector<100x1xf32>
    %abs3A_1508 = math.absf %slice3A_1448 : vector<100x1xf32>
    %neg3A_1509 = arith.constant 0.000000e+00 : f32
    %neg3A_1510 = vector.broadcast %neg3A_1509 : f32 to vector<100x1xf32>
    %neg3A_1511 = arith.subf %neg3A_1510, %abs3A_1508 : vector<100x1xf32>
    %exp3A_1512 = math.exp %neg3A_1511 : vector<100x1xf32>
    %log1p3A_1513 = math.log1p %exp3A_1512 : vector<100x1xf32>
    %add3A_1514 = arith.addf %max3A_1507, %log1p3A_1513 : vector<100x1xf32>
    %add3A_1515 = arith.addf %add3A_1504, %add3A_1514 : vector<100x1xf32>
    %sub3A_1516 = arith.subf %broadcast_in_dim3A_1461, %add3A_1515 : vector<100x1xf32>
    %neg3A_1517 = arith.constant 0.000000e+00 : f32
    %neg3A_1518 = vector.broadcast %neg3A_1517 : f32 to vector<100x1xf32>
    %neg3A_1519 = arith.subf %neg3A_1518, %slice3A_1444 : vector<100x1xf32>
    %exp3A_1520 = math.exp %neg3A_1519 : vector<100x1xf32>
    %add3A_1521 = arith.constant 1.000000e+00 : f32
    %add3A_1522 = vector.broadcast %add3A_1521 : f32 to vector<100x1xf32>
    %add3A_1523 = arith.addf %add3A_1522, %exp3A_1520 : vector<100x1xf32>
    %div3A_1524 = arith.constant 1.000000e+00 : f32
    %div3A_1525 = vector.broadcast %div3A_1524 : f32 to vector<100x1xf32>
    %div3A_1526 = arith.divf %div3A_1525, %add3A_1523 : vector<100x1xf32>
    %add3A_1527 = arith.addf %div3A_1526, %slice3A_1440 : vector<100x1xf32>
    %neg3A_1528 = arith.constant 0.000000e+00 : f32
    %neg3A_1529 = vector.broadcast %neg3A_1528 : f32 to vector<100x1xf32>
    %neg3A_1530 = arith.subf %neg3A_1529, %slice3A_1445 : vector<100x1xf32>
    %exp3A_1531 = math.exp %neg3A_1530 : vector<100x1xf32>
    %add3A_1532 = arith.constant 1.000000e+00 : f32
    %add3A_1533 = vector.broadcast %add3A_1532 : f32 to vector<100x1xf32>
    %add3A_1534 = arith.addf %add3A_1533, %exp3A_1531 : vector<100x1xf32>
    %div3A_1535 = arith.constant 1.000000e+00 : f32
    %div3A_1536 = vector.broadcast %div3A_1535 : f32 to vector<100x1xf32>
    %div3A_1537 = arith.divf %div3A_1536, %add3A_1534 : vector<100x1xf32>
    %add3A_1538 = arith.addf %div3A_1537, %slice3A_1441 : vector<100x1xf32>
    %exp3A_1539 = math.exp %slice3A_1446 : vector<100x1xf32>
    %mul3A_1540 = arith.mulf %exp3A_1539, %slice3A_1442 : vector<100x1xf32>
    %exp3A_1541 = math.exp %slice3A_1447 : vector<100x1xf32>
    %mul3A_1542 = arith.mulf %exp3A_1541, %slice3A_1443 : vector<100x1xf32>
    %div3A_1543 = arith.constant 2.000000e+00 : f32
    %div3A_1544 = vector.broadcast %div3A_1543 : f32 to vector<100x1xf32>
    %div3A_1545 = arith.divf %mul3A_1540, %div3A_1544 : vector<100x1xf32>
    %sub3A_1546 = arith.subf %add3A_1527, %div3A_1545 : vector<100x1xf32>
    %div3A_1547 = arith.constant 2.000000e+00 : f32
    %div3A_1548 = vector.broadcast %div3A_1547 : f32 to vector<100x1xf32>
    %div3A_1549 = arith.divf %mul3A_1540, %div3A_1548 : vector<100x1xf32>
    %add3A_1550 = arith.addf %add3A_1527, %div3A_1549 : vector<100x1xf32>
    %div3A_1551 = arith.constant 2.000000e+00 : f32
    %div3A_1552 = vector.broadcast %div3A_1551 : f32 to vector<100x1xf32>
    %div3A_1553 = arith.divf %mul3A_1542, %div3A_1552 : vector<100x1xf32>
    %sub3A_1554 = arith.subf %add3A_1538, %div3A_1553 : vector<100x1xf32>
    %div3A_1555 = arith.constant 2.000000e+00 : f32
    %div3A_1556 = vector.broadcast %div3A_1555 : f32 to vector<100x1xf32>
    %div3A_1557 = arith.divf %mul3A_1542, %div3A_1556 : vector<100x1xf32>
    %add3A_1558 = arith.addf %add3A_1538, %div3A_1557 : vector<100x1xf32>
    %mul3A_1559 = arith.mulf %mul3A_1540, %mul3A_1542 : vector<100x1xf32>
    %mul3A_1560 = arith.constant 0.411764711 : f32
    %mul3A_1561 = vector.broadcast %mul3A_1560 : f32 to vector<100x1xf32>
    %mul3A_1562 = arith.mulf %mul3A_1561, %mul3A_1559 : vector<100x1xf32>
    %get3A_1563 = arith.constant 0 : index
    %get3A_1564 = arith.constant 0 : index
    %get3A_1565 = arith.constant 0 : index
    %get3A_1566 = vector.load %arg4[%get3A_1563, %get3A_1564, %get3A_1565] : memref<1x5x100xf32, #tpu.memory_space<vmem>>, vector<1x1x100xf32>
    %get3A_1567 = vector.shape_cast %get3A_1566 : vector<1x1x100xf32> to vector<100xf32>
    %get3A_1568 = arith.constant 0 : index
    %get3A_1569 = arith.constant 1 : index
    %get3A_1570 = arith.constant 0 : index
    %get3A_1571 = vector.load %arg4[%get3A_1568, %get3A_1569, %get3A_1570] : memref<1x5x100xf32, #tpu.memory_space<vmem>>, vector<1x1x100xf32>
    %get3A_1572 = vector.shape_cast %get3A_1571 : vector<1x1x100xf32> to vector<100xf32>
    %get3A_1573 = arith.constant 0 : index
    %get3A_1574 = arith.constant 2 : index
    %get3A_1575 = arith.constant 0 : index
    %get3A_1576 = vector.load %arg4[%get3A_1573, %get3A_1574, %get3A_1575] : memref<1x5x100xf32, #tpu.memory_space<vmem>>, vector<1x1x100xf32>
    %get3A_1577 = vector.shape_cast %get3A_1576 : vector<1x1x100xf32> to vector<100xf32>
    %get3A_1578 = arith.constant 0 : index
    %get3A_1579 = arith.constant 3 : index
    %get3A_1580 = arith.constant 0 : index
    %get3A_1581 = vector.load %arg4[%get3A_1578, %get3A_1579, %get3A_1580] : memref<1x5x100xf32, #tpu.memory_space<vmem>>, vector<1x1x100xf32>
    %get3A_1582 = vector.shape_cast %get3A_1581 : vector<1x1x100xf32> to vector<100xf32>
    %get3A_1583 = arith.constant 0 : index
    %get3A_1584 = arith.constant 4 : index
    %get3A_1585 = arith.constant 0 : index
    %get3A_1586 = vector.load %arg4[%get3A_1583, %get3A_1584, %get3A_1585] : memref<1x5x100xf32, #tpu.memory_space<vmem>>, vector<1x1x100xf32>
    %get3A_1587 = vector.shape_cast %get3A_1586 : vector<1x1x100xf32> to vector<100xf32>
    %broadcast_in_dim3A_1588 = vector.shape_cast %get3A_1572 : vector<100xf32> to vector<1x100xf32>
    %min3A = vector.broadcast %add3A_1550 : vector<100x1xf32> to vector<100x100xf32>
    %min3A_1589 = vector.broadcast %broadcast_in_dim3A_1588 : vector<1x100xf32> to vector<100x100xf32>
    %min3A_1590 = arith.minimumf %min3A, %min3A_1589 : vector<100x100xf32>
    %broadcast_in_dim3A_1591 = vector.shape_cast %get3A_1567 : vector<100xf32> to vector<1x100xf32>
    %max3A_1592 = vector.broadcast %sub3A_1546 : vector<100x1xf32> to vector<100x100xf32>
    %max3A_1593 = vector.broadcast %broadcast_in_dim3A_1591 : vector<1x100xf32> to vector<100x100xf32>
    %max3A_1594 = arith.maximumf %max3A_1592, %max3A_1593 : vector<100x100xf32>
    %sub3A_1595 = arith.subf %min3A_1590, %max3A_1594 : vector<100x100xf32>
    %broadcast_in_dim3A_1596 = vector.shape_cast %get3A_1582 : vector<100xf32> to vector<1x100xf32>
    %min3A_1597 = vector.broadcast %add3A_1558 : vector<100x1xf32> to vector<100x100xf32>
    %min3A_1598 = vector.broadcast %broadcast_in_dim3A_1596 : vector<1x100xf32> to vector<100x100xf32>
    %min3A_1599 = arith.minimumf %min3A_1597, %min3A_1598 : vector<100x100xf32>
    %broadcast_in_dim3A_1600 = vector.shape_cast %get3A_1577 : vector<100xf32> to vector<1x100xf32>
    %max3A_1601 = vector.broadcast %sub3A_1554 : vector<100x1xf32> to vector<100x100xf32>
    %max3A_1602 = vector.broadcast %broadcast_in_dim3A_1600 : vector<1x100xf32> to vector<100x100xf32>
    %max3A_1603 = arith.maximumf %max3A_1601, %max3A_1602 : vector<100x100xf32>
    %sub3A_1604 = arith.subf %min3A_1599, %max3A_1603 : vector<100x100xf32>
    %max3A_1605 = arith.constant 0.000000e+00 : f32
    %max3A_1606 = vector.broadcast %max3A_1605 : f32 to vector<100x100xf32>
    %max3A_1607 = arith.maximumf %sub3A_1595, %max3A_1606 : vector<100x100xf32>
    %mul3A_1608 = arith.mulf %max3A_1607, %sub3A_1604 : vector<100x100xf32>
    %broadcast_in_dim3A_1609 = vector.shape_cast %get3A_1587 : vector<100xf32> to vector<1x100xf32>
    %sub3A_1610 = vector.broadcast %broadcast_in_dim3A_1609 : vector<1x100xf32> to vector<100x100xf32>
    %sub3A_1611 = arith.subf %mul3A_1608, %sub3A_1610 : vector<100x100xf32>
    %reduce_max3A = arith.constant dense<0xFF800000> : vector<100xf32>
    %reduce_max3A_1612 = vector.multi_reduction <maximumf>, %sub3A_1611, %reduce_max3A [1] : vector<100x100xf32> to vector<100xf32>
    %broadcast_in_dim3A_1613 = vector.shape_cast %reduce_max3A_1612 : vector<100xf32> to vector<100x1xf32>
    %gt3A_1614 = arith.cmpf ogt, %broadcast_in_dim3A_1613, %mul3A_1562 : vector<100x1xf32>
    %mul3A_1615 = arith.mulf %slice3A_1446, %slice3A_1436 : vector<100x1xf32>
    %mul3A_1616 = arith.mulf %slice3A_1434, %slice3A_1436 : vector<100x1xf32>
    %sub3A_1617 = arith.subf %mul3A_1615, %mul3A_1616 : vector<100x1xf32>
    %integer_pow3A = arith.mulf %sub3A_1617, %sub3A_1617 : vector<100x1xf32>
    %mul3A_1618 = arith.mulf %slice3A_1447, %slice3A_1436 : vector<100x1xf32>
    %mul3A_1619 = arith.mulf %slice3A_1435, %slice3A_1436 : vector<100x1xf32>
    %sub3A_1620 = arith.subf %mul3A_1618, %mul3A_1619 : vector<100x1xf32>
    %integer_pow3A_1621 = arith.mulf %sub3A_1620, %sub3A_1620 : vector<100x1xf32>
    %add3A_1622 = arith.addf %integer_pow3A, %integer_pow3A_1621 : vector<100x1xf32>
    %div3A_1623 = arith.constant 2.000000e+00 : f32
    %div3A_1624 = vector.broadcast %div3A_1623 : f32 to vector<100x1xf32>
    %div3A_1625 = arith.divf %add3A_1622, %div3A_1624 : vector<100x1xf32>
    %max3A_1626 = arith.constant 0.000000e+00 : f32
    %max3A_1627 = vector.broadcast %max3A_1626 : f32 to vector<100x1xf32>
    %max3A_1628 = arith.maximumf %slice3A_1448, %max3A_1627 : vector<100x1xf32>
    %mul3A_1629 = arith.constant 1.000000e+00 : f32
    %mul3A_1630 = vector.broadcast %mul3A_1629 : f32 to vector<100x1xf32>
    %mul3A_1631 = arith.mulf %slice3A_1448, %mul3A_1630 : vector<100x1xf32>
    %sub3A_1632 = arith.subf %max3A_1628, %mul3A_1631 : vector<100x1xf32>
    %abs3A_1633 = math.absf %slice3A_1448 : vector<100x1xf32>
    %neg3A_1634 = arith.constant 0.000000e+00 : f32
    %neg3A_1635 = vector.broadcast %neg3A_1634 : f32 to vector<100x1xf32>
    %neg3A_1636 = arith.subf %neg3A_1635, %abs3A_1633 : vector<100x1xf32>
    %exp3A_1637 = math.exp %neg3A_1636 : vector<100x1xf32>
    %log1p3A_1638 = math.log1p %exp3A_1637 : vector<100x1xf32>
    %add3A_1639 = arith.addf %sub3A_1632, %log1p3A_1638 : vector<100x1xf32>
    %max3A_1640 = arith.constant 0.000000e+00 : f32
    %max3A_1641 = vector.broadcast %max3A_1640 : f32 to vector<100x1xf32>
    %max3A_1642 = arith.maximumf %slice3A_1448, %max3A_1641 : vector<100x1xf32>
    %abs3A_1643 = math.absf %slice3A_1448 : vector<100x1xf32>
    %neg3A_1644 = arith.constant 0.000000e+00 : f32
    %neg3A_1645 = vector.broadcast %neg3A_1644 : f32 to vector<100x1xf32>
    %neg3A_1646 = arith.subf %neg3A_1645, %abs3A_1643 : vector<100x1xf32>
    %exp3A_1647 = math.exp %neg3A_1646 : vector<100x1xf32>
    %log1p3A_1648 = math.log1p %exp3A_1647 : vector<100x1xf32>
    %add3A_1649 = arith.addf %max3A_1642, %log1p3A_1648 : vector<100x1xf32>
    %jit3A_1650 = arith.constant 0.000000e+00 : f32
    %broadcast_in_dim3A_1651 = vector.broadcast %jit3A_1650 : f32 to vector<100x1xf32>
    %select_n3A_1652 = arith.select %gt3A_1614, %broadcast_in_dim3A_1651, %add3A_1649 : vector<100x1xi1>, vector<100x1xf32>
    %sub3A_1653 = arith.subf %add3A_1639, %select_n3A_1652 : vector<100x1xf32>
    %max3A_1654 = arith.constant 0.000000e+00 : f32
    %max3A_1655 = vector.broadcast %max3A_1654 : f32 to vector<100x1xf32>
    %max3A_1656 = arith.maximumf %slice3A_1444, %max3A_1655 : vector<100x1xf32>
    %mul3A_1657 = arith.mulf %slice3A_1444, %slice3A : vector<100x1xf32>
    %sub3A_1658 = arith.subf %max3A_1656, %mul3A_1657 : vector<100x1xf32>
    %abs3A_1659 = math.absf %slice3A_1444 : vector<100x1xf32>
    %neg3A_1660 = arith.constant 0.000000e+00 : f32
    %neg3A_1661 = vector.broadcast %neg3A_1660 : f32 to vector<100x1xf32>
    %neg3A_1662 = arith.subf %neg3A_1661, %abs3A_1659 : vector<100x1xf32>
    %exp3A_1663 = math.exp %neg3A_1662 : vector<100x1xf32>
    %log1p3A_1664 = math.log1p %exp3A_1663 : vector<100x1xf32>
    %add3A_1665 = arith.addf %sub3A_1658, %log1p3A_1664 : vector<100x1xf32>
    %add3A_1666 = arith.addf %sub3A_1653, %add3A_1665 : vector<100x1xf32>
    %max3A_1667 = arith.constant 0.000000e+00 : f32
    %max3A_1668 = vector.broadcast %max3A_1667 : f32 to vector<100x1xf32>
    %max3A_1669 = arith.maximumf %slice3A_1445, %max3A_1668 : vector<100x1xf32>
    %mul3A_1670 = arith.mulf %slice3A_1445, %slice3A_1433 : vector<100x1xf32>
    %sub3A_1671 = arith.subf %max3A_1669, %mul3A_1670 : vector<100x1xf32>
    %abs3A_1672 = math.absf %slice3A_1445 : vector<100x1xf32>
    %neg3A_1673 = arith.constant 0.000000e+00 : f32
    %neg3A_1674 = vector.broadcast %neg3A_1673 : f32 to vector<100x1xf32>
    %neg3A_1675 = arith.subf %neg3A_1674, %abs3A_1672 : vector<100x1xf32>
    %exp3A_1676 = math.exp %neg3A_1675 : vector<100x1xf32>
    %log1p3A_1677 = math.log1p %exp3A_1676 : vector<100x1xf32>
    %add3A_1678 = arith.addf %sub3A_1671, %log1p3A_1677 : vector<100x1xf32>
    %add3A_1679 = arith.addf %add3A_1666, %add3A_1678 : vector<100x1xf32>
    %add3A_1680 = arith.addf %add3A_1679, %div3A_1625 : vector<100x1xf32>
    %add3A_1681 = arith.addf %add3A_1680, %sub3A_1516 : vector<100x1xf32>
    %iota3A_1682 = tpu.iota {dimensions = array<i32: 1>} : vector<100x96xi32>
    %convert_element_type3A_1683 = arith.fptosi %slice3A_1437 : vector<100x1xf32> to vector<100x1xi32>
    %add3A_1684 = arith.constant 5 : i32
    %add3A_1685 = vector.broadcast %add3A_1684 : i32 to vector<100x1xi32>
    %add3A_1686 = arith.addi %convert_element_type3A_1683, %add3A_1685 : vector<100x1xi32>
    %eq3A = vector.broadcast %add3A_1686 : vector<100x1xi32> to vector<100x96xi32>
    %eq3A_1687 = arith.cmpi eq, %iota3A_1682, %eq3A : vector<100x96xi32>
    %convert_element_type3A_1688 = arith.extui %eq3A_1687 : vector<100x96xi1> to vector<100x96xi32>
    %convert_element_type3A_1689 = arith.sitofp %convert_element_type3A_1688 : vector<100x96xi32> to vector<100x96xf32>
    %mul3A_1690 = arith.mulf %get3A_1427, %convert_element_type3A_1689 : vector<100x96xf32>
    %reduce_sum3A_1691 = arith.constant dense<0.000000e+00> : vector<100xf32>
    %reduce_sum3A_1692 = vector.multi_reduction <add>, %mul3A_1690, %reduce_sum3A_1691 [1] : vector<100x96xf32> to vector<100xf32>
    %broadcast_in_dim3A_1693 = vector.shape_cast %reduce_sum3A_1692 : vector<100xf32> to vector<100x1xf32>
    %mul3A_1694 = arith.mulf %slice3A_1438, %add3A_1681 : vector<100x1xf32>
    %reduce_sum3A_1695 = vector.shape_cast %mul3A_1694 : vector<100x1xf32> to vector<1x100x1xf32>
    %reduce_sum3A_1696 = arith.constant dense<0.000000e+00> : vector<1xf32>
    %reduce_sum3A_1697 = vector.multi_reduction <add>, %reduce_sum3A_1695, %reduce_sum3A_1696 [1, 2] : vector<1x100x1xf32> to vector<1xf32>
    %reduce_sum3A_1698 = vector.shape_cast %reduce_sum3A_1697 : vector<1xf32> to vector<1x1x1xf32>
    %reduce_sum3A_1699 = vector.extract %reduce_sum3A_1698[0, 0, 0] : f32 from vector<1x1x1xf32>
    %mul3A_1700 = arith.mulf %slice3A_1439, %broadcast_in_dim3A_1693 : vector<100x1xf32>
    %reduce_sum3A_1701 = vector.shape_cast %mul3A_1700 : vector<100x1xf32> to vector<1x100x1xf32>
    %reduce_sum3A_1702 = arith.constant dense<0.000000e+00> : vector<1xf32>
    %reduce_sum3A_1703 = vector.multi_reduction <add>, %reduce_sum3A_1701, %reduce_sum3A_1702 [1, 2] : vector<1x100x1xf32> to vector<1xf32>
    %reduce_sum3A_1704 = vector.shape_cast %reduce_sum3A_1703 : vector<1xf32> to vector<1x1x1xf32>
    %reduce_sum3A_1705 = vector.extract %reduce_sum3A_1704[0, 0, 0] : f32 from vector<1x1x1xf32>
    %sub3A_1706 = arith.subf %reduce_sum3A_1699, %reduce_sum3A_1705 : f32
    %add3A_1707 = arith.addf %add3A_1422, %sub3A_1706 : f32
    %reshape3A = vector.broadcast %add3A_1707 : f32 to vector<1x1xf32>
    %swap3A = arith.constant 0 : index
    %swap3A_1708 = arith.constant 0 : index
    %swap3A_1709 = arith.constant 0 : index
    %swap3A_1710 = vector.load %arg6[%swap3A, %swap3A_1708, %swap3A_1709] : memref<1x1x1xf32, #tpu.memory_space<vmem>>, vector<1x1x1xf32>
    %swap3A_1711 = vector.shape_cast %swap3A_1710 : vector<1x1x1xf32> to vector<1x1xf32>
    %swap3A_1712 = vector.shape_cast %reshape3A : vector<1x1xf32> to vector<1x1x1xf32>
    tpu.vector_store %arg6[%swap3A, %swap3A_1708, %swap3A_1709], %swap3A_1712 {strides = array<i32>} : memref<1x1x1xf32, #tpu.memory_space<vmem>>, vector<1x1x1xf32>,
    return
  }
  func.func @transform_0(%arg0: i32) -> (i32, i32, i32, i32, i32) {
    %c0_i32 = arith.constant 0 : i32
    %c0_i32_0 = arith.constant 0 : i32
    %c0_i32_1 = arith.constant 0 : i32
    %c0_i32_2 = arith.constant 0 : i32
    %c0_i32_3 = arith.constant 0 : i32
    return %arg0, %c0_i32, %c0_i32_0, %c0_i32_1, %c0_i32_2 : i32, i32, i32, i32, i32
  }
  func.func @transform_1(%arg0: i32) -> (i32, i32, i32) {
    %c0_i32 = arith.constant 0 : i32
    %c0_i32_0 = arith.constant 0 : i32
    %c0_i32_1 = arith.constant 0 : i32
    return %arg0, %c0_i32, %c0_i32_0 : i32, i32, i32
  }
  func.func @transform_2(%arg0: i32) -> (i32, i32, i32) {
    %c0_i32 = arith.constant 0 : i32
    %c0_i32_0 = arith.constant 0 : i32
    %c0_i32_1 = arith.constant 0 : i32
    return %arg0, %c0_i32, %c0_i32_0 : i32, i32, i32
  }
  func.func @transform_3(%arg0: i32) -> (i32, i32, i32) {
    %c0_i32 = arith.constant 0 : i32
    %c0_i32_0 = arith.constant 0 : i32
    %c0_i32_1 = arith.constant 0 : i32
    return %arg0, %c0_i32, %c0_i32_0 : i32, i32, i32
  }
  func.func @transform_4(%arg0: i32) -> (i32, i32, i32) {
    %c0_i32 = arith.constant 0 : i32
    %c0_i32_0 = arith.constant 0 : i32
    %c0_i32_1 = arith.constant 0 : i32
    return %arg0, %c0_i32, %c0_i32_0 : i32, i32, i32
  }
  func.func @transform_5(%arg0: i32) -> (i32, i32, i32) {
    %c0_i32 = arith.constant 0 : i32
    %c0_i32_0 = arith.constant 0 : i32
    %c0_i32_1 = arith.constant 0 : i32
    return %arg0, %c0_i32, %c0_i32_0 : i32, i32, i32
  }
}

</mosaic_0001>

<sc_bundles>
// kernel: kernel.5.cloned.1.call-start
scs
__scs_entry_jumppad:
0x0: {  	(pc) =	sbr.rel $0x88, $3  }
0x1: {  	(tag) =	ssettag $0x0;
	lr =	simm.s32 $0x1  }
0x2: {  	[smem:$0x3F9F] =	sst lr;
	_ =	strace $0xD0000000  }
0x3: {  	_ = 	snop  }
0x4: {  	_ = 	snop  }
0x5: {  	_ = 	snop  }
0x6: {  	_ = 	snop  }
0x7: {  	_ = 	snop  }
__scs_overlays_trampoline_lowered:
0x8: {  	[smem:$0x3FAE] =	sst s0  }
0x9: {  	[smem:$0x3FAF] =	sst s1  }
0xa: {  	[smem:$0x3FB0] =	sst s2  }
0xb: {  	[smem:$0x3FB1] =	sst s3  }
0xc: {  	[smem:$0x3FB2] =	sst s4  }
0xd: {  	[smem:$0x3FB3] =	sst s5  }
0xe: {  	[smem:$0x3FB4] =	sst s6  }
0xf: {  	[smem:$0x3FB5] =	sst s7  }
0x10: {  	[smem:$0x3FB6] =	sst s8  }
0x11: {  	[smem:$0x3FB7] =	sst s9;
	s0 =	simm.s32 @!p0 $0x0  }
0x12: {  	s1 =	sld [smem:$0x3F9D];
	s0 =	simm.s32 @p0 $0x1  }
0x13: {  	[smem:$0x3FB8] =	sst s0;
	s0 =	simm.s32 @!p1 $0x0  }
0x14: {  	s2 =	sld [smem:$0x3F9C];
	s0 =	simm.s32 @p1 $0x1  }
0x15: {  	[smem:$0x3FB9] =	sst s0;
	s0 =	simm.s32 @!p2 $0x0  }
0x16: {  	s3 =	sld [smem:$0x3FDB];
	s0 =	simm.s32 @p2 $0x1  }
0x17: {  	s4 =	simm.s32 $0x1BF5;
	[smem:$0x3FBB] =	sst s0  }
0x18: {  	s0 =	sld [smem:$0x3F9E];
	_ =	swait.ge [sflag:s4], $0x0  }
0x19: {  	s7 =	sld [smem:$0x3F9F]  }
0x1a: {  	s8 =	sadd.s32 $0xFFFFE003, lr  }
0x1b: {  	s9 =	sadd.s32 $0xFFFFFEF7, lr;
	s5 =	simm.s32 $0xFFFFFFFF;
	p2 =	slt.u32 s8, $0xFFFFF086  }
0x1c: {  	p1 =	slt.u32 s9, $0xF7A;
	s5 =	simm.s32 @!p2 $0x0  }
0x1d: {  	s5 =	simm.s32 @p1 $0x1;
	p0 =	seq.s32 s7, s2  }
0x1e: {  	s7 =	smul.u32 @!p0 $0xF7A, s2;
	p2 =	seq.s32 @!p0 s5, $0x0  }
0x1f: {  	s9 =	smul.u32 $0xF7A, s1;
	s8 =	simm.s32 @!p0 $0x1BF5;
	p2 =	por !p2, p0  }
0x20: {  	[sflag:s8] =	ssyncset.s32 @!p0 $0xFFFFF086;
	s6 =	sadd.s32 @!p0 s3, s7;
	s7 =	simm.s32 @!p0 $0x108  }
0x21: {  	s3 =	sadd.s32 s3, s9;
	s6 =	sadd.s32 @!p0 $0x88, s6;
	s7 =	simm.s32 @p2 $0x1082  }
0x22: {  	[simem:s7], [sflag:s8] =	dma.local @!p0 [hbm:s6], $0xF7A  }
0x23: {  	s9 =	sor.u32 $0xD0000000, s2;
	s6 =	simm.s32 $0x108;
	_ =	swait.ge @!p0 [sflag:s8], $0x0  }
0x24: {  	s3 =	sadd.s32 $0x88, s3;
	s6 =	simm.s32 @!p1 $0x1082;
	[sflag:s4] =	ssyncset.s32 $0xFFFFF086  }
0x25: {  	[simem:s6], [sflag:s4] =	dma.local [hbm:s3], $0xF7A  }
0x26: {  	[smem:$0x3F9F] =	sst s1;
	(tag) =	ssettag s2;
	_ =	strace s9  }
0x27: {  	s1 =	sld [smem:$0x3FAF]  }
0x28: {  	s2 =	sld [smem:$0x3FB0]  }
0x29: {  	s4 =	sld [smem:$0x3FB2]  }
0x2a: {  	p0 =	seq.s32 s5, $0x0;
	s5 =	sld [smem:$0x3FB3]  }
0x2b: {  	s6 =	sld [smem:$0x3FB4]  }
0x2c: {  	s7 =	sld [smem:$0x3FB5]  }
0x2d: {  	s3 =	simm.s32 $0x108;
	s8 =	sld [smem:$0x3FB6]  }
0x2e: {  	s3 =	simm.s32 @!p0 $0x1082;
	s9 =	sld [smem:$0x3FB7]  }
0x2f: {  	lr =	sadd.s32 s0, s3;
	s0 =	sld [smem:$0x3FAE]  }
0x30: {  	s3 =	sld [smem:$0x3FB1]  }
0x31: {  	[smem:$0x3FBA] =	sst s10  }
0x32: {  	s10 =	sld [smem:$0x3FB8];
	_ =	sdelay $0x3  }
0x33: {  	p0 =	seq.s32 s10, $0x1;
	s10 =	sld [smem:$0x3FBA];
	_ =	sdelay $0x3  }
0x34: {  	[smem:$0x3FBA] =	sst s10  }
0x35: {  	s10 =	sld [smem:$0x3FB9];
	_ =	sdelay $0x3  }
0x36: {  	p1 =	seq.s32 s10, $0x1;
	s10 =	sld [smem:$0x3FBA];
	_ =	sdelay $0x3  }
0x37: {  	[smem:$0x3FBA] =	sst s10  }
0x38: {  	s10 =	sld [smem:$0x3FBB]  }
0x39: {  	_ = 	snop;
	(pc) =	sbr.ind lr, $3  }
0x3a: {  	_ = 	snop  }
0x3b: {  	_ = 	snop  }
0x3c: {  	p2 =	seq.s32 s10, $0x1;
	s10 =	sld [smem:$0x3FBA]  }
0x3d: {  	_ =	shalt  }
0x3e: {  	_ =	shalt  }
0x3f: {  	_ =	shalt  }
0x40: {  	_ =	shalt  }
0x41: {  	_ =	shalt  }
0x42: {  	_ =	shalt  }
0x43: {  	_ =	shalt  }
0x44: {  	_ =	shalt  }
0x45: {  	_ =	shalt  }
0x46: {  	_ =	shalt  }
0x47: {  	_ =	shalt  }
0x48: {  	_ =	shalt  }
0x49: {  	_ =	shalt  }
0x4a: {  	_ =	shalt  }
0x4b: {  	_ =	shalt  }
0x4c: {  	_ =	shalt  }
0x4d: {  	_ =	shalt  }
0x4e: {  	_ =	shalt  }
0x4f: {  	_ =	shalt  }
0x50: {  	_ =	shalt  }
0x51: {  	_ =	shalt  }
0x52: {  	_ =	shalt  }
0x53: {  	_ =	shalt  }
0x54: {  	_ =	shalt  }
0x55: {  	_ =	shalt  }
0x56: {  	_ =	shalt  }
0x57: {  	_ =	shalt  }
0x58: {  	_ =	shalt  }
0x59: {  	_ =	shalt  }
0x5a: {  	_ =	shalt  }
0x5b: {  	_ =	shalt  }
0x5c: {  	_ =	shalt  }
0x5d: {  	_ =	shalt  }
0x5e: {  	_ =	shalt  }
0x5f: {  	_ =	shalt  }
0x60: {  	_ =	shalt  }
0x61: {  	_ =	shalt  }
0x62: {  	_ =	shalt  }
0x63: {  	_ =	shalt  }
0x64: {  	_ =	shalt  }
0x65: {  	_ =	shalt  }
0x66: {  	_ =	shalt  }
0x67: {  	_ =	shalt  }
0x68: {  	_ =	shalt  }
0x69: {  	_ =	shalt  }
0x6a: {  	_ =	shalt  }
0x6b: {  	_ =	shalt  }
0x6c: {  	_ =	shalt  }
0x6d: {  	_ =	shalt  }
0x6e: {  	_ =	shalt  }
0x6f: {  	_ =	shalt  }
0x70: {  	_ =	shalt  }
0x71: {  	_ =	shalt  }
0x72: {  	_ =	shalt  }
0x73: {  	_ =	shalt  }
0x74: {  	_ =	shalt  }
0x75: {  	_ =	shalt  }
0x76: {  	_ =	shalt  }
0x77: {  	_ =	shalt  }
0x78: {  	_ =	shalt  }
0x79: {  	_ =	shalt  }
0x7a: {  	_ =	shalt  }
0x7b: {  	_ =	shalt  }
0x7c: {  	_ =	shalt  }
0x7d: {  	_ =	shalt  }
0x7e: {  	_ =	shalt  }
0x7f: {  	_ =	shalt  }
0x80: {  	_ =	shalt  }
0x81: {  	_ =	shalt  }
0x82: {  	_ =	shalt  }
0x83: {  	_ =	shalt  }
0x84: {  	_ =	shalt  }
0x85: {  	_ =	shalt  }
0x86: {  	_ =	shalt  }
0x87: {  	_ =	shalt  }
.Lfunc_end0:
.L_simem_size_0:
called_computation_lowered:
.L_overlay_start_0:
0x88: {  	s2 =	sld [smem:$0x3FD9]  }
0x89: {  	s3 =	sld [smem:$0x3FFE];
	_ =	sdelay $0x1  }
0x8a: {  	s1 =	srdreg.scid  }
0x8b: {  	s0 =	sand.u32 $0x1, s1  }
0x8c: {  	s16 =	sshll.u32 s0, $0xA;
	s2 =	sadd.s32 s3, s2  }
0x8d: {  	s2 =	sadd.s32 s2, s16  }
0x8e: {  	[smem:$0x3FC6] =	sst s2  }
0x8f: {  	_ = 	snop  }
0x90: {  	(tm) =	ssettm $0x1  }
0x91: {  	s17 =	sld [smem:$0x3FFB];
	_ =	sdelay $0x3  }
0x92: {  	_ =	strace s17  }
0x93: {  	s2 =	sld [smem:$0x3FFC];
	_ =	sdelay $0x3  }
0x94: {  	_ =	strace s2  }
0x95: {  	s2 =	sld [smem:$0x3FFD];
	_ =	sdelay $0x3  }
0x96: {  	_ =	strace s2  }
0x97: {  	_ =	strace $0x8FFFFFFF  }
0x98: {  	s18 =	sld [smem:$0x3FDB];
	_ =	sdelay $0x1  }
0x99: {  	s19 =	simm.s32 $_scs_section_size  }
0x9a: {  	s4 =	simm.s32 $_size__tile_overlayer_lowered;
	s5 =	simm.s32 $_tile_overlayer_lowered  }
0x9b: {  	s22 =	simm.s32 $0x1BFF;
	s21 =	sshll.u32 s5, $0x1;
	s2 =	sadd.s32 s19, s18  }
0x9c: {  	s6 =	simm.s32 $0x0;
	s20 =	sshll.u32 s4, $0x1;
	s4 =	sadd.s32 s21, s2  }
0x9d: {  	[timem:s6], [sflag:s22] =	dma.local [hbm:s4], s20  }
0x9e: {  	_ =	swait.ge [sflag:s22], s20  }
0x9f: {  	s3 =	ssub.s32 $0x0, s20;
	[sflag:s22] =	ssyncset.done $0x0  }
0xa0: {  	[sflag:s22] =	ssyncadd.s32 s3;
	_ =	sdelay $0x1  }
0xa1: {  	s23 =	simm.s32 $0x1B8B  }
0xa2: {  	_ =	swait.ge [sflag:s23], $0x1  }
0xa3: {  	[sflag:s23] =	ssyncset.done $0x0  }
0xa4: {  	s25 =	simm.s32 $0x1B8E;
	s24 =	sld [smem:$0x3FFE];
	[sflag:s23] =	ssyncadd.s32 $0xFFFFFFFF  }
0xa5: {  	s26 =	simm.s32 $execute0_lowered;
	[smem:$0x3FD2] =	sst s25  }
0xa6: {  	s4 =	sshll.u32 s26, $0x1;
	_ =	strace $0x80000046;
	[dreg:$0x1] =	wrdreg $0xFFFFFFFF  }
0xa7: {  	s28 =	simm.s32 $_size_execute0_lowered;
	s2 =	sadd.s32 s2, s4;
	[dreg:$0x0] =	wrdreg $0x0  }
0xa8: {  	s4 =	sshll.u32 s28, $0x1;
	[dreg:$0x2] =	wrdreg s2  }
0xa9: {  	[dreg:$0x3] =	wrdreg s4  }
0xaa: {  	[dreg:$0x4] =	wrdreg $0xC0  }
0xab: {  	_ =	task [dreg:s6], $0x5FFFF  }
0xac: {  	[dreg:$0x1] =	wrdreg $0xFFFFFFFF  }
0xad: {  	[dreg:$0x0] =	wrdreg $0x60  }
0xae: {  	[dreg:$0x2] =	wrdreg s24  }
0xaf: {  	[dreg:$0x3] =	wrdreg $0x9  }
0xb0: {  	_ =	task.clear_ibuf [dreg:s6], $0x4FFFF;
	_ =	strace $0x90000046  }
0xb1: {  	s29 =	simm.s32 $0x9;
	_ =	strace $0x80000048  }
0xb2: {  	_ =	swait.ge [sflag:s29], $0x1  }
0xb3: {  	[sflag:s29] =	ssyncadd.s32 $0xFFFFFFFF  }
0xb4: {  	_ =	strace $0x90000048  }
0xb5: {  	_ =	sfence  }
0xb6: {  	s30 =	sld [smem:$0x0];
	_ =	sdelay $0x2  }
0xb7: {  	s31 =	sshll.u32 s1, $0xD;
	s1 =	sshrl.u32 s1, $0x2  }
0xb8: {  	s3 =	sand.u32 $0x4000, s31;
	s1 =	sadd.s32 s1, s30  }
0xb9: {  	s0 =	sor.u32 s3, s0;
	s1 =	sshll.u32 s1, $0x11  }
0xba: {  	s0 =	sor.u32 s1, s0  }
0xbb: {  	s0 =	sadd.s32 $0x8F2B, s0  }
0xbc: {  	[sflag:s0] =	ssyncadd.remote.s32 $0x1  }
0xbd: {  	_ =	sfence.sel $0xFFFF  }
0xbe: {  	[dreg:$0x0] =	wrdreg $0xFFFFFFFF;
	(pc) =	sbr.abs _section_cstart, $3  }
0xbf: {  	[dreg:$0x1] =	wrdreg $0xFFFFFFFF  }
0xc0: {  	_ =	task.clear_ibuf [dreg:s6], $0x2FFFF;
	_ =	strace $0x9FFFFFFF  }
0xc1: {  	(tm) =	ssettm $0x7FFFFFFF  }
tec
execute0_lowered:
.L_overlay_start_1:
0x0: {  	(tag) =	ssettag $0x1  }
0x1: {  	s1 =	srdreg.scid;
	s0 =	stileid.u32  }
0x2: {  	s6 =	sand.u32 $0x1, s1;
	s30 =	sshll.u32 s0, $0x1  }
0x3: {  	s8 =	rddreg [dreg:$0x0];
	s7 =	sor.u32 s6, s30  }
0x4: {  	s2 =	simm.s32 $0x0;
	s1 =	rddreg [dreg:$0x1];
	s3 =	smul.u32 $0x7, s7  }
0x5: {  	[smem:$0x7FF] =	sst s2;
	s5 =	sadd.s32 $0x482600, s8  }
0x6: {  	_ =	strace $0x80000047;
	s10 =	ssub.s32 $0x2, s6;
	s3 =	sadd.s32 s3, s8  }
0x7: {  	s6 =	simm.s32 $0x38;
	s4 =	sadd.s32 $0xE400, s3;
	s3 =	simm.s32 $0x2  }
0x8: {  	[tilespmem:s2], [sflag:$0x2] =	stream.linear.gather [hbm4b:s4+s2], $0x38, $0x38;
	[tilespmem:$0x1538] =	vst v63  }
0x9: {  	s9 =	smul.u32 $0x2A0, s7;
	s11 =	sshrl.u32 s10, $0x1;
	_ =	swait.ge [sflag:s3], $0x38  }
0xa: {  	s7 =	simm.s32 $0x1;
	s31 =	ssub.s32 s10, s11;
	[sflag:s3] =	ssyncset.done $0x0  }
0xb: {  	s8 =	sadd.s32 s9, s8;
	s9 =	smax.u32 s31, $0x1;
	[sflag:s3] =	ssyncadd.s32 $0xFFFFFFC8  }
0xc: {  	[tilespmem:s6], [sflag:$0x1] =	stream.indirect.gather [hbm4b:s5+s6], $0x60, s2, s6, $0xb8;
	[tilespmem:$0x1538] =	vst v63  }
0xd: {  	p0 =	sne.s32 s9, $0x1;
	_ =	swait.ge [sflag:s7], $0x1500  }
.Ltmp0:
0xe: {  	[sflag:s7] =	ssyncset.done $0x0;
	(pc) =	sbr.rel @!p0 .LBB2_2-.Ltmp0, $4  }
0xf: {  	s8 =	sadd.s32 $0xE600, s8;
	[sflag:s7] =	ssyncadd.s32 $0xFFFFEB00  }
0x10: {  	[hbm4b:s8+s2] =	stream.linear.scatter [tilespmem:s6], [sflag:$0x2], $0x1500, $0x38;
	[tilespmem:$0x1538] =	vst v63  }
0x11: {  	_ =	swait.ge [sflag:s3], $0x1500  }
0x12: {  	s9 =	sadd.s32 $0xFFFFFFFF, s9;
	[sflag:s3] =	ssyncset.done $0x0  }
.LBB2_1:
0x13: {  	p0 =	sne.s32 s9, $0x1;
	s9 =	sadd.s32 $0xFFFFFFFF, s9;
	[sflag:s3] =	ssyncadd.s32 $0xFFFFEB00  }
0x14: {  	[tilespmem:s2], [sflag:$0x2] =	stream.linear.gather [hbm4b:s4+s2], $0x38, $0x38;
	[tilespmem:$0x1538] =	vst v63  }
0x15: {  	_ =	swait.ge [sflag:s3], $0x38  }
0x16: {  	[sflag:s3] =	ssyncset.done $0x0  }
0x17: {  	[sflag:s3] =	ssyncadd.s32 $0xFFFFFFC8  }
0x18: {  	[tilespmem:s6], [sflag:$0x1] =	stream.indirect.gather [hbm4b:s5+s6], $0x60, s2, s6, $0xb8;
	[tilespmem:$0x1538] =	vst v63  }
0x19: {  	_ =	swait.ge [sflag:s7], $0x1500  }
.Ltmp1:
0x1a: {  	[sflag:s7] =	ssyncset.done $0x0;
	(pc) =	sbr.rel @p0 .LBB2_1-.Ltmp1, $4  }
0x1b: {  	[sflag:s7] =	ssyncadd.s32 $0xFFFFEB00  }
0x1c: {  	[hbm4b:s8+s2] =	stream.linear.scatter [tilespmem:s6], [sflag:$0x2], $0x1500, $0x38;
	[tilespmem:$0x1538] =	vst v63  }
0x1d: {  	_ =	swait.ge [sflag:s3], $0x1500  }
0x1e: {  	[sflag:s3] =	ssyncset.done $0x0  }
.LBB2_2:
0x1f: {  	[sflag:s3] =	ssyncadd.s32 $0xFFFFEB00  }
0x20: {  	_ =	sfence.sel $0x180000  }
0x21: {  	[bflag:$0x0] =	sbarrier.arrive $0xFFFF  }
0x22: {  	p0 =	sne.s32 s0, $0x0;
	_ =	strace $0x90000047  }
0x23: {  	s0 =	sadd.s32 @!p0 $0x100000, s1;
	[bflag:$0x2] =	sbarrier.arrive $0xFFFF  }
0x24: {  	[sflag:s0] =	ssyncadd.tile.s32 @!p0 $0x1;
	_ =	shalt  }
.Lfunc_end2:
_tile_overlayer_lowered:
.L_overlay_start_2:
0x25: {  	(tag) =	ssettag $0x2  }
0x26: {  	s0 =	rddreg [dreg:$0x0];
	s2 =	stileid.u32  }
0x27: {  	s1 =	rddreg [dreg:$0x1];
	p0 =	sne.s32 s2, $0x0  }
0x28: {  	s3 =	rddreg [dreg:$0x2];
	[bflag:$0x3] =	sbarrier.arrive $0xFFFF;
	s2 =	simm.s32 @!p0 $0x1C02  }
0x29: {  	[timem:s3], [sflag:s2] =	dma.local @!p0 [hbm:s0], s1  }
0x2a: {  	s0 =	simm.s32 @!p0 $0x2  }
0x2b: {  	_ =	swait.ge @!p0 [sflag:s0], s1  }
0x2c: {  	s1 =	ssub.s32 @!p0 $0x0, s1;
	[sflag:s0] =	ssyncset.done @!p0 $0x0  }
0x2d: {  	[sflag:s0] =	ssyncadd.s32 @!p0 s1  }
0x2e: {  	[bflag:$0x3] =	sbarrier.arrive $0xFFFF  }
0x2f: {  	_ =	shalt  }

</sc_bundles>
